<compile_context>
chip_gen: v7x
topology: tpu7x:2x2x1
jax: 0.10.2.dev20260603
libtpu: 0.0.44.dev20260713+nightly
codegen_flags: <defaults>
</compile_context>

<pallas_src>
import functools

import jax
import jax.numpy as jnp
import numpy as np
from jax import lax
from jax.experimental import pallas as pl
from jax.experimental.pallas import tpu as pltpu
from jax.experimental.pallas import tpu_sc as plsc

B = 8
N = 4096
NPOINT = 1024
NSAMPLE = 32
RADIUS2 = float(np.float32(0.4) * np.float32(0.4))
SENT = int(np.float32(RADIUS2).view(np.int32))

QBLK = 256
MBLK = 256
TBLK = 1024

NW = 32
ROWS_PER_W = (B * NPOINT * NSAMPLE) // NW
CHUNK = 128
GRP = 8


def _axpy3(x3, w3xc):
    acc = x3[:, 0:1] * w3xc[0:1, :]
    acc = acc + x3[:, 1:2] * w3xc[1:2, :]
    acc = acc + x3[:, 2:3] * w3xc[2:3, :]
    return acc


def _l1_table_body(x_ref, p_ref, w1a_ref, w1b_ref, o_ref):
    o_ref[...] = _axpy3(x_ref[...], w1a_ref[...]) + jnp.dot(
        p_ref[...], w1b_ref[...], preferred_element_type=jnp.float32
    )


def _psum_mxu(mask):
    n = mask.shape[1]
    r = lax.broadcasted_iota(jnp.int32, (128, 128), 0)
    c = lax.broadcasted_iota(jnp.int32, (128, 128), 1)
    u = jnp.where(r <= c, 1.0, 0.0).astype(jnp.bfloat16)
    xf = jnp.where(mask, 1.0, 0.0).astype(jnp.bfloat16)
    pieces = []
    off = None
    for ci in range(n // 128):
        pc = jnp.dot(
            xf[:, ci * 128 : (ci + 1) * 128],
            u,
            preferred_element_type=jnp.float32,
        )
        if off is not None:
            pc = pc + off
        pieces.append(pc)
        off = pc[:, 127:128]
    return jnp.concatenate(pieces, axis=1)


def _ball_query_body(nx_ref, xt_ref, o_ref):
    nx = nx_ref[0]
    xt = xt_ref[0]
    d2 = (nx[:, 0:1] - xt[0:1, :]) ** 2
    d2 = d2 + (nx[:, 1:2] - xt[1:2, :]) ** 2
    d2 = d2 + (nx[:, 2:3] - xt[2:3, :]) ** 2
    bits = lax.bitcast_convert_type(d2, jnp.int32)
    bits = jnp.where(d2 < RADIUS2, bits, SENT)

    lo0 = jnp.full((QBLK, 1), -1, jnp.int32)
    hi0 = jnp.full((QBLK, 1), SENT, jnp.int32)

    def bs_body(_, c):
        lo, hi = c
        mid = (lo + hi) // 2
        cnt = jnp.sum((bits <= mid).astype(jnp.int32), axis=1, keepdims=True)
        ge = cnt >= NSAMPLE
        return jnp.where(ge, lo, mid), jnp.where(ge, mid, hi)

    lo, hi = lax.fori_loop(0, 30, bs_body, (lo0, hi0))
    t = hi

    lt = bits < t
    tie = (bits == t) & (t < SENT)
    cum_lt = _psum_mxu(lt)
    cum_tie = _psum_mxu(tie)
    c_lt = cum_lt[:, N - 1 : N]
    need = NSAMPLE - c_lt
    sel_rank = cum_lt + jnp.minimum(cum_tie, need)
    cnt = sel_rank[:, N - 1 : N]

    first = None
    cols = []
    for s in range(NSAMPLE):
        pos = jnp.sum(
            (sel_rank <= float(s)).astype(jnp.int32), axis=1, keepdims=True
        )
        if s == 0:
            first = pos
            cols.append(pos)
        else:
            cols.append(jnp.where(cnt >= float(s + 1), pos, first))
    out = jnp.concatenate(cols, axis=1)
    o_ref[0] = out + pl.program_id(0) * N


def _mlp_max_body(g_ref, nx_ref, w1a_ref, w2_ref, w3_ref, o_ref):
    bq = _axpy3(nx_ref[...], w1a_ref[...])
    acc = None
    for s in range(NSAMPLE):
        h = jnp.maximum(g_ref[s] - bq, 0.0)
        h = jnp.maximum(
            jnp.dot(h, w2_ref[...], preferred_element_type=jnp.float32), 0.0
        )
        h = jnp.maximum(
            jnp.dot(h, w3_ref[...], preferred_element_type=jnp.float32), 0.0
        )
        acc = h if acc is None else jnp.maximum(acc, h)
    o_ref[...] = acc


def _sc_gather(table, idx):
    n_chunks = ROWS_PER_W // CHUNK
    grp2 = GRP // 2
    n_grps = n_chunks // grp2
    mesh = plsc.VectorSubcoreMesh(core_axis_name="c", subcore_axis_name="s")

    @functools.partial(
        pl.kernel,
        mesh=mesh,
        out_type=jax.ShapeDtypeStruct((NW * n_chunks, CHUNK, 64), jnp.float32),
        scratch_types=[
            pltpu.VMEM((n_chunks, CHUNK), jnp.int32),
            pltpu.VMEM((2, grp2, CHUNK, 64), jnp.float32),
            pltpu.SemaphoreType.DMA,
            pltpu.SemaphoreType.DMA,
        ],
        compiler_params=pltpu.CompilerParams(use_tc_tiling_on_sc=False),
    )
    def k(table_hbm, idx_hbm, out_hbm, idx_v, rows_v, sem0, sem1):
        wid = lax.axis_index("s") * 2 + lax.axis_index("c")
        pltpu.sync_copy(idx_hbm.at[wid], idx_v)
        sems = (sem0, sem1)

        def cp(g, p, j):
            return pltpu.make_async_copy(
                table_hbm.at[idx_v.at[g * grp2 + j]], rows_v.at[p, j], sems[p]
            )

        def fire(g, p):
            for j in range(grp2):
                cp(g, p, j).start()

        def flush(g, p):
            for j in range(grp2):
                cp(g, p, j).wait()
            pltpu.sync_copy(
                rows_v.at[p], out_hbm.at[pl.ds(wid * n_chunks + g * grp2, grp2)]
            )

        fire(0, 0)

        def pair_body(i, _):
            g0 = 2 * i
            fire(g0 + 1, 1)
            flush(g0, 0)

            @pl.when(i < n_grps // 2 - 1)
            def _():
                fire(g0 + 2, 0)

            flush(g0 + 1, 1)
            return ()

        lax.fori_loop(0, n_grps // 2, pair_body, ())

    return k(table, idx)


def kernel(xyz, points, W1, W2, W3):
    f32 = jnp.float32
    perm = jax.random.permutation(jax.random.key(42), N)[:NPOINT]
    new_xyz = jnp.take(xyz, perm, axis=1)

    W1a = W1[:3]
    W1b = W1[3:]

    xyz_flat = xyz.reshape(B * N, 3)
    pts_flat = points.reshape(B * N, 64)
    table = pl.pallas_call(
        _l1_table_body,
        grid=(B * N // TBLK,),
        in_specs=[
            pl.BlockSpec((TBLK, 3), lambda i: (i, 0)),
            pl.BlockSpec((TBLK, 64), lambda i: (i, 0)),
            pl.BlockSpec((3, 64), lambda i: (0, 0)),
            pl.BlockSpec((64, 64), lambda i: (0, 0)),
        ],
        out_specs=pl.BlockSpec((TBLK, 64), lambda i: (i, 0)),
        out_shape=jax.ShapeDtypeStruct((B * N, 64), f32),
    )(xyz_flat, pts_flat, W1a, W1b)

    xyzT = xyz.transpose(0, 2, 1)
    idx = pl.pallas_call(
        _ball_query_body,
        grid=(B, NPOINT // QBLK),
        in_specs=[
            pl.BlockSpec((1, QBLK, 3), lambda b, j: (b, j, 0)),
            pl.BlockSpec((1, 3, N), lambda b, j: (b, 0, 0)),
        ],
        out_specs=pl.BlockSpec((1, QBLK, NSAMPLE), lambda b, j: (b, j, 0)),
        out_shape=jax.ShapeDtypeStruct((B, NPOINT, NSAMPLE), jnp.int32),
    )(new_xyz, xyzT)

    nq = B * NPOINT
    idx_t = idx.reshape(nq, NSAMPLE).T
    idx_sc = idx_t.reshape(NW, ROWS_PER_W // CHUNK, CHUNK)
    g = _sc_gather(table, idx_sc)
    g = g.reshape(NSAMPLE, nq, 64)

    nx_flat = new_xyz.reshape(nq, 3)
    out = pl.pallas_call(
        _mlp_max_body,
        grid=(nq // MBLK,),
        in_specs=[
            pl.BlockSpec((NSAMPLE, MBLK, 64), lambda i: (0, i, 0)),
            pl.BlockSpec((MBLK, 3), lambda i: (i, 0)),
            pl.BlockSpec((3, 64), lambda i: (0, 0)),
            pl.BlockSpec((64, 64), lambda i: (0, 0)),
            pl.BlockSpec((64, 128), lambda i: (0, 0)),
        ],
        out_specs=pl.BlockSpec((MBLK, 128), lambda i: (i, 0)),
        out_shape=jax.ShapeDtypeStruct((nq, 128), f32),
    )(g, nx_flat, W1a, W2, W3)

    return (new_xyz, out.reshape(B, NPOINT, 128))

# --- scband reference (transcript-rebuilt; emitter-appended) ---
"""Pipeline reference for scband-pointnet-sa-6227702580013 (READ-ONLY COPY).

The authoritative reference and input builder live on the scoring server;
editing this copy changes nothing except your own understanding.
"""

import jax, jax.numpy as jnp
import numpy as np

NPOINT = 1024
RADIUS = 0.4
NSAMPLE = 32
INT32_MAX = np.int32(np.iinfo(np.int32).max)


def setup_inputs(seed: int = 0) -> dict:
    key = jax.random.key(seed)
    k1, k2, k3, k4, k5 = jax.random.split(key, 5)
    xyz = jax.random.uniform(k1, (8, 4096, 3), dtype=jnp.float32)
    points = jax.random.normal(k2, (8, 4096, 64), dtype=jnp.float32)
    # 1x1 conv weights == dense matmuls over channel dim; first in_ch = 3 + 64 = 67
    W1 = jax.random.normal(k3, (67, 64), dtype=jnp.float32) * 0.1
    W2 = jax.random.normal(k4, (64, 64), dtype=jnp.float32) * 0.1
    W3 = jax.random.normal(k5, (64, 128), dtype=jnp.float32) * 0.1
    return {"xyz": xyz, "points": points, "W1": W1, "W2": W2, "W3": W3}


def _gather_batch(x, idx):
    # tf.gather(x, idx, batch_dims=1)
    return jax.vmap(lambda a, i: a[i])(x, idx)


def reference(xyz, points, W1, W2, W3):
    b, n, _ = xyz.shape
    # uniform_sampling: same random permutation shared across batch (tf.random.shuffle of tiled range)
    perm = jax.random.permutation(jax.random.key(42), n)[:NPOINT]
    fps_inds = jnp.broadcast_to(perm[None, :], (b, NPOINT))
    new_xyz = _gather_batch(xyz, fps_inds)  # [b, npoint, 3]
    # query_ball_point
    diff = new_xyz[:, :, None, :] - xyz[:, None, :, :]  # [b, npoint, n, 3]
    dists = jnp.sqrt(jnp.sum(diff * diff, axis=-1))  # [b, npoint, n]
    order = jnp.argsort(dists, axis=-1)[:, :, :NSAMPLE].astype(jnp.int32)
    corr = jnp.take_along_axis(dists, order, axis=-1)
    valid = corr < RADIUS
    idx_m = jnp.where(valid, order, INT32_MAX)
    sidx = jnp.sort(idx_m, axis=-1)
    sidx = jnp.where(valid, sidx, sidx[:, :, :1])  # self point (dist 0) guarantees a valid first idx
    gidx = sidx
    # group
    grouped_xyz = _gather_batch(xyz, gidx) - new_xyz[:, :, None, :]  # [b, npoint, nsample, 3]
    grouped_points = _gather_batch(points, gidx)  # [b, npoint, nsample, 64]
    new_points = jnp.concatenate([grouped_xyz, grouped_points], axis=-1)  # [b, npoint, nsample, 67]
    # pointwise MLP (1x1 convs, relu, bn=False)
    for W in (W1, W2, W3):
        new_points = jax.nn.relu(new_points @ W)
    new_points = jnp.max(new_points, axis=2)  # [b, npoint, 128]
    return (new_xyz, new_points)

if __name__ == "__main__":
    import jax
    _d = setup_inputs()
    print(jax.jit(kernel)(*tuple(_d.values())))

</pallas_src>

<mosaic_0001>
#map = affine_map<(d0, d1) -> (0, 0)>
#map1 = affine_map<(d0, d1) -> (0, 0, 0)>
module attributes {stable_mosaic.version = 14 : i64} {
  func.func @k(%arg0: i32, %arg1: i32, %arg2: memref<32768x64xf32, #tpu.memory_space<hbm>>, %arg3: memref<32x64x128xi32, #tpu.memory_space<hbm>>, %arg4: memref<2048x128x64xf32, #tpu.memory_space<hbm>>, %arg5: memref<64x128xi32, #tpu.memory_space<vmem>>, %arg6: memref<2x4x128x64xf32, #tpu.memory_space<vmem>>, %arg7: memref<!tpu.dma_semaphore, #tpu.memory_space<semaphore_mem>>, %arg8: memref<!tpu.dma_semaphore, #tpu.memory_space<semaphore_mem>>) attributes {dimension_semantics = [#tpu.dimension_semantics<core_parallel>, #tpu.dimension_semantics<subcore_parallel>], iteration_bounds = array<i64: 2, 16>, scalar_prefetch = 0 : i64, scratch_operands = 4 : i64, tpu.core_type = #tpu.core_type<sc_vector_subcore>, window_params = [{transform_indices = #map}, {transform_indices = #map1}, {transform_indices = #map1}]} {
    %mul3A = arith.constant 2 : i32
    %mul3A_0 = arith.muli %arg1, %mul3A : i32
    %add3A = arith.addi %mul3A_0, %arg0 : i32
    "tpu.region"() ({
      %run_scoped3A = tpu.sem_alloc : memref<!tpu.dma_semaphore, #tpu.memory_space<semaphore_mem>>
      %dma_start3A_56 = arith.constant 0 : i32
      %dma_start3A_57 = arith.constant 0 : i32
      %dma_start3A_58 = tpu.memref_slice %arg3[%add3A, %dma_start3A_56, %dma_start3A_57] : memref<32x64x128xi32, #tpu.memory_space<hbm>> -> memref<1x64x128xi32, #tpu.memory_space<hbm>>
      %dma_start3A_59 = tpu.memref_squeeze %dma_start3A_58 : memref<1x64x128xi32, #tpu.memory_space<hbm>> -> memref<64x128xi32, #tpu.memory_space<hbm>>
      %dma_start3A_60 = arith.constant 0 : i32
      %dma_start3A_61 = arith.constant 0 : i32
      %dma_start3A_62 = tpu.memref_slice %arg3[%add3A, %dma_start3A_60, %dma_start3A_61] : memref<32x64x128xi32, #tpu.memory_space<hbm>> -> memref<1x64x128xi32, #tpu.memory_space<hbm>>
      %dma_start3A_63 = tpu.memref_squeeze %dma_start3A_62 : memref<1x64x128xi32, #tpu.memory_space<hbm>> -> memref<64x128xi32, #tpu.memory_space<hbm>>
      tpu.enqueue_dma source(%dma_start3A_63 : memref<64x128xi32, #tpu.memory_space<hbm>>) target(%arg5 : memref<64x128xi32, #tpu.memory_space<vmem>>) target_semaphore(%run_scoped3A : memref<!tpu.dma_semaphore, #tpu.memory_space<semaphore_mem>>)
      %dma_wait3A = arith.constant 0 : i32
      %dma_wait3A_64 = arith.constant 0 : i32
      %dma_wait3A_65 = tpu.memref_slice %arg3[%add3A, %dma_wait3A, %dma_wait3A_64] : memref<32x64x128xi32, #tpu.memory_space<hbm>> -> memref<1x64x128xi32, #tpu.memory_space<hbm>>
      %dma_wait3A_66 = tpu.memref_squeeze %dma_wait3A_65 : memref<1x64x128xi32, #tpu.memory_space<hbm>> -> memref<64x128xi32, #tpu.memory_space<hbm>>
      %dma_wait3A_67 = arith.constant 0 : i32
      %dma_wait3A_68 = arith.constant 0 : i32
      %dma_wait3A_69 = tpu.memref_slice %arg3[%add3A, %dma_wait3A_67, %dma_wait3A_68] : memref<32x64x128xi32, #tpu.memory_space<hbm>> -> memref<1x64x128xi32, #tpu.memory_space<hbm>>
      %dma_wait3A_70 = tpu.memref_squeeze %dma_wait3A_69 : memref<1x64x128xi32, #tpu.memory_space<hbm>> -> memref<64x128xi32, #tpu.memory_space<hbm>>
      tpu.wait_dma2 semaphore(%run_scoped3A : memref<!tpu.dma_semaphore, #tpu.memory_space<semaphore_mem>>) src(%dma_wait3A_70 : memref<64x128xi32, #tpu.memory_space<hbm>>) dst(%arg5 : memref<64x128xi32, #tpu.memory_space<vmem>>)
      tpu.yield
    }) : () -> ()
    %dma_start3A = arith.constant 0 : i32
    %dma_start3A_1 = arith.constant 0 : i32
    %dma_start3A_2 = arith.constant 0 : i32
    %dma_start3A_3 = arith.constant 0 : i32
    %dma_start3A_4 = arith.constant 0 : i32
    %dma_start3A_5 = tpu.memref_slice %arg6[%dma_start3A_1, %dma_start3A_2, %dma_start3A_3, %dma_start3A_4] : memref<2x4x128x64xf32, #tpu.memory_space<vmem>> -> memref<1x1x128x64xf32, #tpu.memory_space<vmem>>
    %dma_start3A_6 = tpu.memref_squeeze %dma_start3A_5 : memref<1x1x128x64xf32, #tpu.memory_space<vmem>> -> memref<128x64xf32, #tpu.memory_space<vmem>>
    %dma_start3A_7 = arith.constant 0 : i32
    %dma_start3A_8 = tpu.memref_slice %arg5[%dma_start3A, %dma_start3A_7] : memref<64x128xi32, #tpu.memory_space<vmem>> -> memref<1x128xi32, #tpu.memory_space<vmem>>
    %dma_start3A_9 = tpu.memref_squeeze %dma_start3A_8 : memref<1x128xi32, #tpu.memory_space<vmem>> -> memref<128xi32, #tpu.memory_space<vmem>>
    %dma_start3A_10 = arith.constant 0 : i32
    %dma_start3A_11 = arith.constant 0 : i32
    %dma_start3A_12 = tpu.memref_slice %arg2[%dma_start3A_10, %dma_start3A_11] : memref<32768x64xf32, #tpu.memory_space<hbm>> -> memref<32768x64xf32, #tpu.memory_space<hbm>>
    tpu.enqueue_indirect_dma source(%dma_start3A_12 : memref<32768x64xf32, #tpu.memory_space<hbm>>) target(%dma_start3A_6 : memref<128x64xf32, #tpu.memory_space<vmem>>) offsets(%dma_start3A_9 : memref<128xi32, #tpu.memory_space<vmem>>) semaphore(%arg7 : memref<!tpu.dma_semaphore, #tpu.memory_space<semaphore_mem>>)
    %dma_start3A_13 = arith.constant 1 : i32
    %dma_start3A_14 = arith.constant 0 : i32
    %dma_start3A_15 = arith.constant 1 : i32
    %dma_start3A_16 = arith.constant 0 : i32
    %dma_start3A_17 = arith.constant 0 : i32
    %dma_start3A_18 = tpu.memref_slice %arg6[%dma_start3A_14, %dma_start3A_15, %dma_start3A_16, %dma_start3A_17] : memref<2x4x128x64xf32, #tpu.memory_space<vmem>> -> memref<1x1x128x64xf32, #tpu.memory_space<vmem>>
    %dma_start3A_19 = tpu.memref_squeeze %dma_start3A_18 : memref<1x1x128x64xf32, #tpu.memory_space<vmem>> -> memref<128x64xf32, #tpu.memory_space<vmem>>
    %dma_start3A_20 = arith.constant 0 : i32
    %dma_start3A_21 = tpu.memref_slice %arg5[%dma_start3A_13, %dma_start3A_20] : memref<64x128xi32, #tpu.memory_space<vmem>> -> memref<1x128xi32, #tpu.memory_space<vmem>>
    %dma_start3A_22 = tpu.memref_squeeze %dma_start3A_21 : memref<1x128xi32, #tpu.memory_space<vmem>> -> memref<128xi32, #tpu.memory_space<vmem>>
    %dma_start3A_23 = arith.constant 0 : i32
    %dma_start3A_24 = arith.constant 0 : i32
    %dma_start3A_25 = tpu.memref_slice %arg2[%dma_start3A_23, %dma_start3A_24] : memref<32768x64xf32, #tpu.memory_space<hbm>> -> memref<32768x64xf32, #tpu.memory_space<hbm>>
    tpu.enqueue_indirect_dma source(%dma_start3A_25 : memref<32768x64xf32, #tpu.memory_space<hbm>>) target(%dma_start3A_19 : memref<128x64xf32, #tpu.memory_space<vmem>>) offsets(%dma_start3A_22 : memref<128xi32, #tpu.memory_space<vmem>>) semaphore(%arg7 : memref<!tpu.dma_semaphore, #tpu.memory_space<semaphore_mem>>)
    %dma_start3A_26 = arith.constant 2 : i32
    %dma_start3A_27 = arith.constant 0 : i32
    %dma_start3A_28 = arith.constant 2 : i32
    %dma_start3A_29 = arith.constant 0 : i32
    %dma_start3A_30 = arith.constant 0 : i32
    %dma_start3A_31 = tpu.memref_slice %arg6[%dma_start3A_27, %dma_start3A_28, %dma_start3A_29, %dma_start3A_30] : memref<2x4x128x64xf32, #tpu.memory_space<vmem>> -> memref<1x1x128x64xf32, #tpu.memory_space<vmem>>
    %dma_start3A_32 = tpu.memref_squeeze %dma_start3A_31 : memref<1x1x128x64xf32, #tpu.memory_space<vmem>> -> memref<128x64xf32, #tpu.memory_space<vmem>>
    %dma_start3A_33 = arith.constant 0 : i32
    %dma_start3A_34 = tpu.memref_slice %arg5[%dma_start3A_26, %dma_start3A_33] : memref<64x128xi32, #tpu.memory_space<vmem>> -> memref<1x128xi32, #tpu.memory_space<vmem>>
    %dma_start3A_35 = tpu.memref_squeeze %dma_start3A_34 : memref<1x128xi32, #tpu.memory_space<vmem>> -> memref<128xi32, #tpu.memory_space<vmem>>
    %dma_start3A_36 = arith.constant 0 : i32
    %dma_start3A_37 = arith.constant 0 : i32
    %dma_start3A_38 = tpu.memref_slice %arg2[%dma_start3A_36, %dma_start3A_37] : memref<32768x64xf32, #tpu.memory_space<hbm>> -> memref<32768x64xf32, #tpu.memory_space<hbm>>
    tpu.enqueue_indirect_dma source(%dma_start3A_38 : memref<32768x64xf32, #tpu.memory_space<hbm>>) target(%dma_start3A_32 : memref<128x64xf32, #tpu.memory_space<vmem>>) offsets(%dma_start3A_35 : memref<128xi32, #tpu.memory_space<vmem>>) semaphore(%arg7 : memref<!tpu.dma_semaphore, #tpu.memory_space<semaphore_mem>>)
    %dma_start3A_39 = arith.constant 3 : i32
    %dma_start3A_40 = arith.constant 0 : i32
    %dma_start3A_41 = arith.constant 3 : i32
    %dma_start3A_42 = arith.constant 0 : i32
    %dma_start3A_43 = arith.constant 0 : i32
    %dma_start3A_44 = tpu.memref_slice %arg6[%dma_start3A_40, %dma_start3A_41, %dma_start3A_42, %dma_start3A_43] : memref<2x4x128x64xf32, #tpu.memory_space<vmem>> -> memref<1x1x128x64xf32, #tpu.memory_space<vmem>>
    %dma_start3A_45 = tpu.memref_squeeze %dma_start3A_44 : memref<1x1x128x64xf32, #tpu.memory_space<vmem>> -> memref<128x64xf32, #tpu.memory_space<vmem>>
    %dma_start3A_46 = arith.constant 0 : i32
    %dma_start3A_47 = tpu.memref_slice %arg5[%dma_start3A_39, %dma_start3A_46] : memref<64x128xi32, #tpu.memory_space<vmem>> -> memref<1x128xi32, #tpu.memory_space<vmem>>
    %dma_start3A_48 = tpu.memref_squeeze %dma_start3A_47 : memref<1x128xi32, #tpu.memory_space<vmem>> -> memref<128xi32, #tpu.memory_space<vmem>>
    %dma_start3A_49 = arith.constant 0 : i32
    %dma_start3A_50 = arith.constant 0 : i32
    %dma_start3A_51 = tpu.memref_slice %arg2[%dma_start3A_49, %dma_start3A_50] : memref<32768x64xf32, #tpu.memory_space<hbm>> -> memref<32768x64xf32, #tpu.memory_space<hbm>>
    tpu.enqueue_indirect_dma source(%dma_start3A_51 : memref<32768x64xf32, #tpu.memory_space<hbm>>) target(%dma_start3A_45 : memref<128x64xf32, #tpu.memory_space<vmem>>) offsets(%dma_start3A_48 : memref<128xi32, #tpu.memory_space<vmem>>) semaphore(%arg7 : memref<!tpu.dma_semaphore, #tpu.memory_space<semaphore_mem>>)
    %scan3A = arith.constant 0 : i32
    %scan3A_52 = arith.constant 8 : i32
    %scan3A_53 = arith.addi %scan3A, %scan3A_52 : i32
    %scan3A_54 = arith.constant 1 : i32
    scf.for %scan3A_56 = %scan3A to %scan3A_53 step %scan3A_54  : i32 {
      %mul3A_57 = arith.constant 2 : i32
      %mul3A_58 = arith.muli %mul3A_57, %scan3A_56 : i32
      %add3A_59 = arith.constant 1 : i32
      %add3A_60 = arith.addi %mul3A_58, %add3A_59 : i32
      %mul3A_61 = arith.constant 4 : i32
      %mul3A_62 = arith.muli %add3A_60, %mul3A_61 : i32
      %add3A_63 = arith.constant 0 : i32
      %add3A_64 = arith.addi %mul3A_62, %add3A_63 : i32
      %dma_start3A_65 = arith.constant 1 : i32
      %dma_start3A_66 = arith.constant 0 : i32
      %dma_start3A_67 = arith.constant 0 : i32
      %dma_start3A_68 = arith.constant 0 : i32
      %dma_start3A_69 = tpu.memref_slice %arg6[%dma_start3A_65, %dma_start3A_66, %dma_start3A_67, %dma_start3A_68] : memref<2x4x128x64xf32, #tpu.memory_space<vmem>> -> memref<1x1x128x64xf32, #tpu.memory_space<vmem>>
      %dma_start3A_70 = tpu.memref_squeeze %dma_start3A_69 : memref<1x1x128x64xf32, #tpu.memory_space<vmem>> -> memref<128x64xf32, #tpu.memory_space<vmem>>
      %dma_start3A_71 = arith.constant 0 : i32
      %dma_start3A_72 = tpu.memref_slice %arg5[%add3A_64, %dma_start3A_71] : memref<64x128xi32, #tpu.memory_space<vmem>> -> memref<1x128xi32, #tpu.memory_space<vmem>>
      %dma_start3A_73 = tpu.memref_squeeze %dma_start3A_72 : memref<1x128xi32, #tpu.memory_space<vmem>> -> memref<128xi32, #tpu.memory_space<vmem>>
      %dma_start3A_74 = arith.constant 0 : i32
      %dma_start3A_75 = arith.constant 0 : i32
      %dma_start3A_76 = tpu.memref_slice %arg2[%dma_start3A_74, %dma_start3A_75] : memref<32768x64xf32, #tpu.memory_space<hbm>> -> memref<32768x64xf32, #tpu.memory_space<hbm>>
      tpu.enqueue_indirect_dma source(%dma_start3A_76 : memref<32768x64xf32, #tpu.memory_space<hbm>>) target(%dma_start3A_70 : memref<128x64xf32, #tpu.memory_space<vmem>>) offsets(%dma_start3A_73 : memref<128xi32, #tpu.memory_space<vmem>>) semaphore(%arg8 : memref<!tpu.dma_semaphore, #tpu.memory_space<semaphore_mem>>)
      %mul3A_77 = arith.constant 4 : i32
      %mul3A_78 = arith.muli %add3A_60, %mul3A_77 : i32
      %add3A_79 = arith.constant 1 : i32
      %add3A_80 = arith.addi %mul3A_78, %add3A_79 : i32
      %dma_start3A_81 = arith.constant 1 : i32
      %dma_start3A_82 = arith.constant 1 : i32
      %dma_start3A_83 = arith.constant 0 : i32
      %dma_start3A_84 = arith.constant 0 : i32
      %dma_start3A_85 = tpu.memref_slice %arg6[%dma_start3A_81, %dma_start3A_82, %dma_start3A_83, %dma_start3A_84] : memref<2x4x128x64xf32, #tpu.memory_space<vmem>> -> memref<1x1x128x64xf32, #tpu.memory_space<vmem>>
      %dma_start3A_86 = tpu.memref_squeeze %dma_start3A_85 : memref<1x1x128x64xf32, #tpu.memory_space<vmem>> -> memref<128x64xf32, #tpu.memory_space<vmem>>
      %dma_start3A_87 = arith.constant 0 : i32
      %dma_start3A_88 = tpu.memref_slice %arg5[%add3A_80, %dma_start3A_87] : memref<64x128xi32, #tpu.memory_space<vmem>> -> memref<1x128xi32, #tpu.memory_space<vmem>>
      %dma_start3A_89 = tpu.memref_squeeze %dma_start3A_88 : memref<1x128xi32, #tpu.memory_space<vmem>> -> memref<128xi32, #tpu.memory_space<vmem>>
      %dma_start3A_90 = arith.constant 0 : i32
      %dma_start3A_91 = arith.constant 0 : i32
      %dma_start3A_92 = tpu.memref_slice %arg2[%dma_start3A_90, %dma_start3A_91] : memref<32768x64xf32, #tpu.memory_space<hbm>> -> memref<32768x64xf32, #tpu.memory_space<hbm>>
      tpu.enqueue_indirect_dma source(%dma_start3A_92 : memref<32768x64xf32, #tpu.memory_space<hbm>>) target(%dma_start3A_86 : memref<128x64xf32, #tpu.memory_space<vmem>>) offsets(%dma_start3A_89 : memref<128xi32, #tpu.memory_space<vmem>>) semaphore(%arg8 : memref<!tpu.dma_semaphore, #tpu.memory_space<semaphore_mem>>)
      %mul3A_93 = arith.constant 4 : i32
      %mul3A_94 = arith.muli %add3A_60, %mul3A_93 : i32
      %add3A_95 = arith.constant 2 : i32
      %add3A_96 = arith.addi %mul3A_94, %add3A_95 : i32
      %dma_start3A_97 = arith.constant 1 : i32
      %dma_start3A_98 = arith.constant 2 : i32
      %dma_start3A_99 = arith.constant 0 : i32
      %dma_start3A_100 = arith.constant 0 : i32
      %dma_start3A_101 = tpu.memref_slice %arg6[%dma_start3A_97, %dma_start3A_98, %dma_start3A_99, %dma_start3A_100] : memref<2x4x128x64xf32, #tpu.memory_space<vmem>> -> memref<1x1x128x64xf32, #tpu.memory_space<vmem>>
      %dma_start3A_102 = tpu.memref_squeeze %dma_start3A_101 : memref<1x1x128x64xf32, #tpu.memory_space<vmem>> -> memref<128x64xf32, #tpu.memory_space<vmem>>
      %dma_start3A_103 = arith.constant 0 : i32
      %dma_start3A_104 = tpu.memref_slice %arg5[%add3A_96, %dma_start3A_103] : memref<64x128xi32, #tpu.memory_space<vmem>> -> memref<1x128xi32, #tpu.memory_space<vmem>>
      %dma_start3A_105 = tpu.memref_squeeze %dma_start3A_104 : memref<1x128xi32, #tpu.memory_space<vmem>> -> memref<128xi32, #tpu.memory_space<vmem>>
      %dma_start3A_106 = arith.constant 0 : i32
      %dma_start3A_107 = arith.constant 0 : i32
      %dma_start3A_108 = tpu.memref_slice %arg2[%dma_start3A_106, %dma_start3A_107] : memref<32768x64xf32, #tpu.memory_space<hbm>> -> memref<32768x64xf32, #tpu.memory_space<hbm>>
      tpu.enqueue_indirect_dma source(%dma_start3A_108 : memref<32768x64xf32, #tpu.memory_space<hbm>>) target(%dma_start3A_102 : memref<128x64xf32, #tpu.memory_space<vmem>>) offsets(%dma_start3A_105 : memref<128xi32, #tpu.memory_space<vmem>>) semaphore(%arg8 : memref<!tpu.dma_semaphore, #tpu.memory_space<semaphore_mem>>)
      %mul3A_109 = arith.constant 4 : i32
      %mul3A_110 = arith.muli %add3A_60, %mul3A_109 : i32
      %add3A_111 = arith.constant 3 : i32
      %add3A_112 = arith.addi %mul3A_110, %add3A_111 : i32
      %dma_start3A_113 = arith.constant 1 : i32
      %dma_start3A_114 = arith.constant 3 : i32
      %dma_start3A_115 = arith.constant 0 : i32
      %dma_start3A_116 = arith.constant 0 : i32
      %dma_start3A_117 = tpu.memref_slice %arg6[%dma_start3A_113, %dma_start3A_114, %dma_start3A_115, %dma_start3A_116] : memref<2x4x128x64xf32, #tpu.memory_space<vmem>> -> memref<1x1x128x64xf32, #tpu.memory_space<vmem>>
      %dma_start3A_118 = tpu.memref_squeeze %dma_start3A_117 : memref<1x1x128x64xf32, #tpu.memory_space<vmem>> -> memref<128x64xf32, #tpu.memory_space<vmem>>
      %dma_start3A_119 = arith.constant 0 : i32
      %dma_start3A_120 = tpu.memref_slice %arg5[%add3A_112, %dma_start3A_119] : memref<64x128xi32, #tpu.memory_space<vmem>> -> memref<1x128xi32, #tpu.memory_space<vmem>>
      %dma_start3A_121 = tpu.memref_squeeze %dma_start3A_120 : memref<1x128xi32, #tpu.memory_space<vmem>> -> memref<128xi32, #tpu.memory_space<vmem>>
      %dma_start3A_122 = arith.constant 0 : i32
      %dma_start3A_123 = arith.constant 0 : i32
      %dma_start3A_124 = tpu.memref_slice %arg2[%dma_start3A_122, %dma_start3A_123] : memref<32768x64xf32, #tpu.memory_space<hbm>> -> memref<32768x64xf32, #tpu.memory_space<hbm>>
      tpu.enqueue_indirect_dma source(%dma_start3A_124 : memref<32768x64xf32, #tpu.memory_space<hbm>>) target(%dma_start3A_118 : memref<128x64xf32, #tpu.memory_space<vmem>>) offsets(%dma_start3A_121 : memref<128xi32, #tpu.memory_space<vmem>>) semaphore(%arg8 : memref<!tpu.dma_semaphore, #tpu.memory_space<semaphore_mem>>)
      %mul3A_125 = arith.constant 4 : i32
      %mul3A_126 = arith.muli %mul3A_58, %mul3A_125 : i32
      %add3A_127 = arith.constant 0 : i32
      %add3A_128 = arith.addi %mul3A_126, %add3A_127 : i32
      %dma_wait3A = arith.constant 0 : i32
      %dma_wait3A_129 = arith.constant 0 : i32
      %dma_wait3A_130 = arith.constant 0 : i32
      %dma_wait3A_131 = arith.constant 0 : i32
      %dma_wait3A_132 = tpu.memref_slice %arg6[%dma_wait3A, %dma_wait3A_129, %dma_wait3A_130, %dma_wait3A_131] : memref<2x4x128x64xf32, #tpu.memory_space<vmem>> -> memref<1x1x128x64xf32, #tpu.memory_space<vmem>>
      %dma_wait3A_133 = tpu.memref_squeeze %dma_wait3A_132 : memref<1x1x128x64xf32, #tpu.memory_space<vmem>> -> memref<128x64xf32, #tpu.memory_space<vmem>>
      %dma_wait3A_134 = arith.constant 0 : i32
      %dma_wait3A_135 = tpu.memref_slice %arg5[%add3A_128, %dma_wait3A_134] : memref<64x128xi32, #tpu.memory_space<vmem>> -> memref<1x128xi32, #tpu.memory_space<vmem>>
      %dma_wait3A_136 = tpu.memref_squeeze %dma_wait3A_135 : memref<1x128xi32, #tpu.memory_space<vmem>> -> memref<128xi32, #tpu.memory_space<vmem>>
      %dma_wait3A_137 = arith.constant 0 : i32
      %dma_wait3A_138 = arith.constant 0 : i32
      %dma_wait3A_139 = tpu.memref_slice %arg2[%dma_wait3A_137, %dma_wait3A_138] : memref<32768x64xf32, #tpu.memory_space<hbm>> -> memref<32768x64xf32, #tpu.memory_space<hbm>>
      tpu.wait_indirect_dma semaphore(%arg7 : memref<!tpu.dma_semaphore, #tpu.memory_space<semaphore_mem>>) src(%dma_wait3A_139 : memref<32768x64xf32, #tpu.memory_space<hbm>>) dst(%dma_wait3A_133 : memref<128x64xf32, #tpu.memory_space<vmem>>)
      %mul3A_140 = arith.constant 4 : i32
      %mul3A_141 = arith.muli %mul3A_58, %mul3A_140 : i32
      %add3A_142 = arith.constant 1 : i32
      %add3A_143 = arith.addi %mul3A_141, %add3A_142 : i32
      %dma_wait3A_144 = arith.constant 0 : i32
      %dma_wait3A_145 = arith.constant 1 : i32
      %dma_wait3A_146 = arith.constant 0 : i32
      %dma_wait3A_147 = arith.constant 0 : i32
      %dma_wait3A_148 = tpu.memref_slice %arg6[%dma_wait3A_144, %dma_wait3A_145, %dma_wait3A_146, %dma_wait3A_147] : memref<2x4x128x64xf32, #tpu.memory_space<vmem>> -> memref<1x1x128x64xf32, #tpu.memory_space<vmem>>
      %dma_wait3A_149 = tpu.memref_squeeze %dma_wait3A_148 : memref<1x1x128x64xf32, #tpu.memory_space<vmem>> -> memref<128x64xf32, #tpu.memory_space<vmem>>
      %dma_wait3A_150 = arith.constant 0 : i32
      %dma_wait3A_151 = tpu.memref_slice %arg5[%add3A_143, %dma_wait3A_150] : memref<64x128xi32, #tpu.memory_space<vmem>> -> memref<1x128xi32, #tpu.memory_space<vmem>>
      %dma_wait3A_152 = tpu.memref_squeeze %dma_wait3A_151 : memref<1x128xi32, #tpu.memory_space<vmem>> -> memref<128xi32, #tpu.memory_space<vmem>>
      %dma_wait3A_153 = arith.constant 0 : i32
      %dma_wait3A_154 = arith.constant 0 : i32
      %dma_wait3A_155 = tpu.memref_slice %arg2[%dma_wait3A_153, %dma_wait3A_154] : memref<32768x64xf32, #tpu.memory_space<hbm>> -> memref<32768x64xf32, #tpu.memory_space<hbm>>
      tpu.wait_indirect_dma semaphore(%arg7 : memref<!tpu.dma_semaphore, #tpu.memory_space<semaphore_mem>>) src(%dma_wait3A_155 : memref<32768x64xf32, #tpu.memory_space<hbm>>) dst(%dma_wait3A_149 : memref<128x64xf32, #tpu.memory_space<vmem>>)
      %mul3A_156 = arith.constant 4 : i32
      %mul3A_157 = arith.muli %mul3A_58, %mul3A_156 : i32
      %add3A_158 = arith.constant 2 : i32
      %add3A_159 = arith.addi %mul3A_157, %add3A_158 : i32
      %dma_wait3A_160 = arith.constant 0 : i32
      %dma_wait3A_161 = arith.constant 2 : i32
      %dma_wait3A_162 = arith.constant 0 : i32
      %dma_wait3A_163 = arith.constant 0 : i32
      %dma_wait3A_164 = tpu.memref_slice %arg6[%dma_wait3A_160, %dma_wait3A_161, %dma_wait3A_162, %dma_wait3A_163] : memref<2x4x128x64xf32, #tpu.memory_space<vmem>> -> memref<1x1x128x64xf32, #tpu.memory_space<vmem>>
      %dma_wait3A_165 = tpu.memref_squeeze %dma_wait3A_164 : memref<1x1x128x64xf32, #tpu.memory_space<vmem>> -> memref<128x64xf32, #tpu.memory_space<vmem>>
      %dma_wait3A_166 = arith.constant 0 : i32
      %dma_wait3A_167 = tpu.memref_slice %arg5[%add3A_159, %dma_wait3A_166] : memref<64x128xi32, #tpu.memory_space<vmem>> -> memref<1x128xi32, #tpu.memory_space<vmem>>
      %dma_wait3A_168 = tpu.memref_squeeze %dma_wait3A_167 : memref<1x128xi32, #tpu.memory_space<vmem>> -> memref<128xi32, #tpu.memory_space<vmem>>
      %dma_wait3A_169 = arith.constant 0 : i32
      %dma_wait3A_170 = arith.constant 0 : i32
      %dma_wait3A_171 = tpu.memref_slice %arg2[%dma_wait3A_169, %dma_wait3A_170] : memref<32768x64xf32, #tpu.memory_space<hbm>> -> memref<32768x64xf32, #tpu.memory_space<hbm>>
      tpu.wait_indirect_dma semaphore(%arg7 : memref<!tpu.dma_semaphore, #tpu.memory_space<semaphore_mem>>) src(%dma_wait3A_171 : memref<32768x64xf32, #tpu.memory_space<hbm>>) dst(%dma_wait3A_165 : memref<128x64xf32, #tpu.memory_space<vmem>>)
      %mul3A_172 = arith.constant 4 : i32
      %mul3A_173 = arith.muli %mul3A_58, %mul3A_172 : i32
      %add3A_174 = arith.constant 3 : i32
      %add3A_175 = arith.addi %mul3A_173, %add3A_174 : i32
      %dma_wait3A_176 = arith.constant 0 : i32
      %dma_wait3A_177 = arith.constant 3 : i32
      %dma_wait3A_178 = arith.constant 0 : i32
      %dma_wait3A_179 = arith.constant 0 : i32
      %dma_wait3A_180 = tpu.memref_slice %arg6[%dma_wait3A_176, %dma_wait3A_177, %dma_wait3A_178, %dma_wait3A_179] : memref<2x4x128x64xf32, #tpu.memory_space<vmem>> -> memref<1x1x128x64xf32, #tpu.memory_space<vmem>>
      %dma_wait3A_181 = tpu.memref_squeeze %dma_wait3A_180 : memref<1x1x128x64xf32, #tpu.memory_space<vmem>> -> memref<128x64xf32, #tpu.memory_space<vmem>>
      %dma_wait3A_182 = arith.constant 0 : i32
      %dma_wait3A_183 = tpu.memref_slice %arg5[%add3A_175, %dma_wait3A_182] : memref<64x128xi32, #tpu.memory_space<vmem>> -> memref<1x128xi32, #tpu.memory_space<vmem>>
      %dma_wait3A_184 = tpu.memref_squeeze %dma_wait3A_183 : memref<1x128xi32, #tpu.memory_space<vmem>> -> memref<128xi32, #tpu.memory_space<vmem>>
      %dma_wait3A_185 = arith.constant 0 : i32
      %dma_wait3A_186 = arith.constant 0 : i32
      %dma_wait3A_187 = tpu.memref_slice %arg2[%dma_wait3A_185, %dma_wait3A_186] : memref<32768x64xf32, #tpu.memory_space<hbm>> -> memref<32768x64xf32, #tpu.memory_space<hbm>>
      tpu.wait_indirect_dma semaphore(%arg7 : memref<!tpu.dma_semaphore, #tpu.memory_space<semaphore_mem>>) src(%dma_wait3A_187 : memref<32768x64xf32, #tpu.memory_space<hbm>>) dst(%dma_wait3A_181 : memref<128x64xf32, #tpu.memory_space<vmem>>)
      %mul3A_188 = arith.constant 64 : i32
      %mul3A_189 = arith.muli %add3A, %mul3A_188 : i32
      %mul3A_190 = arith.constant 4 : i32
      %mul3A_191 = arith.muli %mul3A_58, %mul3A_190 : i32
      %add3A_192 = arith.addi %mul3A_189, %mul3A_191 : i32
      %run_scoped3A = arith.constant 0 : i32
      "tpu.region"() ({
        %run_scoped3A_267 = tpu.sem_alloc : memref<!tpu.dma_semaphore, #tpu.memory_space<semaphore_mem>>
        %dma_start3A_268 = arith.constant 0 : i32
        %dma_start3A_269 = arith.constant 0 : i32
        %dma_start3A_270 = arith.constant 0 : i32
        %dma_start3A_271 = tpu.memref_slice %arg6[%run_scoped3A, %dma_start3A_268, %dma_start3A_269, %dma_start3A_270] : memref<2x4x128x64xf32, #tpu.memory_space<vmem>> -> memref<1x4x128x64xf32, #tpu.memory_space<vmem>>
        %dma_start3A_272 = tpu.memref_squeeze %dma_start3A_271 : memref<1x4x128x64xf32, #tpu.memory_space<vmem>> -> memref<4x128x64xf32, #tpu.memory_space<vmem>>
        %dma_start3A_273 = arith.constant 0 : i32
        %dma_start3A_274 = arith.constant 0 : i32
        %dma_start3A_275 = tpu.memref_slice %arg4[%add3A_192, %dma_start3A_273, %dma_start3A_274] : memref<2048x128x64xf32, #tpu.memory_space<hbm>> -> memref<4x128x64xf32, #tpu.memory_space<hbm>>
        %dma_start3A_276 = arith.constant 0 : i32
        %dma_start3A_277 = arith.constant 0 : i32
        %dma_start3A_278 = tpu.memref_slice %arg4[%add3A_192, %dma_start3A_276, %dma_start3A_277] : memref<2048x128x64xf32, #tpu.memory_space<hbm>> -> memref<4x128x64xf32, #tpu.memory_space<hbm>>
        %dma_start3A_279 = arith.constant 0 : i32
        %dma_start3A_280 = arith.constant 0 : i32
        %dma_start3A_281 = arith.constant 0 : i32
        %dma_start3A_282 = tpu.memref_slice %arg6[%run_scoped3A, %dma_start3A_279, %dma_start3A_280, %dma_start3A_281] : memref<2x4x128x64xf32, #tpu.memory_space<vmem>> -> memref<1x4x128x64xf32, #tpu.memory_space<vmem>>
        %dma_start3A_283 = tpu.memref_squeeze %dma_start3A_282 : memref<1x4x128x64xf32, #tpu.memory_space<vmem>> -> memref<4x128x64xf32, #tpu.memory_space<vmem>>
        tpu.enqueue_dma source(%dma_start3A_283 : memref<4x128x64xf32, #tpu.memory_space<vmem>>) target(%dma_start3A_278 : memref<4x128x64xf32, #tpu.memory_space<hbm>>) target_semaphore(%run_scoped3A_267 : memref<!tpu.dma_semaphore, #tpu.memory_space<semaphore_mem>>)
        %dma_wait3A_284 = arith.constant 0 : i32
        %dma_wait3A_285 = arith.constant 0 : i32
        %dma_wait3A_286 = arith.constant 0 : i32
        %dma_wait3A_287 = tpu.memref_slice %arg6[%run_scoped3A, %dma_wait3A_284, %dma_wait3A_285, %dma_wait3A_286] : memref<2x4x128x64xf32, #tpu.memory_space<vmem>> -> memref<1x4x128x64xf32, #tpu.memory_space<vmem>>
        %dma_wait3A_288 = tpu.memref_squeeze %dma_wait3A_287 : memref<1x4x128x64xf32, #tpu.memory_space<vmem>> -> memref<4x128x64xf32, #tpu.memory_space<vmem>>
        %dma_wait3A_289 = arith.constant 0 : i32
        %dma_wait3A_290 = arith.constant 0 : i32
        %dma_wait3A_291 = tpu.memref_slice %arg4[%add3A_192, %dma_wait3A_289, %dma_wait3A_290] : memref<2048x128x64xf32, #tpu.memory_space<hbm>> -> memref<4x128x64xf32, #tpu.memory_space<hbm>>
        %dma_wait3A_292 = arith.constant 0 : i32
        %dma_wait3A_293 = arith.constant 0 : i32
        %dma_wait3A_294 = tpu.memref_slice %arg4[%add3A_192, %dma_wait3A_292, %dma_wait3A_293] : memref<2048x128x64xf32, #tpu.memory_space<hbm>> -> memref<4x128x64xf32, #tpu.memory_space<hbm>>
        %dma_wait3A_295 = arith.constant 0 : i32
        %dma_wait3A_296 = arith.constant 0 : i32
        %dma_wait3A_297 = arith.constant 0 : i32
        %dma_wait3A_298 = tpu.memref_slice %arg6[%run_scoped3A, %dma_wait3A_295, %dma_wait3A_296, %dma_wait3A_297] : memref<2x4x128x64xf32, #tpu.memory_space<vmem>> -> memref<1x4x128x64xf32, #tpu.memory_space<vmem>>
        %dma_wait3A_299 = tpu.memref_squeeze %dma_wait3A_298 : memref<1x4x128x64xf32, #tpu.memory_space<vmem>> -> memref<4x128x64xf32, #tpu.memory_space<vmem>>
        tpu.wait_dma2 semaphore(%run_scoped3A_267 : memref<!tpu.dma_semaphore, #tpu.memory_space<semaphore_mem>>) src(%dma_wait3A_299 : memref<4x128x64xf32, #tpu.memory_space<vmem>>) dst(%dma_wait3A_294 : memref<4x128x64xf32, #tpu.memory_space<hbm>>)
        tpu.yield
      }) : () -> ()
      %lt3A = arith.constant 7 : i32
      %lt3A_193 = arith.cmpi slt, %scan3A_56, %lt3A : i32
      %convert_element_type3A = arith.extui %lt3A_193 : i1 to i32
      %cond3A = arith.constant 0 : i32
      %cond3A_194 = arith.cmpi ne, %convert_element_type3A, %cond3A : i32
      scf.if %cond3A_194 {
        %add3A_267 = arith.constant 2 : i32
        %add3A_268 = arith.addi %mul3A_58, %add3A_267 : i32
        %mul3A_269 = arith.constant 4 : i32
        %mul3A_270 = arith.muli %add3A_268, %mul3A_269 : i32
        %add3A_271 = arith.constant 0 : i32
        %add3A_272 = arith.addi %mul3A_270, %add3A_271 : i32
        %dma_start3A_273 = arith.constant 0 : i32
        %dma_start3A_274 = arith.constant 0 : i32
        %dma_start3A_275 = arith.constant 0 : i32
        %dma_start3A_276 = arith.constant 0 : i32
        %dma_start3A_277 = tpu.memref_slice %arg6[%dma_start3A_273, %dma_start3A_274, %dma_start3A_275, %dma_start3A_276] : memref<2x4x128x64xf32, #tpu.memory_space<vmem>> -> memref<1x1x128x64xf32, #tpu.memory_space<vmem>>
        %dma_start3A_278 = tpu.memref_squeeze %dma_start3A_277 : memref<1x1x128x64xf32, #tpu.memory_space<vmem>> -> memref<128x64xf32, #tpu.memory_space<vmem>>
        %dma_start3A_279 = arith.constant 0 : i32
        %dma_start3A_280 = tpu.memref_slice %arg5[%add3A_272, %dma_start3A_279] : memref<64x128xi32, #tpu.memory_space<vmem>> -> memref<1x128xi32, #tpu.memory_space<vmem>>
        %dma_start3A_281 = tpu.memref_squeeze %dma_start3A_280 : memref<1x128xi32, #tpu.memory_space<vmem>> -> memref<128xi32, #tpu.memory_space<vmem>>
        %dma_start3A_282 = arith.constant 0 : i32
        %dma_start3A_283 = arith.constant 0 : i32
        %dma_start3A_284 = tpu.memref_slice %arg2[%dma_start3A_282, %dma_start3A_283] : memref<32768x64xf32, #tpu.memory_space<hbm>> -> memref<32768x64xf32, #tpu.memory_space<hbm>>
        tpu.enqueue_indirect_dma source(%dma_start3A_284 : memref<32768x64xf32, #tpu.memory_space<hbm>>) target(%dma_start3A_278 : memref<128x64xf32, #tpu.memory_space<vmem>>) offsets(%dma_start3A_281 : memref<128xi32, #tpu.memory_space<vmem>>) semaphore(%arg7 : memref<!tpu.dma_semaphore, #tpu.memory_space<semaphore_mem>>)
        %mul3A_285 = arith.constant 4 : i32
        %mul3A_286 = arith.muli %add3A_268, %mul3A_285 : i32
        %add3A_287 = arith.constant 1 : i32
        %add3A_288 = arith.addi %mul3A_286, %add3A_287 : i32
        %dma_start3A_289 = arith.constant 0 : i32
        %dma_start3A_290 = arith.constant 1 : i32
        %dma_start3A_291 = arith.constant 0 : i32
        %dma_start3A_292 = arith.constant 0 : i32
        %dma_start3A_293 = tpu.memref_slice %arg6[%dma_start3A_289, %dma_start3A_290, %dma_start3A_291, %dma_start3A_292] : memref<2x4x128x64xf32, #tpu.memory_space<vmem>> -> memref<1x1x128x64xf32, #tpu.memory_space<vmem>>
        %dma_start3A_294 = tpu.memref_squeeze %dma_start3A_293 : memref<1x1x128x64xf32, #tpu.memory_space<vmem>> -> memref<128x64xf32, #tpu.memory_space<vmem>>
        %dma_start3A_295 = arith.constant 0 : i32
        %dma_start3A_296 = tpu.memref_slice %arg5[%add3A_288, %dma_start3A_295] : memref<64x128xi32, #tpu.memory_space<vmem>> -> memref<1x128xi32, #tpu.memory_space<vmem>>
        %dma_start3A_297 = tpu.memref_squeeze %dma_start3A_296 : memref<1x128xi32, #tpu.memory_space<vmem>> -> memref<128xi32, #tpu.memory_space<vmem>>
        %dma_start3A_298 = arith.constant 0 : i32
        %dma_start3A_299 = arith.constant 0 : i32
        %dma_start3A_300 = tpu.memref_slice %arg2[%dma_start3A_298, %dma_start3A_299] : memref<32768x64xf32, #tpu.memory_space<hbm>> -> memref<32768x64xf32, #tpu.memory_space<hbm>>
        tpu.enqueue_indirect_dma source(%dma_start3A_300 : memref<32768x64xf32, #tpu.memory_space<hbm>>) target(%dma_start3A_294 : memref<128x64xf32, #tpu.memory_space<vmem>>) offsets(%dma_start3A_297 : memref<128xi32, #tpu.memory_space<vmem>>) semaphore(%arg7 : memref<!tpu.dma_semaphore, #tpu.memory_space<semaphore_mem>>)
        %mul3A_301 = arith.constant 4 : i32
        %mul3A_302 = arith.muli %add3A_268, %mul3A_301 : i32
        %add3A_303 = arith.constant 2 : i32
        %add3A_304 = arith.addi %mul3A_302, %add3A_303 : i32
        %dma_start3A_305 = arith.constant 0 : i32
        %dma_start3A_306 = arith.constant 2 : i32
        %dma_start3A_307 = arith.constant 0 : i32
        %dma_start3A_308 = arith.constant 0 : i32
        %dma_start3A_309 = tpu.memref_slice %arg6[%dma_start3A_305, %dma_start3A_306, %dma_start3A_307, %dma_start3A_308] : memref<2x4x128x64xf32, #tpu.memory_space<vmem>> -> memref<1x1x128x64xf32, #tpu.memory_space<vmem>>
        %dma_start3A_310 = tpu.memref_squeeze %dma_start3A_309 : memref<1x1x128x64xf32, #tpu.memory_space<vmem>> -> memref<128x64xf32, #tpu.memory_space<vmem>>
        %dma_start3A_311 = arith.constant 0 : i32
        %dma_start3A_312 = tpu.memref_slice %arg5[%add3A_304, %dma_start3A_311] : memref<64x128xi32, #tpu.memory_space<vmem>> -> memref<1x128xi32, #tpu.memory_space<vmem>>
        %dma_start3A_313 = tpu.memref_squeeze %dma_start3A_312 : memref<1x128xi32, #tpu.memory_space<vmem>> -> memref<128xi32, #tpu.memory_space<vmem>>
        %dma_start3A_314 = arith.constant 0 : i32
        %dma_start3A_315 = arith.constant 0 : i32
        %dma_start3A_316 = tpu.memref_slice %arg2[%dma_start3A_314, %dma_start3A_315] : memref<32768x64xf32, #tpu.memory_space<hbm>> -> memref<32768x64xf32, #tpu.memory_space<hbm>>
        tpu.enqueue_indirect_dma source(%dma_start3A_316 : memref<32768x64xf32, #tpu.memory_space<hbm>>) target(%dma_start3A_310 : memref<128x64xf32, #tpu.memory_space<vmem>>) offsets(%dma_start3A_313 : memref<128xi32, #tpu.memory_space<vmem>>) semaphore(%arg7 : memref<!tpu.dma_semaphore, #tpu.memory_space<semaphore_mem>>)
        %mul3A_317 = arith.constant 4 : i32
        %mul3A_318 = arith.muli %add3A_268, %mul3A_317 : i32
        %add3A_319 = arith.constant 3 : i32
        %add3A_320 = arith.addi %mul3A_318, %add3A_319 : i32
        %dma_start3A_321 = arith.constant 0 : i32
        %dma_start3A_322 = arith.constant 3 : i32
        %dma_start3A_323 = arith.constant 0 : i32
        %dma_start3A_324 = arith.constant 0 : i32
        %dma_start3A_325 = tpu.memref_slice %arg6[%dma_start3A_321, %dma_start3A_322, %dma_start3A_323, %dma_start3A_324] : memref<2x4x128x64xf32, #tpu.memory_space<vmem>> -> memref<1x1x128x64xf32, #tpu.memory_space<vmem>>
        %dma_start3A_326 = tpu.memref_squeeze %dma_start3A_325 : memref<1x1x128x64xf32, #tpu.memory_space<vmem>> -> memref<128x64xf32, #tpu.memory_space<vmem>>
        %dma_start3A_327 = arith.constant 0 : i32
        %dma_start3A_328 = tpu.memref_slice %arg5[%add3A_320, %dma_start3A_327] : memref<64x128xi32, #tpu.memory_space<vmem>> -> memref<1x128xi32, #tpu.memory_space<vmem>>
        %dma_start3A_329 = tpu.memref_squeeze %dma_start3A_328 : memref<1x128xi32, #tpu.memory_space<vmem>> -> memref<128xi32, #tpu.memory_space<vmem>>
        %dma_start3A_330 = arith.constant 0 : i32
        %dma_start3A_331 = arith.constant 0 : i32
        %dma_start3A_332 = tpu.memref_slice %arg2[%dma_start3A_330, %dma_start3A_331] : memref<32768x64xf32, #tpu.memory_space<hbm>> -> memref<32768x64xf32, #tpu.memory_space<hbm>>
        tpu.enqueue_indirect_dma source(%dma_start3A_332 : memref<32768x64xf32, #tpu.memory_space<hbm>>) target(%dma_start3A_326 : memref<128x64xf32, #tpu.memory_space<vmem>>) offsets(%dma_start3A_329 : memref<128xi32, #tpu.memory_space<vmem>>) semaphore(%arg7 : memref<!tpu.dma_semaphore, #tpu.memory_space<semaphore_mem>>)
      } else {
      }
      %add3A_195 = arith.constant 1 : i32
      %add3A_196 = arith.addi %mul3A_58, %add3A_195 : i32
      %mul3A_197 = arith.constant 4 : i32
      %mul3A_198 = arith.muli %add3A_196, %mul3A_197 : i32
      %add3A_199 = arith.constant 0 : i32
      %add3A_200 = arith.addi %mul3A_198, %add3A_199 : i32
      %dma_wait3A_201 = arith.constant 1 : i32
      %dma_wait3A_202 = arith.constant 0 : i32
      %dma_wait3A_203 = arith.constant 0 : i32
      %dma_wait3A_204 = arith.constant 0 : i32
      %dma_wait3A_205 = tpu.memref_slice %arg6[%dma_wait3A_201, %dma_wait3A_202, %dma_wait3A_203, %dma_wait3A_204] : memref<2x4x128x64xf32, #tpu.memory_space<vmem>> -> memref<1x1x128x64xf32, #tpu.memory_space<vmem>>
      %dma_wait3A_206 = tpu.memref_squeeze %dma_wait3A_205 : memref<1x1x128x64xf32, #tpu.memory_space<vmem>> -> memref<128x64xf32, #tpu.memory_space<vmem>>
      %dma_wait3A_207 = arith.constant 0 : i32
      %dma_wait3A_208 = tpu.memref_slice %arg5[%add3A_200, %dma_wait3A_207] : memref<64x128xi32, #tpu.memory_space<vmem>> -> memref<1x128xi32, #tpu.memory_space<vmem>>
      %dma_wait3A_209 = tpu.memref_squeeze %dma_wait3A_208 : memref<1x128xi32, #tpu.memory_space<vmem>> -> memref<128xi32, #tpu.memory_space<vmem>>
      %dma_wait3A_210 = arith.constant 0 : i32
      %dma_wait3A_211 = arith.constant 0 : i32
      %dma_wait3A_212 = tpu.memref_slice %arg2[%dma_wait3A_210, %dma_wait3A_211] : memref<32768x64xf32, #tpu.memory_space<hbm>> -> memref<32768x64xf32, #tpu.memory_space<hbm>>
      tpu.wait_indirect_dma semaphore(%arg8 : memref<!tpu.dma_semaphore, #tpu.memory_space<semaphore_mem>>) src(%dma_wait3A_212 : memref<32768x64xf32, #tpu.memory_space<hbm>>) dst(%dma_wait3A_206 : memref<128x64xf32, #tpu.memory_space<vmem>>)
      %mul3A_213 = arith.constant 4 : i32
      %mul3A_214 = arith.muli %add3A_196, %mul3A_213 : i32
      %add3A_215 = arith.constant 1 : i32
      %add3A_216 = arith.addi %mul3A_214, %add3A_215 : i32
      %dma_wait3A_217 = arith.constant 1 : i32
      %dma_wait3A_218 = arith.constant 1 : i32
      %dma_wait3A_219 = arith.constant 0 : i32
      %dma_wait3A_220 = arith.constant 0 : i32
      %dma_wait3A_221 = tpu.memref_slice %arg6[%dma_wait3A_217, %dma_wait3A_218, %dma_wait3A_219, %dma_wait3A_220] : memref<2x4x128x64xf32, #tpu.memory_space<vmem>> -> memref<1x1x128x64xf32, #tpu.memory_space<vmem>>
      %dma_wait3A_222 = tpu.memref_squeeze %dma_wait3A_221 : memref<1x1x128x64xf32, #tpu.memory_space<vmem>> -> memref<128x64xf32, #tpu.memory_space<vmem>>
      %dma_wait3A_223 = arith.constant 0 : i32
      %dma_wait3A_224 = tpu.memref_slice %arg5[%add3A_216, %dma_wait3A_223] : memref<64x128xi32, #tpu.memory_space<vmem>> -> memref<1x128xi32, #tpu.memory_space<vmem>>
      %dma_wait3A_225 = tpu.memref_squeeze %dma_wait3A_224 : memref<1x128xi32, #tpu.memory_space<vmem>> -> memref<128xi32, #tpu.memory_space<vmem>>
      %dma_wait3A_226 = arith.constant 0 : i32
      %dma_wait3A_227 = arith.constant 0 : i32
      %dma_wait3A_228 = tpu.memref_slice %arg2[%dma_wait3A_226, %dma_wait3A_227] : memref<32768x64xf32, #tpu.memory_space<hbm>> -> memref<32768x64xf32, #tpu.memory_space<hbm>>
      tpu.wait_indirect_dma semaphore(%arg8 : memref<!tpu.dma_semaphore, #tpu.memory_space<semaphore_mem>>) src(%dma_wait3A_228 : memref<32768x64xf32, #tpu.memory_space<hbm>>) dst(%dma_wait3A_222 : memref<128x64xf32, #tpu.memory_space<vmem>>)
      %mul3A_229 = arith.constant 4 : i32
      %mul3A_230 = arith.muli %add3A_196, %mul3A_229 : i32
      %add3A_231 = arith.constant 2 : i32
      %add3A_232 = arith.addi %mul3A_230, %add3A_231 : i32
      %dma_wait3A_233 = arith.constant 1 : i32
      %dma_wait3A_234 = arith.constant 2 : i32
      %dma_wait3A_235 = arith.constant 0 : i32
      %dma_wait3A_236 = arith.constant 0 : i32
      %dma_wait3A_237 = tpu.memref_slice %arg6[%dma_wait3A_233, %dma_wait3A_234, %dma_wait3A_235, %dma_wait3A_236] : memref<2x4x128x64xf32, #tpu.memory_space<vmem>> -> memref<1x1x128x64xf32, #tpu.memory_space<vmem>>
      %dma_wait3A_238 = tpu.memref_squeeze %dma_wait3A_237 : memref<1x1x128x64xf32, #tpu.memory_space<vmem>> -> memref<128x64xf32, #tpu.memory_space<vmem>>
      %dma_wait3A_239 = arith.constant 0 : i32
      %dma_wait3A_240 = tpu.memref_slice %arg5[%add3A_232, %dma_wait3A_239] : memref<64x128xi32, #tpu.memory_space<vmem>> -> memref<1x128xi32, #tpu.memory_space<vmem>>
      %dma_wait3A_241 = tpu.memref_squeeze %dma_wait3A_240 : memref<1x128xi32, #tpu.memory_space<vmem>> -> memref<128xi32, #tpu.memory_space<vmem>>
      %dma_wait3A_242 = arith.constant 0 : i32
      %dma_wait3A_243 = arith.constant 0 : i32
      %dma_wait3A_244 = tpu.memref_slice %arg2[%dma_wait3A_242, %dma_wait3A_243] : memref<32768x64xf32, #tpu.memory_space<hbm>> -> memref<32768x64xf32, #tpu.memory_space<hbm>>
      tpu.wait_indirect_dma semaphore(%arg8 : memref<!tpu.dma_semaphore, #tpu.memory_space<semaphore_mem>>) src(%dma_wait3A_244 : memref<32768x64xf32, #tpu.memory_space<hbm>>) dst(%dma_wait3A_238 : memref<128x64xf32, #tpu.memory_space<vmem>>)
      %mul3A_245 = arith.constant 4 : i32
      %mul3A_246 = arith.muli %add3A_196, %mul3A_245 : i32
      %add3A_247 = arith.constant 3 : i32
      %add3A_248 = arith.addi %mul3A_246, %add3A_247 : i32
      %dma_wait3A_249 = arith.constant 1 : i32
      %dma_wait3A_250 = arith.constant 3 : i32
      %dma_wait3A_251 = arith.constant 0 : i32
      %dma_wait3A_252 = arith.constant 0 : i32
      %dma_wait3A_253 = tpu.memref_slice %arg6[%dma_wait3A_249, %dma_wait3A_250, %dma_wait3A_251, %dma_wait3A_252] : memref<2x4x128x64xf32, #tpu.memory_space<vmem>> -> memref<1x1x128x64xf32, #tpu.memory_space<vmem>>
      %dma_wait3A_254 = tpu.memref_squeeze %dma_wait3A_253 : memref<1x1x128x64xf32, #tpu.memory_space<vmem>> -> memref<128x64xf32, #tpu.memory_space<vmem>>
      %dma_wait3A_255 = arith.constant 0 : i32
      %dma_wait3A_256 = tpu.memref_slice %arg5[%add3A_248, %dma_wait3A_255] : memref<64x128xi32, #tpu.memory_space<vmem>> -> memref<1x128xi32, #tpu.memory_space<vmem>>
      %dma_wait3A_257 = tpu.memref_squeeze %dma_wait3A_256 : memref<1x128xi32, #tpu.memory_space<vmem>> -> memref<128xi32, #tpu.memory_space<vmem>>
      %dma_wait3A_258 = arith.constant 0 : i32
      %dma_wait3A_259 = arith.constant 0 : i32
      %dma_wait3A_260 = tpu.memref_slice %arg2[%dma_wait3A_258, %dma_wait3A_259] : memref<32768x64xf32, #tpu.memory_space<hbm>> -> memref<32768x64xf32, #tpu.memory_space<hbm>>
      tpu.wait_indirect_dma semaphore(%arg8 : memref<!tpu.dma_semaphore, #tpu.memory_space<semaphore_mem>>) src(%dma_wait3A_260 : memref<32768x64xf32, #tpu.memory_space<hbm>>) dst(%dma_wait3A_254 : memref<128x64xf32, #tpu.memory_space<vmem>>)
      %mul3A_261 = arith.constant 64 : i32
      %mul3A_262 = arith.muli %add3A, %mul3A_261 : i32
      %mul3A_263 = arith.constant 4 : i32
      %mul3A_264 = arith.muli %add3A_196, %mul3A_263 : i32
      %add3A_265 = arith.addi %mul3A_262, %mul3A_264 : i32
      %run_scoped3A_266 = arith.constant 1 : i32
      "tpu.region"() ({
        %run_scoped3A_267 = tpu.sem_alloc : memref<!tpu.dma_semaphore, #tpu.memory_space<semaphore_mem>>
        %dma_start3A_268 = arith.constant 0 : i32
        %dma_start3A_269 = arith.constant 0 : i32
        %dma_start3A_270 = arith.constant 0 : i32
        %dma_start3A_271 = tpu.memref_slice %arg6[%run_scoped3A_266, %dma_start3A_268, %dma_start3A_269, %dma_start3A_270] : memref<2x4x128x64xf32, #tpu.memory_space<vmem>> -> memref<1x4x128x64xf32, #tpu.memory_space<vmem>>
        %dma_start3A_272 = tpu.memref_squeeze %dma_start3A_271 : memref<1x4x128x64xf32, #tpu.memory_space<vmem>> -> memref<4x128x64xf32, #tpu.memory_space<vmem>>
        %dma_start3A_273 = arith.constant 0 : i32
        %dma_start3A_274 = arith.constant 0 : i32
        %dma_start3A_275 = tpu.memref_slice %arg4[%add3A_265, %dma_start3A_273, %dma_start3A_274] : memref<2048x128x64xf32, #tpu.memory_space<hbm>> -> memref<4x128x64xf32, #tpu.memory_space<hbm>>
        %dma_start3A_276 = arith.constant 0 : i32
        %dma_start3A_277 = arith.constant 0 : i32
        %dma_start3A_278 = tpu.memref_slice %arg4[%add3A_265, %dma_start3A_276, %dma_start3A_277] : memref<2048x128x64xf32, #tpu.memory_space<hbm>> -> memref<4x128x64xf32, #tpu.memory_space<hbm>>
        %dma_start3A_279 = arith.constant 0 : i32
        %dma_start3A_280 = arith.constant 0 : i32
        %dma_start3A_281 = arith.constant 0 : i32
        %dma_start3A_282 = tpu.memref_slice %arg6[%run_scoped3A_266, %dma_start3A_279, %dma_start3A_280, %dma_start3A_281] : memref<2x4x128x64xf32, #tpu.memory_space<vmem>> -> memref<1x4x128x64xf32, #tpu.memory_space<vmem>>
        %dma_start3A_283 = tpu.memref_squeeze %dma_start3A_282 : memref<1x4x128x64xf32, #tpu.memory_space<vmem>> -> memref<4x128x64xf32, #tpu.memory_space<vmem>>
        tpu.enqueue_dma source(%dma_start3A_283 : memref<4x128x64xf32, #tpu.memory_space<vmem>>) target(%dma_start3A_278 : memref<4x128x64xf32, #tpu.memory_space<hbm>>) target_semaphore(%run_scoped3A_267 : memref<!tpu.dma_semaphore, #tpu.memory_space<semaphore_mem>>)
        %dma_wait3A_284 = arith.constant 0 : i32
        %dma_wait3A_285 = arith.constant 0 : i32
        %dma_wait3A_286 = arith.constant 0 : i32
        %dma_wait3A_287 = tpu.memref_slice %arg6[%run_scoped3A_266, %dma_wait3A_284, %dma_wait3A_285, %dma_wait3A_286] : memref<2x4x128x64xf32, #tpu.memory_space<vmem>> -> memref<1x4x128x64xf32, #tpu.memory_space<vmem>>
        %dma_wait3A_288 = tpu.memref_squeeze %dma_wait3A_287 : memref<1x4x128x64xf32, #tpu.memory_space<vmem>> -> memref<4x128x64xf32, #tpu.memory_space<vmem>>
        %dma_wait3A_289 = arith.constant 0 : i32
        %dma_wait3A_290 = arith.constant 0 : i32
        %dma_wait3A_291 = tpu.memref_slice %arg4[%add3A_265, %dma_wait3A_289, %dma_wait3A_290] : memref<2048x128x64xf32, #tpu.memory_space<hbm>> -> memref<4x128x64xf32, #tpu.memory_space<hbm>>
        %dma_wait3A_292 = arith.constant 0 : i32
        %dma_wait3A_293 = arith.constant 0 : i32
        %dma_wait3A_294 = tpu.memref_slice %arg4[%add3A_265, %dma_wait3A_292, %dma_wait3A_293] : memref<2048x128x64xf32, #tpu.memory_space<hbm>> -> memref<4x128x64xf32, #tpu.memory_space<hbm>>
        %dma_wait3A_295 = arith.constant 0 : i32
        %dma_wait3A_296 = arith.constant 0 : i32
        %dma_wait3A_297 = arith.constant 0 : i32
        %dma_wait3A_298 = tpu.memref_slice %arg6[%run_scoped3A_266, %dma_wait3A_295, %dma_wait3A_296, %dma_wait3A_297] : memref<2x4x128x64xf32, #tpu.memory_space<vmem>> -> memref<1x4x128x64xf32, #tpu.memory_space<vmem>>
        %dma_wait3A_299 = tpu.memref_squeeze %dma_wait3A_298 : memref<1x4x128x64xf32, #tpu.memory_space<vmem>> -> memref<4x128x64xf32, #tpu.memory_space<vmem>>
        tpu.wait_dma2 semaphore(%run_scoped3A_267 : memref<!tpu.dma_semaphore, #tpu.memory_space<semaphore_mem>>) src(%dma_wait3A_299 : memref<4x128x64xf32, #tpu.memory_space<vmem>>) dst(%dma_wait3A_294 : memref<4x128x64xf32, #tpu.memory_space<hbm>>)
        tpu.yield
      }) : () -> ()
    }
    %scan3A_55 = arith.constant 8 : i32
    return
  }
}

module attributes {stable_mosaic.version = 14 : i64} {
  func.func @_ball_query_body(%arg0: i32, %arg1: i32, %arg2: memref<1x256x3xf32, #tpu.memory_space<vmem>>, %arg3: memref<1x3x4096xf32, #tpu.memory_space<vmem>>, %arg4: memref<1x256x32xi32, #tpu.memory_space<vmem>>) attributes {dimension_semantics = [#tpu.dimension_semantics<arbitrary>, #tpu.dimension_semantics<arbitrary>], iteration_bounds = array<i64: 8, 4>, scalar_prefetch = 0 : i64, scratch_operands = 0 : i64, tpu.core_type = #tpu.core_type<tc>, window_params = [{transform_indices = @transform_0, window_bounds = array<i64: 1, 256, 3>}, {transform_indices = @transform_1, window_bounds = array<i64: 1, 3, 4096>}, {transform_indices = @transform_2, window_bounds = array<i64: 1, 256, 32>}]} {
    %get3A = arith.constant 0 : index
    %get3A_0 = arith.constant 0 : index
    %get3A_1 = arith.constant 0 : index
    %get3A_2 = vector.load %arg2[%get3A, %get3A_0, %get3A_1] : memref<1x256x3xf32, #tpu.memory_space<vmem>>, vector<1x256x3xf32>
    %get3A_3 = vector.shape_cast %get3A_2 : vector<1x256x3xf32> to vector<256x3xf32>
    %get3A_4 = arith.constant 0 : index
    %get3A_5 = arith.constant 0 : index
    %get3A_6 = arith.constant 0 : index
    %get3A_7 = vector.load %arg3[%get3A_4, %get3A_5, %get3A_6] : memref<1x3x4096xf32, #tpu.memory_space<vmem>>, vector<1x3x4096xf32>
    %get3A_8 = vector.shape_cast %get3A_7 : vector<1x3x4096xf32> to vector<3x4096xf32>
    %slice3A = vector.extract_strided_slice %get3A_3 {offsets = [0, 0], sizes = [256, 1], strides = [1, 1]} : vector<256x3xf32> to vector<256x1xf32>
    %slice3A_9 = vector.extract_strided_slice %get3A_8 {offsets = [0, 0], sizes = [1, 4096], strides = [1, 1]} : vector<3x4096xf32> to vector<1x4096xf32>
    %sub3A = vector.broadcast %slice3A : vector<256x1xf32> to vector<256x4096xf32>
    %sub3A_10 = vector.broadcast %slice3A_9 : vector<1x4096xf32> to vector<256x4096xf32>
    %sub3A_11 = arith.subf %sub3A, %sub3A_10 : vector<256x4096xf32>
    %integer_pow3A = arith.mulf %sub3A_11, %sub3A_11 : vector<256x4096xf32>
    %slice3A_12 = vector.extract_strided_slice %get3A_3 {offsets = [0, 1], sizes = [256, 1], strides = [1, 1]} : vector<256x3xf32> to vector<256x1xf32>
    %slice3A_13 = vector.extract_strided_slice %get3A_8 {offsets = [1, 0], sizes = [1, 4096], strides = [1, 1]} : vector<3x4096xf32> to vector<1x4096xf32>
    %sub3A_14 = vector.broadcast %slice3A_12 : vector<256x1xf32> to vector<256x4096xf32>
    %sub3A_15 = vector.broadcast %slice3A_13 : vector<1x4096xf32> to vector<256x4096xf32>
    %sub3A_16 = arith.subf %sub3A_14, %sub3A_15 : vector<256x4096xf32>
    %integer_pow3A_17 = arith.mulf %sub3A_16, %sub3A_16 : vector<256x4096xf32>
    %add3A = arith.addf %integer_pow3A, %integer_pow3A_17 : vector<256x4096xf32>
    %slice3A_18 = vector.extract_strided_slice %get3A_3 {offsets = [0, 2], sizes = [256, 1], strides = [1, 1]} : vector<256x3xf32> to vector<256x1xf32>
    %slice3A_19 = vector.extract_strided_slice %get3A_8 {offsets = [2, 0], sizes = [1, 4096], strides = [1, 1]} : vector<3x4096xf32> to vector<1x4096xf32>
    %sub3A_20 = vector.broadcast %slice3A_18 : vector<256x1xf32> to vector<256x4096xf32>
    %sub3A_21 = vector.broadcast %slice3A_19 : vector<1x4096xf32> to vector<256x4096xf32>
    %sub3A_22 = arith.subf %sub3A_20, %sub3A_21 : vector<256x4096xf32>
    %integer_pow3A_23 = arith.mulf %sub3A_22, %sub3A_22 : vector<256x4096xf32>
    %add3A_24 = arith.addf %add3A, %integer_pow3A_23 : vector<256x4096xf32>
    %bitcast_convert_type3A = tpu.bitcast %add3A_24 : vector<256x4096xf32> -> vector<256x4096xi32>
    %lt3A = arith.constant 0.160000011 : f32
    %lt3A_25 = vector.broadcast %lt3A : f32 to vector<256x4096xf32>
    %lt3A_26 = arith.cmpf olt, %add3A_24, %lt3A_25 : vector<256x4096xf32>
    %jit3A = arith.constant 1042536203 : i32
    %broadcast_in_dim3A = vector.broadcast %jit3A : i32 to vector<256x4096xi32>
    %select_n3A = arith.select %lt3A_26, %bitcast_convert_type3A, %broadcast_in_dim3A : vector<256x4096xi1>, vector<256x4096xi32>
    %broadcast_in_dim3A_27 = arith.constant -1 : i32
    %broadcast_in_dim3A_28 = vector.broadcast %broadcast_in_dim3A_27 : i32 to vector<256x1xi32>
    %broadcast_in_dim3A_29 = arith.constant 1042536203 : i32
    %broadcast_in_dim3A_30 = vector.broadcast %broadcast_in_dim3A_29 : i32 to vector<256x1xi32>
    %scan3A = arith.constant 0 : i32
    %scan3A_31 = arith.constant 30 : i32
    %scan3A_32 = arith.addi %scan3A, %scan3A_31 : i32
    %scan3A_33 = arith.constant 1 : i32
    %scan3A_34:2 = scf.for %scan3A_809 = %scan3A to %scan3A_32 step %scan3A_33 iter_args(%scan3A_810 = %broadcast_in_dim3A_28, %scan3A_811 = %broadcast_in_dim3A_30) -> (vector<256x1xi32>, vector<256x1xi32>)  : i32 {
      %add3A_812 = arith.addi %scan3A_810, %scan3A_811 : vector<256x1xi32>
      %jit3A_813 = arith.constant 2 : i32
      %div3A = vector.broadcast %jit3A_813 : i32 to vector<256x1xi32>
      %div3A_814 = arith.divsi %add3A_812, %div3A : vector<256x1xi32>
      %sign3A = arith.constant 0 : i32
      %sign3A_815 = vector.broadcast %sign3A : i32 to vector<256x1xi32>
      %sign3A_816 = arith.cmpi sgt, %add3A_812, %sign3A_815 : vector<256x1xi32>
      %sign3A_817 = arith.extui %sign3A_816 : vector<256x1xi1> to vector<256x1xi32>
      %sign3A_818 = arith.constant 0 : i32
      %sign3A_819 = vector.broadcast %sign3A_818 : i32 to vector<256x1xi32>
      %sign3A_820 = arith.cmpi slt, %add3A_812, %sign3A_819 : vector<256x1xi32>
      %sign3A_821 = arith.extui %sign3A_820 : vector<256x1xi1> to vector<256x1xi32>
      %sign3A_822 = arith.subi %sign3A_817, %sign3A_821 : vector<256x1xi32>
      %sign3A_823 = arith.constant 0 : i32
      %sign3A_824 = arith.cmpi sgt, %jit3A_813, %sign3A_823 : i32
      %sign3A_825 = arith.extui %sign3A_824 : i1 to i32
      %sign3A_826 = arith.constant 0 : i32
      %sign3A_827 = arith.cmpi slt, %jit3A_813, %sign3A_826 : i32
      %sign3A_828 = arith.extui %sign3A_827 : i1 to i32
      %sign3A_829 = arith.subi %sign3A_825, %sign3A_828 : i32
      %ne3A = vector.broadcast %sign3A_829 : i32 to vector<256x1xi32>
      %ne3A_830 = arith.cmpi ne, %sign3A_822, %ne3A : vector<256x1xi32>
      %rem3A = vector.broadcast %jit3A_813 : i32 to vector<256x1xi32>
      %rem3A_831 = arith.remsi %add3A_812, %rem3A : vector<256x1xi32>
      %ne3A_832 = arith.constant 0 : i32
      %ne3A_833 = vector.broadcast %ne3A_832 : i32 to vector<256x1xi32>
      %ne3A_834 = arith.cmpi ne, %rem3A_831, %ne3A_833 : vector<256x1xi32>
      %and3A_835 = arith.andi %ne3A_830, %ne3A_834 : vector<256x1xi1>
      %sub3A_836 = arith.constant 1 : i32
      %sub3A_837 = vector.broadcast %sub3A_836 : i32 to vector<256x1xi32>
      %sub3A_838 = arith.subi %div3A_814, %sub3A_837 : vector<256x1xi32>
      %select_n3A_839 = arith.select %and3A_835, %sub3A_838, %div3A_814 : vector<256x1xi1>, vector<256x1xi32>
      %le3A_840 = vector.broadcast %select_n3A_839 : vector<256x1xi32> to vector<256x4096xi32>
      %le3A_841 = arith.cmpi sle, %select_n3A, %le3A_840 : vector<256x4096xi32>
      %convert_element_type3A_842 = arith.extui %le3A_841 : vector<256x4096xi1> to vector<256x4096xi32>
      %reduce_sum3A_843 = arith.constant dense<0> : vector<256xi32>
      %reduce_sum3A_844 = vector.multi_reduction <add>, %convert_element_type3A_842, %reduce_sum3A_843 [1] : vector<256x4096xi32> to vector<256xi32>
      %broadcast_in_dim3A_845 = vector.shape_cast %reduce_sum3A_844 : vector<256xi32> to vector<256x1xi32>
      %ge3A_846 = arith.constant 32 : i32
      %ge3A_847 = vector.broadcast %ge3A_846 : i32 to vector<256x1xi32>
      %ge3A_848 = arith.cmpi sge, %broadcast_in_dim3A_845, %ge3A_847 : vector<256x1xi32>
      %select_n3A_849 = arith.select %ge3A_848, %scan3A_810, %select_n3A_839 : vector<256x1xi1>, vector<256x1xi32>
      %select_n3A_850 = arith.select %ge3A_848, %select_n3A_839, %scan3A_811 : vector<256x1xi1>, vector<256x1xi32>
      scf.yield %select_n3A_849, %select_n3A_850 : vector<256x1xi32>, vector<256x1xi32>
    }
    %lt3A_35 = vector.broadcast %scan3A_34#1 : vector<256x1xi32> to vector<256x4096xi32>
    %lt3A_36 = arith.cmpi slt, %select_n3A, %lt3A_35 : vector<256x4096xi32>
    %eq3A = vector.broadcast %scan3A_34#1 : vector<256x1xi32> to vector<256x4096xi32>
    %eq3A_37 = arith.cmpi eq, %select_n3A, %eq3A : vector<256x4096xi32>
    %lt3A_38 = arith.constant 1042536203 : i32
    %lt3A_39 = vector.broadcast %lt3A_38 : i32 to vector<256x1xi32>
    %lt3A_40 = arith.cmpi slt, %scan3A_34#1, %lt3A_39 : vector<256x1xi32>
    %and3A = vector.broadcast %lt3A_40 : vector<256x1xi1> to vector<256x4096xi1>
    %and3A_41 = arith.andi %eq3A_37, %and3A : vector<256x4096xi1>
    %iota3A = tpu.iota {dimensions = array<i32: 0>} : vector<128x128xi32>
    %iota3A_42 = tpu.iota {dimensions = array<i32: 1>} : vector<128x128xi32>
    %le3A = arith.cmpi sle, %iota3A, %iota3A_42 : vector<128x128xi32>
    %jit3A_43 = arith.constant 1.000000e+00 : f32
    %jit3A_44 = arith.constant 0.000000e+00 : f32
    %broadcast_in_dim3A_45 = vector.broadcast %jit3A_43 : f32 to vector<128x128xf32>
    %broadcast_in_dim3A_46 = vector.broadcast %jit3A_44 : f32 to vector<128x128xf32>
    %select_n3A_47 = arith.select %le3A, %broadcast_in_dim3A_45, %broadcast_in_dim3A_46 : vector<128x128xi1>, vector<128x128xf32>
    %convert_element_type3A = arith.truncf %select_n3A_47 : vector<128x128xf32> to vector<128x128xbf16>
    %jit3A_48 = arith.constant 1.000000e+00 : f32
    %jit3A_49 = arith.constant 0.000000e+00 : f32
    %broadcast_in_dim3A_50 = vector.broadcast %jit3A_48 : f32 to vector<256x4096xf32>
    %broadcast_in_dim3A_51 = vector.broadcast %jit3A_49 : f32 to vector<256x4096xf32>
    %select_n3A_52 = arith.select %lt3A_36, %broadcast_in_dim3A_50, %broadcast_in_dim3A_51 : vector<256x4096xi1>, vector<256x4096xf32>
    %convert_element_type3A_53 = arith.truncf %select_n3A_52 : vector<256x4096xf32> to vector<256x4096xbf16>
    %slice3A_54 = vector.extract_strided_slice %convert_element_type3A_53 {offsets = [0, 0], sizes = [256, 128], strides = [1, 1]} : vector<256x4096xbf16> to vector<256x128xbf16>
    %dot_general3A = arith.constant dense<0.000000e+00> : vector<256x128xf32>
    %dot_general3A_55 = tpu.matmul %slice3A_54, %convert_element_type3A, %dot_general3A {dimension_numbers = #tpu.dot_dimension_numbers<[1], [0], [0], [1], [0, 0, 1, 1], [], []>, transpose_lhs_hint = false} : vector<256x128xbf16>, vector<128x128xbf16>, vector<256x128xf32> -> vector<256x128xf32>
    %slice3A_56 = vector.extract_strided_slice %dot_general3A_55 {offsets = [0, 127], sizes = [256, 1], strides = [1, 1]} : vector<256x128xf32> to vector<256x1xf32>
    %slice3A_57 = vector.extract_strided_slice %convert_element_type3A_53 {offsets = [0, 128], sizes = [256, 128], strides = [1, 1]} : vector<256x4096xbf16> to vector<256x128xbf16>
    %dot_general3A_58 = arith.constant dense<0.000000e+00> : vector<256x128xf32>
    %dot_general3A_59 = tpu.matmul %slice3A_57, %convert_element_type3A, %dot_general3A_58 {dimension_numbers = #tpu.dot_dimension_numbers<[1], [0], [0], [1], [0, 0, 1, 1], [], []>, transpose_lhs_hint = false} : vector<256x128xbf16>, vector<128x128xbf16>, vector<256x128xf32> -> vector<256x128xf32>
    %add3A_60 = vector.broadcast %slice3A_56 : vector<256x1xf32> to vector<256x128xf32>
    %add3A_61 = arith.addf %dot_general3A_59, %add3A_60 : vector<256x128xf32>
    %slice3A_62 = vector.extract_strided_slice %add3A_61 {offsets = [0, 127], sizes = [256, 1], strides = [1, 1]} : vector<256x128xf32> to vector<256x1xf32>
    %slice3A_63 = vector.extract_strided_slice %convert_element_type3A_53 {offsets = [0, 256], sizes = [256, 128], strides = [1, 1]} : vector<256x4096xbf16> to vector<256x128xbf16>
    %dot_general3A_64 = arith.constant dense<0.000000e+00> : vector<256x128xf32>
    %dot_general3A_65 = tpu.matmul %slice3A_63, %convert_element_type3A, %dot_general3A_64 {dimension_numbers = #tpu.dot_dimension_numbers<[1], [0], [0], [1], [0, 0, 1, 1], [], []>, transpose_lhs_hint = false} : vector<256x128xbf16>, vector<128x128xbf16>, vector<256x128xf32> -> vector<256x128xf32>
    %add3A_66 = vector.broadcast %slice3A_62 : vector<256x1xf32> to vector<256x128xf32>
    %add3A_67 = arith.addf %dot_general3A_65, %add3A_66 : vector<256x128xf32>
    %slice3A_68 = vector.extract_strided_slice %add3A_67 {offsets = [0, 127], sizes = [256, 1], strides = [1, 1]} : vector<256x128xf32> to vector<256x1xf32>
    %slice3A_69 = vector.extract_strided_slice %convert_element_type3A_53 {offsets = [0, 384], sizes = [256, 128], strides = [1, 1]} : vector<256x4096xbf16> to vector<256x128xbf16>
    %dot_general3A_70 = arith.constant dense<0.000000e+00> : vector<256x128xf32>
    %dot_general3A_71 = tpu.matmul %slice3A_69, %convert_element_type3A, %dot_general3A_70 {dimension_numbers = #tpu.dot_dimension_numbers<[1], [0], [0], [1], [0, 0, 1, 1], [], []>, transpose_lhs_hint = false} : vector<256x128xbf16>, vector<128x128xbf16>, vector<256x128xf32> -> vector<256x128xf32>
    %add3A_72 = vector.broadcast %slice3A_68 : vector<256x1xf32> to vector<256x128xf32>
    %add3A_73 = arith.addf %dot_general3A_71, %add3A_72 : vector<256x128xf32>
    %slice3A_74 = vector.extract_strided_slice %add3A_73 {offsets = [0, 127], sizes = [256, 1], strides = [1, 1]} : vector<256x128xf32> to vector<256x1xf32>
    %slice3A_75 = vector.extract_strided_slice %convert_element_type3A_53 {offsets = [0, 512], sizes = [256, 128], strides = [1, 1]} : vector<256x4096xbf16> to vector<256x128xbf16>
    %dot_general3A_76 = arith.constant dense<0.000000e+00> : vector<256x128xf32>
    %dot_general3A_77 = tpu.matmul %slice3A_75, %convert_element_type3A, %dot_general3A_76 {dimension_numbers = #tpu.dot_dimension_numbers<[1], [0], [0], [1], [0, 0, 1, 1], [], []>, transpose_lhs_hint = false} : vector<256x128xbf16>, vector<128x128xbf16>, vector<256x128xf32> -> vector<256x128xf32>
    %add3A_78 = vector.broadcast %slice3A_74 : vector<256x1xf32> to vector<256x128xf32>
    %add3A_79 = arith.addf %dot_general3A_77, %add3A_78 : vector<256x128xf32>
    %slice3A_80 = vector.extract_strided_slice %add3A_79 {offsets = [0, 127], sizes = [256, 1], strides = [1, 1]} : vector<256x128xf32> to vector<256x1xf32>
    %slice3A_81 = vector.extract_strided_slice %convert_element_type3A_53 {offsets = [0, 640], sizes = [256, 128], strides = [1, 1]} : vector<256x4096xbf16> to vector<256x128xbf16>
    %dot_general3A_82 = arith.constant dense<0.000000e+00> : vector<256x128xf32>
    %dot_general3A_83 = tpu.matmul %slice3A_81, %convert_element_type3A, %dot_general3A_82 {dimension_numbers = #tpu.dot_dimension_numbers<[1], [0], [0], [1], [0, 0, 1, 1], [], []>, transpose_lhs_hint = false} : vector<256x128xbf16>, vector<128x128xbf16>, vector<256x128xf32> -> vector<256x128xf32>
    %add3A_84 = vector.broadcast %slice3A_80 : vector<256x1xf32> to vector<256x128xf32>
    %add3A_85 = arith.addf %dot_general3A_83, %add3A_84 : vector<256x128xf32>
    %slice3A_86 = vector.extract_strided_slice %add3A_85 {offsets = [0, 127], sizes = [256, 1], strides = [1, 1]} : vector<256x128xf32> to vector<256x1xf32>
    %slice3A_87 = vector.extract_strided_slice %convert_element_type3A_53 {offsets = [0, 768], sizes = [256, 128], strides = [1, 1]} : vector<256x4096xbf16> to vector<256x128xbf16>
    %dot_general3A_88 = arith.constant dense<0.000000e+00> : vector<256x128xf32>
    %dot_general3A_89 = tpu.matmul %slice3A_87, %convert_element_type3A, %dot_general3A_88 {dimension_numbers = #tpu.dot_dimension_numbers<[1], [0], [0], [1], [0, 0, 1, 1], [], []>, transpose_lhs_hint = false} : vector<256x128xbf16>, vector<128x128xbf16>, vector<256x128xf32> -> vector<256x128xf32>
    %add3A_90 = vector.broadcast %slice3A_86 : vector<256x1xf32> to vector<256x128xf32>
    %add3A_91 = arith.addf %dot_general3A_89, %add3A_90 : vector<256x128xf32>
    %slice3A_92 = vector.extract_strided_slice %add3A_91 {offsets = [0, 127], sizes = [256, 1], strides = [1, 1]} : vector<256x128xf32> to vector<256x1xf32>
    %slice3A_93 = vector.extract_strided_slice %convert_element_type3A_53 {offsets = [0, 896], sizes = [256, 128], strides = [1, 1]} : vector<256x4096xbf16> to vector<256x128xbf16>
    %dot_general3A_94 = arith.constant dense<0.000000e+00> : vector<256x128xf32>
    %dot_general3A_95 = tpu.matmul %slice3A_93, %convert_element_type3A, %dot_general3A_94 {dimension_numbers = #tpu.dot_dimension_numbers<[1], [0], [0], [1], [0, 0, 1, 1], [], []>, transpose_lhs_hint = false} : vector<256x128xbf16>, vector<128x128xbf16>, vector<256x128xf32> -> vector<256x128xf32>
    %add3A_96 = vector.broadcast %slice3A_92 : vector<256x1xf32> to vector<256x128xf32>
    %add3A_97 = arith.addf %dot_general3A_95, %add3A_96 : vector<256x128xf32>
    %slice3A_98 = vector.extract_strided_slice %add3A_97 {offsets = [0, 127], sizes = [256, 1], strides = [1, 1]} : vector<256x128xf32> to vector<256x1xf32>
    %slice3A_99 = vector.extract_strided_slice %convert_element_type3A_53 {offsets = [0, 1024], sizes = [256, 128], strides = [1, 1]} : vector<256x4096xbf16> to vector<256x128xbf16>
    %dot_general3A_100 = arith.constant dense<0.000000e+00> : vector<256x128xf32>
    %dot_general3A_101 = tpu.matmul %slice3A_99, %convert_element_type3A, %dot_general3A_100 {dimension_numbers = #tpu.dot_dimension_numbers<[1], [0], [0], [1], [0, 0, 1, 1], [], []>, transpose_lhs_hint = false} : vector<256x128xbf16>, vector<128x128xbf16>, vector<256x128xf32> -> vector<256x128xf32>
    %add3A_102 = vector.broadcast %slice3A_98 : vector<256x1xf32> to vector<256x128xf32>
    %add3A_103 = arith.addf %dot_general3A_101, %add3A_102 : vector<256x128xf32>
    %slice3A_104 = vector.extract_strided_slice %add3A_103 {offsets = [0, 127], sizes = [256, 1], strides = [1, 1]} : vector<256x128xf32> to vector<256x1xf32>
    %slice3A_105 = vector.extract_strided_slice %convert_element_type3A_53 {offsets = [0, 1152], sizes = [256, 128], strides = [1, 1]} : vector<256x4096xbf16> to vector<256x128xbf16>
    %dot_general3A_106 = arith.constant dense<0.000000e+00> : vector<256x128xf32>
    %dot_general3A_107 = tpu.matmul %slice3A_105, %convert_element_type3A, %dot_general3A_106 {dimension_numbers = #tpu.dot_dimension_numbers<[1], [0], [0], [1], [0, 0, 1, 1], [], []>, transpose_lhs_hint = false} : vector<256x128xbf16>, vector<128x128xbf16>, vector<256x128xf32> -> vector<256x128xf32>
    %add3A_108 = vector.broadcast %slice3A_104 : vector<256x1xf32> to vector<256x128xf32>
    %add3A_109 = arith.addf %dot_general3A_107, %add3A_108 : vector<256x128xf32>
    %slice3A_110 = vector.extract_strided_slice %add3A_109 {offsets = [0, 127], sizes = [256, 1], strides = [1, 1]} : vector<256x128xf32> to vector<256x1xf32>
    %slice3A_111 = vector.extract_strided_slice %convert_element_type3A_53 {offsets = [0, 1280], sizes = [256, 128], strides = [1, 1]} : vector<256x4096xbf16> to vector<256x128xbf16>
    %dot_general3A_112 = arith.constant dense<0.000000e+00> : vector<256x128xf32>
    %dot_general3A_113 = tpu.matmul %slice3A_111, %convert_element_type3A, %dot_general3A_112 {dimension_numbers = #tpu.dot_dimension_numbers<[1], [0], [0], [1], [0, 0, 1, 1], [], []>, transpose_lhs_hint = false} : vector<256x128xbf16>, vector<128x128xbf16>, vector<256x128xf32> -> vector<256x128xf32>
    %add3A_114 = vector.broadcast %slice3A_110 : vector<256x1xf32> to vector<256x128xf32>
    %add3A_115 = arith.addf %dot_general3A_113, %add3A_114 : vector<256x128xf32>
    %slice3A_116 = vector.extract_strided_slice %add3A_115 {offsets = [0, 127], sizes = [256, 1], strides = [1, 1]} : vector<256x128xf32> to vector<256x1xf32>
    %slice3A_117 = vector.extract_strided_slice %convert_element_type3A_53 {offsets = [0, 1408], sizes = [256, 128], strides = [1, 1]} : vector<256x4096xbf16> to vector<256x128xbf16>
    %dot_general3A_118 = arith.constant dense<0.000000e+00> : vector<256x128xf32>
    %dot_general3A_119 = tpu.matmul %slice3A_117, %convert_element_type3A, %dot_general3A_118 {dimension_numbers = #tpu.dot_dimension_numbers<[1], [0], [0], [1], [0, 0, 1, 1], [], []>, transpose_lhs_hint = false} : vector<256x128xbf16>, vector<128x128xbf16>, vector<256x128xf32> -> vector<256x128xf32>
    %add3A_120 = vector.broadcast %slice3A_116 : vector<256x1xf32> to vector<256x128xf32>
    %add3A_121 = arith.addf %dot_general3A_119, %add3A_120 : vector<256x128xf32>
    %slice3A_122 = vector.extract_strided_slice %add3A_121 {offsets = [0, 127], sizes = [256, 1], strides = [1, 1]} : vector<256x128xf32> to vector<256x1xf32>
    %slice3A_123 = vector.extract_strided_slice %convert_element_type3A_53 {offsets = [0, 1536], sizes = [256, 128], strides = [1, 1]} : vector<256x4096xbf16> to vector<256x128xbf16>
    %dot_general3A_124 = arith.constant dense<0.000000e+00> : vector<256x128xf32>
    %dot_general3A_125 = tpu.matmul %slice3A_123, %convert_element_type3A, %dot_general3A_124 {dimension_numbers = #tpu.dot_dimension_numbers<[1], [0], [0], [1], [0, 0, 1, 1], [], []>, transpose_lhs_hint = false} : vector<256x128xbf16>, vector<128x128xbf16>, vector<256x128xf32> -> vector<256x128xf32>
    %add3A_126 = vector.broadcast %slice3A_122 : vector<256x1xf32> to vector<256x128xf32>
    %add3A_127 = arith.addf %dot_general3A_125, %add3A_126 : vector<256x128xf32>
    %slice3A_128 = vector.extract_strided_slice %add3A_127 {offsets = [0, 127], sizes = [256, 1], strides = [1, 1]} : vector<256x128xf32> to vector<256x1xf32>
    %slice3A_129 = vector.extract_strided_slice %convert_element_type3A_53 {offsets = [0, 1664], sizes = [256, 128], strides = [1, 1]} : vector<256x4096xbf16> to vector<256x128xbf16>
    %dot_general3A_130 = arith.constant dense<0.000000e+00> : vector<256x128xf32>
    %dot_general3A_131 = tpu.matmul %slice3A_129, %convert_element_type3A, %dot_general3A_130 {dimension_numbers = #tpu.dot_dimension_numbers<[1], [0], [0], [1], [0, 0, 1, 1], [], []>, transpose_lhs_hint = false} : vector<256x128xbf16>, vector<128x128xbf16>, vector<256x128xf32> -> vector<256x128xf32>
    %add3A_132 = vector.broadcast %slice3A_128 : vector<256x1xf32> to vector<256x128xf32>
    %add3A_133 = arith.addf %dot_general3A_131, %add3A_132 : vector<256x128xf32>
    %slice3A_134 = vector.extract_strided_slice %add3A_133 {offsets = [0, 127], sizes = [256, 1], strides = [1, 1]} : vector<256x128xf32> to vector<256x1xf32>
    %slice3A_135 = vector.extract_strided_slice %convert_element_type3A_53 {offsets = [0, 1792], sizes = [256, 128], strides = [1, 1]} : vector<256x4096xbf16> to vector<256x128xbf16>
    %dot_general3A_136 = arith.constant dense<0.000000e+00> : vector<256x128xf32>
    %dot_general3A_137 = tpu.matmul %slice3A_135, %convert_element_type3A, %dot_general3A_136 {dimension_numbers = #tpu.dot_dimension_numbers<[1], [0], [0], [1], [0, 0, 1, 1], [], []>, transpose_lhs_hint = false} : vector<256x128xbf16>, vector<128x128xbf16>, vector<256x128xf32> -> vector<256x128xf32>
    %add3A_138 = vector.broadcast %slice3A_134 : vector<256x1xf32> to vector<256x128xf32>
    %add3A_139 = arith.addf %dot_general3A_137, %add3A_138 : vector<256x128xf32>
    %slice3A_140 = vector.extract_strided_slice %add3A_139 {offsets = [0, 127], sizes = [256, 1], strides = [1, 1]} : vector<256x128xf32> to vector<256x1xf32>
    %slice3A_141 = vector.extract_strided_slice %convert_element_type3A_53 {offsets = [0, 1920], sizes = [256, 128], strides = [1, 1]} : vector<256x4096xbf16> to vector<256x128xbf16>
    %dot_general3A_142 = arith.constant dense<0.000000e+00> : vector<256x128xf32>
    %dot_general3A_143 = tpu.matmul %slice3A_141, %convert_element_type3A, %dot_general3A_142 {dimension_numbers = #tpu.dot_dimension_numbers<[1], [0], [0], [1], [0, 0, 1, 1], [], []>, transpose_lhs_hint = false} : vector<256x128xbf16>, vector<128x128xbf16>, vector<256x128xf32> -> vector<256x128xf32>
    %add3A_144 = vector.broadcast %slice3A_140 : vector<256x1xf32> to vector<256x128xf32>
    %add3A_145 = arith.addf %dot_general3A_143, %add3A_144 : vector<256x128xf32>
    %slice3A_146 = vector.extract_strided_slice %add3A_145 {offsets = [0, 127], sizes = [256, 1], strides = [1, 1]} : vector<256x128xf32> to vector<256x1xf32>
    %slice3A_147 = vector.extract_strided_slice %convert_element_type3A_53 {offsets = [0, 2048], sizes = [256, 128], strides = [1, 1]} : vector<256x4096xbf16> to vector<256x128xbf16>
    %dot_general3A_148 = arith.constant dense<0.000000e+00> : vector<256x128xf32>
    %dot_general3A_149 = tpu.matmul %slice3A_147, %convert_element_type3A, %dot_general3A_148 {dimension_numbers = #tpu.dot_dimension_numbers<[1], [0], [0], [1], [0, 0, 1, 1], [], []>, transpose_lhs_hint = false} : vector<256x128xbf16>, vector<128x128xbf16>, vector<256x128xf32> -> vector<256x128xf32>
    %add3A_150 = vector.broadcast %slice3A_146 : vector<256x1xf32> to vector<256x128xf32>
    %add3A_151 = arith.addf %dot_general3A_149, %add3A_150 : vector<256x128xf32>
    %slice3A_152 = vector.extract_strided_slice %add3A_151 {offsets = [0, 127], sizes = [256, 1], strides = [1, 1]} : vector<256x128xf32> to vector<256x1xf32>
    %slice3A_153 = vector.extract_strided_slice %convert_element_type3A_53 {offsets = [0, 2176], sizes = [256, 128], strides = [1, 1]} : vector<256x4096xbf16> to vector<256x128xbf16>
    %dot_general3A_154 = arith.constant dense<0.000000e+00> : vector<256x128xf32>
    %dot_general3A_155 = tpu.matmul %slice3A_153, %convert_element_type3A, %dot_general3A_154 {dimension_numbers = #tpu.dot_dimension_numbers<[1], [0], [0], [1], [0, 0, 1, 1], [], []>, transpose_lhs_hint = false} : vector<256x128xbf16>, vector<128x128xbf16>, vector<256x128xf32> -> vector<256x128xf32>
    %add3A_156 = vector.broadcast %slice3A_152 : vector<256x1xf32> to vector<256x128xf32>
    %add3A_157 = arith.addf %dot_general3A_155, %add3A_156 : vector<256x128xf32>
    %slice3A_158 = vector.extract_strided_slice %add3A_157 {offsets = [0, 127], sizes = [256, 1], strides = [1, 1]} : vector<256x128xf32> to vector<256x1xf32>
    %slice3A_159 = vector.extract_strided_slice %convert_element_type3A_53 {offsets = [0, 2304], sizes = [256, 128], strides = [1, 1]} : vector<256x4096xbf16> to vector<256x128xbf16>
    %dot_general3A_160 = arith.constant dense<0.000000e+00> : vector<256x128xf32>
    %dot_general3A_161 = tpu.matmul %slice3A_159, %convert_element_type3A, %dot_general3A_160 {dimension_numbers = #tpu.dot_dimension_numbers<[1], [0], [0], [1], [0, 0, 1, 1], [], []>, transpose_lhs_hint = false} : vector<256x128xbf16>, vector<128x128xbf16>, vector<256x128xf32> -> vector<256x128xf32>
    %add3A_162 = vector.broadcast %slice3A_158 : vector<256x1xf32> to vector<256x128xf32>
    %add3A_163 = arith.addf %dot_general3A_161, %add3A_162 : vector<256x128xf32>
    %slice3A_164 = vector.extract_strided_slice %add3A_163 {offsets = [0, 127], sizes = [256, 1], strides = [1, 1]} : vector<256x128xf32> to vector<256x1xf32>
    %slice3A_165 = vector.extract_strided_slice %convert_element_type3A_53 {offsets = [0, 2432], sizes = [256, 128], strides = [1, 1]} : vector<256x4096xbf16> to vector<256x128xbf16>
    %dot_general3A_166 = arith.constant dense<0.000000e+00> : vector<256x128xf32>
    %dot_general3A_167 = tpu.matmul %slice3A_165, %convert_element_type3A, %dot_general3A_166 {dimension_numbers = #tpu.dot_dimension_numbers<[1], [0], [0], [1], [0, 0, 1, 1], [], []>, transpose_lhs_hint = false} : vector<256x128xbf16>, vector<128x128xbf16>, vector<256x128xf32> -> vector<256x128xf32>
    %add3A_168 = vector.broadcast %slice3A_164 : vector<256x1xf32> to vector<256x128xf32>
    %add3A_169 = arith.addf %dot_general3A_167, %add3A_168 : vector<256x128xf32>
    %slice3A_170 = vector.extract_strided_slice %add3A_169 {offsets = [0, 127], sizes = [256, 1], strides = [1, 1]} : vector<256x128xf32> to vector<256x1xf32>
    %slice3A_171 = vector.extract_strided_slice %convert_element_type3A_53 {offsets = [0, 2560], sizes = [256, 128], strides = [1, 1]} : vector<256x4096xbf16> to vector<256x128xbf16>
    %dot_general3A_172 = arith.constant dense<0.000000e+00> : vector<256x128xf32>
    %dot_general3A_173 = tpu.matmul %slice3A_171, %convert_element_type3A, %dot_general3A_172 {dimension_numbers = #tpu.dot_dimension_numbers<[1], [0], [0], [1], [0, 0, 1, 1], [], []>, transpose_lhs_hint = false} : vector<256x128xbf16>, vector<128x128xbf16>, vector<256x128xf32> -> vector<256x128xf32>
    %add3A_174 = vector.broadcast %slice3A_170 : vector<256x1xf32> to vector<256x128xf32>
    %add3A_175 = arith.addf %dot_general3A_173, %add3A_174 : vector<256x128xf32>
    %slice3A_176 = vector.extract_strided_slice %add3A_175 {offsets = [0, 127], sizes = [256, 1], strides = [1, 1]} : vector<256x128xf32> to vector<256x1xf32>
    %slice3A_177 = vector.extract_strided_slice %convert_element_type3A_53 {offsets = [0, 2688], sizes = [256, 128], strides = [1, 1]} : vector<256x4096xbf16> to vector<256x128xbf16>
    %dot_general3A_178 = arith.constant dense<0.000000e+00> : vector<256x128xf32>
    %dot_general3A_179 = tpu.matmul %slice3A_177, %convert_element_type3A, %dot_general3A_178 {dimension_numbers = #tpu.dot_dimension_numbers<[1], [0], [0], [1], [0, 0, 1, 1], [], []>, transpose_lhs_hint = false} : vector<256x128xbf16>, vector<128x128xbf16>, vector<256x128xf32> -> vector<256x128xf32>
    %add3A_180 = vector.broadcast %slice3A_176 : vector<256x1xf32> to vector<256x128xf32>
    %add3A_181 = arith.addf %dot_general3A_179, %add3A_180 : vector<256x128xf32>
    %slice3A_182 = vector.extract_strided_slice %add3A_181 {offsets = [0, 127], sizes = [256, 1], strides = [1, 1]} : vector<256x128xf32> to vector<256x1xf32>
    %slice3A_183 = vector.extract_strided_slice %convert_element_type3A_53 {offsets = [0, 2816], sizes = [256, 128], strides = [1, 1]} : vector<256x4096xbf16> to vector<256x128xbf16>
    %dot_general3A_184 = arith.constant dense<0.000000e+00> : vector<256x128xf32>
    %dot_general3A_185 = tpu.matmul %slice3A_183, %convert_element_type3A, %dot_general3A_184 {dimension_numbers = #tpu.dot_dimension_numbers<[1], [0], [0], [1], [0, 0, 1, 1], [], []>, transpose_lhs_hint = false} : vector<256x128xbf16>, vector<128x128xbf16>, vector<256x128xf32> -> vector<256x128xf32>
    %add3A_186 = vector.broadcast %slice3A_182 : vector<256x1xf32> to vector<256x128xf32>
    %add3A_187 = arith.addf %dot_general3A_185, %add3A_186 : vector<256x128xf32>
    %slice3A_188 = vector.extract_strided_slice %add3A_187 {offsets = [0, 127], sizes = [256, 1], strides = [1, 1]} : vector<256x128xf32> to vector<256x1xf32>
    %slice3A_189 = vector.extract_strided_slice %convert_element_type3A_53 {offsets = [0, 2944], sizes = [256, 128], strides = [1, 1]} : vector<256x4096xbf16> to vector<256x128xbf16>
    %dot_general3A_190 = arith.constant dense<0.000000e+00> : vector<256x128xf32>
    %dot_general3A_191 = tpu.matmul %slice3A_189, %convert_element_type3A, %dot_general3A_190 {dimension_numbers = #tpu.dot_dimension_numbers<[1], [0], [0], [1], [0, 0, 1, 1], [], []>, transpose_lhs_hint = false} : vector<256x128xbf16>, vector<128x128xbf16>, vector<256x128xf32> -> vector<256x128xf32>
    %add3A_192 = vector.broadcast %slice3A_188 : vector<256x1xf32> to vector<256x128xf32>
    %add3A_193 = arith.addf %dot_general3A_191, %add3A_192 : vector<256x128xf32>
    %slice3A_194 = vector.extract_strided_slice %add3A_193 {offsets = [0, 127], sizes = [256, 1], strides = [1, 1]} : vector<256x128xf32> to vector<256x1xf32>
    %slice3A_195 = vector.extract_strided_slice %convert_element_type3A_53 {offsets = [0, 3072], sizes = [256, 128], strides = [1, 1]} : vector<256x4096xbf16> to vector<256x128xbf16>
    %dot_general3A_196 = arith.constant dense<0.000000e+00> : vector<256x128xf32>
    %dot_general3A_197 = tpu.matmul %slice3A_195, %convert_element_type3A, %dot_general3A_196 {dimension_numbers = #tpu.dot_dimension_numbers<[1], [0], [0], [1], [0, 0, 1, 1], [], []>, transpose_lhs_hint = false} : vector<256x128xbf16>, vector<128x128xbf16>, vector<256x128xf32> -> vector<256x128xf32>
    %add3A_198 = vector.broadcast %slice3A_194 : vector<256x1xf32> to vector<256x128xf32>
    %add3A_199 = arith.addf %dot_general3A_197, %add3A_198 : vector<256x128xf32>
    %slice3A_200 = vector.extract_strided_slice %add3A_199 {offsets = [0, 127], sizes = [256, 1], strides = [1, 1]} : vector<256x128xf32> to vector<256x1xf32>
    %slice3A_201 = vector.extract_strided_slice %convert_element_type3A_53 {offsets = [0, 3200], sizes = [256, 128], strides = [1, 1]} : vector<256x4096xbf16> to vector<256x128xbf16>
    %dot_general3A_202 = arith.constant dense<0.000000e+00> : vector<256x128xf32>
    %dot_general3A_203 = tpu.matmul %slice3A_201, %convert_element_type3A, %dot_general3A_202 {dimension_numbers = #tpu.dot_dimension_numbers<[1], [0], [0], [1], [0, 0, 1, 1], [], []>, transpose_lhs_hint = false} : vector<256x128xbf16>, vector<128x128xbf16>, vector<256x128xf32> -> vector<256x128xf32>
    %add3A_204 = vector.broadcast %slice3A_200 : vector<256x1xf32> to vector<256x128xf32>
    %add3A_205 = arith.addf %dot_general3A_203, %add3A_204 : vector<256x128xf32>
    %slice3A_206 = vector.extract_strided_slice %add3A_205 {offsets = [0, 127], sizes = [256, 1], strides = [1, 1]} : vector<256x128xf32> to vector<256x1xf32>
    %slice3A_207 = vector.extract_strided_slice %convert_element_type3A_53 {offsets = [0, 3328], sizes = [256, 128], strides = [1, 1]} : vector<256x4096xbf16> to vector<256x128xbf16>
    %dot_general3A_208 = arith.constant dense<0.000000e+00> : vector<256x128xf32>
    %dot_general3A_209 = tpu.matmul %slice3A_207, %convert_element_type3A, %dot_general3A_208 {dimension_numbers = #tpu.dot_dimension_numbers<[1], [0], [0], [1], [0, 0, 1, 1], [], []>, transpose_lhs_hint = false} : vector<256x128xbf16>, vector<128x128xbf16>, vector<256x128xf32> -> vector<256x128xf32>
    %add3A_210 = vector.broadcast %slice3A_206 : vector<256x1xf32> to vector<256x128xf32>
    %add3A_211 = arith.addf %dot_general3A_209, %add3A_210 : vector<256x128xf32>
    %slice3A_212 = vector.extract_strided_slice %add3A_211 {offsets = [0, 127], sizes = [256, 1], strides = [1, 1]} : vector<256x128xf32> to vector<256x1xf32>
    %slice3A_213 = vector.extract_strided_slice %convert_element_type3A_53 {offsets = [0, 3456], sizes = [256, 128], strides = [1, 1]} : vector<256x4096xbf16> to vector<256x128xbf16>
    %dot_general3A_214 = arith.constant dense<0.000000e+00> : vector<256x128xf32>
    %dot_general3A_215 = tpu.matmul %slice3A_213, %convert_element_type3A, %dot_general3A_214 {dimension_numbers = #tpu.dot_dimension_numbers<[1], [0], [0], [1], [0, 0, 1, 1], [], []>, transpose_lhs_hint = false} : vector<256x128xbf16>, vector<128x128xbf16>, vector<256x128xf32> -> vector<256x128xf32>
    %add3A_216 = vector.broadcast %slice3A_212 : vector<256x1xf32> to vector<256x128xf32>
    %add3A_217 = arith.addf %dot_general3A_215, %add3A_216 : vector<256x128xf32>
    %slice3A_218 = vector.extract_strided_slice %add3A_217 {offsets = [0, 127], sizes = [256, 1], strides = [1, 1]} : vector<256x128xf32> to vector<256x1xf32>
    %slice3A_219 = vector.extract_strided_slice %convert_element_type3A_53 {offsets = [0, 3584], sizes = [256, 128], strides = [1, 1]} : vector<256x4096xbf16> to vector<256x128xbf16>
    %dot_general3A_220 = arith.constant dense<0.000000e+00> : vector<256x128xf32>
    %dot_general3A_221 = tpu.matmul %slice3A_219, %convert_element_type3A, %dot_general3A_220 {dimension_numbers = #tpu.dot_dimension_numbers<[1], [0], [0], [1], [0, 0, 1, 1], [], []>, transpose_lhs_hint = false} : vector<256x128xbf16>, vector<128x128xbf16>, vector<256x128xf32> -> vector<256x128xf32>
    %add3A_222 = vector.broadcast %slice3A_218 : vector<256x1xf32> to vector<256x128xf32>
    %add3A_223 = arith.addf %dot_general3A_221, %add3A_222 : vector<256x128xf32>
    %slice3A_224 = vector.extract_strided_slice %add3A_223 {offsets = [0, 127], sizes = [256, 1], strides = [1, 1]} : vector<256x128xf32> to vector<256x1xf32>
    %slice3A_225 = vector.extract_strided_slice %convert_element_type3A_53 {offsets = [0, 3712], sizes = [256, 128], strides = [1, 1]} : vector<256x4096xbf16> to vector<256x128xbf16>
    %dot_general3A_226 = arith.constant dense<0.000000e+00> : vector<256x128xf32>
    %dot_general3A_227 = tpu.matmul %slice3A_225, %convert_element_type3A, %dot_general3A_226 {dimension_numbers = #tpu.dot_dimension_numbers<[1], [0], [0], [1], [0, 0, 1, 1], [], []>, transpose_lhs_hint = false} : vector<256x128xbf16>, vector<128x128xbf16>, vector<256x128xf32> -> vector<256x128xf32>
    %add3A_228 = vector.broadcast %slice3A_224 : vector<256x1xf32> to vector<256x128xf32>
    %add3A_229 = arith.addf %dot_general3A_227, %add3A_228 : vector<256x128xf32>
    %slice3A_230 = vector.extract_strided_slice %add3A_229 {offsets = [0, 127], sizes = [256, 1], strides = [1, 1]} : vector<256x128xf32> to vector<256x1xf32>
    %slice3A_231 = vector.extract_strided_slice %convert_element_type3A_53 {offsets = [0, 3840], sizes = [256, 128], strides = [1, 1]} : vector<256x4096xbf16> to vector<256x128xbf16>
    %dot_general3A_232 = arith.constant dense<0.000000e+00> : vector<256x128xf32>
    %dot_general3A_233 = tpu.matmul %slice3A_231, %convert_element_type3A, %dot_general3A_232 {dimension_numbers = #tpu.dot_dimension_numbers<[1], [0], [0], [1], [0, 0, 1, 1], [], []>, transpose_lhs_hint = false} : vector<256x128xbf16>, vector<128x128xbf16>, vector<256x128xf32> -> vector<256x128xf32>
    %add3A_234 = vector.broadcast %slice3A_230 : vector<256x1xf32> to vector<256x128xf32>
    %add3A_235 = arith.addf %dot_general3A_233, %add3A_234 : vector<256x128xf32>
    %slice3A_236 = vector.extract_strided_slice %add3A_235 {offsets = [0, 127], sizes = [256, 1], strides = [1, 1]} : vector<256x128xf32> to vector<256x1xf32>
    %slice3A_237 = vector.extract_strided_slice %convert_element_type3A_53 {offsets = [0, 3968], sizes = [256, 128], strides = [1, 1]} : vector<256x4096xbf16> to vector<256x128xbf16>
    %dot_general3A_238 = arith.constant dense<0.000000e+00> : vector<256x128xf32>
    %dot_general3A_239 = tpu.matmul %slice3A_237, %convert_element_type3A, %dot_general3A_238 {dimension_numbers = #tpu.dot_dimension_numbers<[1], [0], [0], [1], [0, 0, 1, 1], [], []>, transpose_lhs_hint = false} : vector<256x128xbf16>, vector<128x128xbf16>, vector<256x128xf32> -> vector<256x128xf32>
    %add3A_240 = vector.broadcast %slice3A_236 : vector<256x1xf32> to vector<256x128xf32>
    %add3A_241 = arith.addf %dot_general3A_239, %add3A_240 : vector<256x128xf32>
    %concatenate3A = tpu.concatenate %dot_general3A_55, %add3A_61, %add3A_67, %add3A_73, %add3A_79, %add3A_85, %add3A_91, %add3A_97, %add3A_103, %add3A_109, %add3A_115, %add3A_121, %add3A_127, %add3A_133, %add3A_139, %add3A_145, %add3A_151, %add3A_157, %add3A_163, %add3A_169, %add3A_175, %add3A_181, %add3A_187, %add3A_193, %add3A_199, %add3A_205, %add3A_211, %add3A_217, %add3A_223, %add3A_229, %add3A_235, %add3A_241 in 1 : vector<256x128xf32>, vector<256x128xf32>, vector<256x128xf32>, vector<256x128xf32>, vector<256x128xf32>, vector<256x128xf32>, vector<256x128xf32>, vector<256x128xf32>, vector<256x128xf32>, vector<256x128xf32>, vector<256x128xf32>, vector<256x128xf32>, vector<256x128xf32>, vector<256x128xf32>, vector<256x128xf32>, vector<256x128xf32>, vector<256x128xf32>, vector<256x128xf32>, vector<256x128xf32>, vector<256x128xf32>, vector<256x128xf32>, vector<256x128xf32>, vector<256x128xf32>, vector<256x128xf32>, vector<256x128xf32>, vector<256x128xf32>, vector<256x128xf32>, vector<256x128xf32>, vector<256x128xf32>, vector<256x128xf32>, vector<256x128xf32>, vector<256x128xf32> -> vector<256x4096xf32>
    %iota3A_242 = tpu.iota {dimensions = array<i32: 0>} : vector<128x128xi32>
    %iota3A_243 = tpu.iota {dimensions = array<i32: 1>} : vector<128x128xi32>
    %le3A_244 = arith.cmpi sle, %iota3A_242, %iota3A_243 : vector<128x128xi32>
    %jit3A_245 = arith.constant 1.000000e+00 : f32
    %jit3A_246 = arith.constant 0.000000e+00 : f32
    %broadcast_in_dim3A_247 = vector.broadcast %jit3A_245 : f32 to vector<128x128xf32>
    %broadcast_in_dim3A_248 = vector.broadcast %jit3A_246 : f32 to vector<128x128xf32>
    %select_n3A_249 = arith.select %le3A_244, %broadcast_in_dim3A_247, %broadcast_in_dim3A_248 : vector<128x128xi1>, vector<128x128xf32>
    %convert_element_type3A_250 = arith.truncf %select_n3A_249 : vector<128x128xf32> to vector<128x128xbf16>
    %jit3A_251 = arith.constant 1.000000e+00 : f32
    %jit3A_252 = arith.constant 0.000000e+00 : f32
    %broadcast_in_dim3A_253 = vector.broadcast %jit3A_251 : f32 to vector<256x4096xf32>
    %broadcast_in_dim3A_254 = vector.broadcast %jit3A_252 : f32 to vector<256x4096xf32>
    %select_n3A_255 = arith.select %and3A_41, %broadcast_in_dim3A_253, %broadcast_in_dim3A_254 : vector<256x4096xi1>, vector<256x4096xf32>
    %convert_element_type3A_256 = arith.truncf %select_n3A_255 : vector<256x4096xf32> to vector<256x4096xbf16>
    %slice3A_257 = vector.extract_strided_slice %convert_element_type3A_256 {offsets = [0, 0], sizes = [256, 128], strides = [1, 1]} : vector<256x4096xbf16> to vector<256x128xbf16>
    %dot_general3A_258 = arith.constant dense<0.000000e+00> : vector<256x128xf32>
    %dot_general3A_259 = tpu.matmul %slice3A_257, %convert_element_type3A_250, %dot_general3A_258 {dimension_numbers = #tpu.dot_dimension_numbers<[1], [0], [0], [1], [0, 0, 1, 1], [], []>, transpose_lhs_hint = false} : vector<256x128xbf16>, vector<128x128xbf16>, vector<256x128xf32> -> vector<256x128xf32>
    %slice3A_260 = vector.extract_strided_slice %dot_general3A_259 {offsets = [0, 127], sizes = [256, 1], strides = [1, 1]} : vector<256x128xf32> to vector<256x1xf32>
    %slice3A_261 = vector.extract_strided_slice %convert_element_type3A_256 {offsets = [0, 128], sizes = [256, 128], strides = [1, 1]} : vector<256x4096xbf16> to vector<256x128xbf16>
    %dot_general3A_262 = arith.constant dense<0.000000e+00> : vector<256x128xf32>
    %dot_general3A_263 = tpu.matmul %slice3A_261, %convert_element_type3A_250, %dot_general3A_262 {dimension_numbers = #tpu.dot_dimension_numbers<[1], [0], [0], [1], [0, 0, 1, 1], [], []>, transpose_lhs_hint = false} : vector<256x128xbf16>, vector<128x128xbf16>, vector<256x128xf32> -> vector<256x128xf32>
    %add3A_264 = vector.broadcast %slice3A_260 : vector<256x1xf32> to vector<256x128xf32>
    %add3A_265 = arith.addf %dot_general3A_263, %add3A_264 : vector<256x128xf32>
    %slice3A_266 = vector.extract_strided_slice %add3A_265 {offsets = [0, 127], sizes = [256, 1], strides = [1, 1]} : vector<256x128xf32> to vector<256x1xf32>
    %slice3A_267 = vector.extract_strided_slice %convert_element_type3A_256 {offsets = [0, 256], sizes = [256, 128], strides = [1, 1]} : vector<256x4096xbf16> to vector<256x128xbf16>
    %dot_general3A_268 = arith.constant dense<0.000000e+00> : vector<256x128xf32>
    %dot_general3A_269 = tpu.matmul %slice3A_267, %convert_element_type3A_250, %dot_general3A_268 {dimension_numbers = #tpu.dot_dimension_numbers<[1], [0], [0], [1], [0, 0, 1, 1], [], []>, transpose_lhs_hint = false} : vector<256x128xbf16>, vector<128x128xbf16>, vector<256x128xf32> -> vector<256x128xf32>
    %add3A_270 = vector.broadcast %slice3A_266 : vector<256x1xf32> to vector<256x128xf32>
    %add3A_271 = arith.addf %dot_general3A_269, %add3A_270 : vector<256x128xf32>
    %slice3A_272 = vector.extract_strided_slice %add3A_271 {offsets = [0, 127], sizes = [256, 1], strides = [1, 1]} : vector<256x128xf32> to vector<256x1xf32>
    %slice3A_273 = vector.extract_strided_slice %convert_element_type3A_256 {offsets = [0, 384], sizes = [256, 128], strides = [1, 1]} : vector<256x4096xbf16> to vector<256x128xbf16>
    %dot_general3A_274 = arith.constant dense<0.000000e+00> : vector<256x128xf32>
    %dot_general3A_275 = tpu.matmul %slice3A_273, %convert_element_type3A_250, %dot_general3A_274 {dimension_numbers = #tpu.dot_dimension_numbers<[1], [0], [0], [1], [0, 0, 1, 1], [], []>, transpose_lhs_hint = false} : vector<256x128xbf16>, vector<128x128xbf16>, vector<256x128xf32> -> vector<256x128xf32>
    %add3A_276 = vector.broadcast %slice3A_272 : vector<256x1xf32> to vector<256x128xf32>
    %add3A_277 = arith.addf %dot_general3A_275, %add3A_276 : vector<256x128xf32>
    %slice3A_278 = vector.extract_strided_slice %add3A_277 {offsets = [0, 127], sizes = [256, 1], strides = [1, 1]} : vector<256x128xf32> to vector<256x1xf32>
    %slice3A_279 = vector.extract_strided_slice %convert_element_type3A_256 {offsets = [0, 512], sizes = [256, 128], strides = [1, 1]} : vector<256x4096xbf16> to vector<256x128xbf16>
    %dot_general3A_280 = arith.constant dense<0.000000e+00> : vector<256x128xf32>
    %dot_general3A_281 = tpu.matmul %slice3A_279, %convert_element_type3A_250, %dot_general3A_280 {dimension_numbers = #tpu.dot_dimension_numbers<[1], [0], [0], [1], [0, 0, 1, 1], [], []>, transpose_lhs_hint = false} : vector<256x128xbf16>, vector<128x128xbf16>, vector<256x128xf32> -> vector<256x128xf32>
    %add3A_282 = vector.broadcast %slice3A_278 : vector<256x1xf32> to vector<256x128xf32>
    %add3A_283 = arith.addf %dot_general3A_281, %add3A_282 : vector<256x128xf32>
    %slice3A_284 = vector.extract_strided_slice %add3A_283 {offsets = [0, 127], sizes = [256, 1], strides = [1, 1]} : vector<256x128xf32> to vector<256x1xf32>
    %slice3A_285 = vector.extract_strided_slice %convert_element_type3A_256 {offsets = [0, 640], sizes = [256, 128], strides = [1, 1]} : vector<256x4096xbf16> to vector<256x128xbf16>
    %dot_general3A_286 = arith.constant dense<0.000000e+00> : vector<256x128xf32>
    %dot_general3A_287 = tpu.matmul %slice3A_285, %convert_element_type3A_250, %dot_general3A_286 {dimension_numbers = #tpu.dot_dimension_numbers<[1], [0], [0], [1], [0, 0, 1, 1], [], []>, transpose_lhs_hint = false} : vector<256x128xbf16>, vector<128x128xbf16>, vector<256x128xf32> -> vector<256x128xf32>
    %add3A_288 = vector.broadcast %slice3A_284 : vector<256x1xf32> to vector<256x128xf32>
    %add3A_289 = arith.addf %dot_general3A_287, %add3A_288 : vector<256x128xf32>
    %slice3A_290 = vector.extract_strided_slice %add3A_289 {offsets = [0, 127], sizes = [256, 1], strides = [1, 1]} : vector<256x128xf32> to vector<256x1xf32>
    %slice3A_291 = vector.extract_strided_slice %convert_element_type3A_256 {offsets = [0, 768], sizes = [256, 128], strides = [1, 1]} : vector<256x4096xbf16> to vector<256x128xbf16>
    %dot_general3A_292 = arith.constant dense<0.000000e+00> : vector<256x128xf32>
    %dot_general3A_293 = tpu.matmul %slice3A_291, %convert_element_type3A_250, %dot_general3A_292 {dimension_numbers = #tpu.dot_dimension_numbers<[1], [0], [0], [1], [0, 0, 1, 1], [], []>, transpose_lhs_hint = false} : vector<256x128xbf16>, vector<128x128xbf16>, vector<256x128xf32> -> vector<256x128xf32>
    %add3A_294 = vector.broadcast %slice3A_290 : vector<256x1xf32> to vector<256x128xf32>
    %add3A_295 = arith.addf %dot_general3A_293, %add3A_294 : vector<256x128xf32>
    %slice3A_296 = vector.extract_strided_slice %add3A_295 {offsets = [0, 127], sizes = [256, 1], strides = [1, 1]} : vector<256x128xf32> to vector<256x1xf32>
    %slice3A_297 = vector.extract_strided_slice %convert_element_type3A_256 {offsets = [0, 896], sizes = [256, 128], strides = [1, 1]} : vector<256x4096xbf16> to vector<256x128xbf16>
    %dot_general3A_298 = arith.constant dense<0.000000e+00> : vector<256x128xf32>
    %dot_general3A_299 = tpu.matmul %slice3A_297, %convert_element_type3A_250, %dot_general3A_298 {dimension_numbers = #tpu.dot_dimension_numbers<[1], [0], [0], [1], [0, 0, 1, 1], [], []>, transpose_lhs_hint = false} : vector<256x128xbf16>, vector<128x128xbf16>, vector<256x128xf32> -> vector<256x128xf32>
    %add3A_300 = vector.broadcast %slice3A_296 : vector<256x1xf32> to vector<256x128xf32>
    %add3A_301 = arith.addf %dot_general3A_299, %add3A_300 : vector<256x128xf32>
    %slice3A_302 = vector.extract_strided_slice %add3A_301 {offsets = [0, 127], sizes = [256, 1], strides = [1, 1]} : vector<256x128xf32> to vector<256x1xf32>
    %slice3A_303 = vector.extract_strided_slice %convert_element_type3A_256 {offsets = [0, 1024], sizes = [256, 128], strides = [1, 1]} : vector<256x4096xbf16> to vector<256x128xbf16>
    %dot_general3A_304 = arith.constant dense<0.000000e+00> : vector<256x128xf32>
    %dot_general3A_305 = tpu.matmul %slice3A_303, %convert_element_type3A_250, %dot_general3A_304 {dimension_numbers = #tpu.dot_dimension_numbers<[1], [0], [0], [1], [0, 0, 1, 1], [], []>, transpose_lhs_hint = false} : vector<256x128xbf16>, vector<128x128xbf16>, vector<256x128xf32> -> vector<256x128xf32>
    %add3A_306 = vector.broadcast %slice3A_302 : vector<256x1xf32> to vector<256x128xf32>
    %add3A_307 = arith.addf %dot_general3A_305, %add3A_306 : vector<256x128xf32>
    %slice3A_308 = vector.extract_strided_slice %add3A_307 {offsets = [0, 127], sizes = [256, 1], strides = [1, 1]} : vector<256x128xf32> to vector<256x1xf32>
    %slice3A_309 = vector.extract_strided_slice %convert_element_type3A_256 {offsets = [0, 1152], sizes = [256, 128], strides = [1, 1]} : vector<256x4096xbf16> to vector<256x128xbf16>
    %dot_general3A_310 = arith.constant dense<0.000000e+00> : vector<256x128xf32>
    %dot_general3A_311 = tpu.matmul %slice3A_309, %convert_element_type3A_250, %dot_general3A_310 {dimension_numbers = #tpu.dot_dimension_numbers<[1], [0], [0], [1], [0, 0, 1, 1], [], []>, transpose_lhs_hint = false} : vector<256x128xbf16>, vector<128x128xbf16>, vector<256x128xf32> -> vector<256x128xf32>
    %add3A_312 = vector.broadcast %slice3A_308 : vector<256x1xf32> to vector<256x128xf32>
    %add3A_313 = arith.addf %dot_general3A_311, %add3A_312 : vector<256x128xf32>
    %slice3A_314 = vector.extract_strided_slice %add3A_313 {offsets = [0, 127], sizes = [256, 1], strides = [1, 1]} : vector<256x128xf32> to vector<256x1xf32>
    %slice3A_315 = vector.extract_strided_slice %convert_element_type3A_256 {offsets = [0, 1280], sizes = [256, 128], strides = [1, 1]} : vector<256x4096xbf16> to vector<256x128xbf16>
    %dot_general3A_316 = arith.constant dense<0.000000e+00> : vector<256x128xf32>
    %dot_general3A_317 = tpu.matmul %slice3A_315, %convert_element_type3A_250, %dot_general3A_316 {dimension_numbers = #tpu.dot_dimension_numbers<[1], [0], [0], [1], [0, 0, 1, 1], [], []>, transpose_lhs_hint = false} : vector<256x128xbf16>, vector<128x128xbf16>, vector<256x128xf32> -> vector<256x128xf32>
    %add3A_318 = vector.broadcast %slice3A_314 : vector<256x1xf32> to vector<256x128xf32>
    %add3A_319 = arith.addf %dot_general3A_317, %add3A_318 : vector<256x128xf32>
    %slice3A_320 = vector.extract_strided_slice %add3A_319 {offsets = [0, 127], sizes = [256, 1], strides = [1, 1]} : vector<256x128xf32> to vector<256x1xf32>
    %slice3A_321 = vector.extract_strided_slice %convert_element_type3A_256 {offsets = [0, 1408], sizes = [256, 128], strides = [1, 1]} : vector<256x4096xbf16> to vector<256x128xbf16>
    %dot_general3A_322 = arith.constant dense<0.000000e+00> : vector<256x128xf32>
    %dot_general3A_323 = tpu.matmul %slice3A_321, %convert_element_type3A_250, %dot_general3A_322 {dimension_numbers = #tpu.dot_dimension_numbers<[1], [0], [0], [1], [0, 0, 1, 1], [], []>, transpose_lhs_hint = false} : vector<256x128xbf16>, vector<128x128xbf16>, vector<256x128xf32> -> vector<256x128xf32>
    %add3A_324 = vector.broadcast %slice3A_320 : vector<256x1xf32> to vector<256x128xf32>
    %add3A_325 = arith.addf %dot_general3A_323, %add3A_324 : vector<256x128xf32>
    %slice3A_326 = vector.extract_strided_slice %add3A_325 {offsets = [0, 127], sizes = [256, 1], strides = [1, 1]} : vector<256x128xf32> to vector<256x1xf32>
    %slice3A_327 = vector.extract_strided_slice %convert_element_type3A_256 {offsets = [0, 1536], sizes = [256, 128], strides = [1, 1]} : vector<256x4096xbf16> to vector<256x128xbf16>
    %dot_general3A_328 = arith.constant dense<0.000000e+00> : vector<256x128xf32>
    %dot_general3A_329 = tpu.matmul %slice3A_327, %convert_element_type3A_250, %dot_general3A_328 {dimension_numbers = #tpu.dot_dimension_numbers<[1], [0], [0], [1], [0, 0, 1, 1], [], []>, transpose_lhs_hint = false} : vector<256x128xbf16>, vector<128x128xbf16>, vector<256x128xf32> -> vector<256x128xf32>
    %add3A_330 = vector.broadcast %slice3A_326 : vector<256x1xf32> to vector<256x128xf32>
    %add3A_331 = arith.addf %dot_general3A_329, %add3A_330 : vector<256x128xf32>
    %slice3A_332 = vector.extract_strided_slice %add3A_331 {offsets = [0, 127], sizes = [256, 1], strides = [1, 1]} : vector<256x128xf32> to vector<256x1xf32>
    %slice3A_333 = vector.extract_strided_slice %convert_element_type3A_256 {offsets = [0, 1664], sizes = [256, 128], strides = [1, 1]} : vector<256x4096xbf16> to vector<256x128xbf16>
    %dot_general3A_334 = arith.constant dense<0.000000e+00> : vector<256x128xf32>
    %dot_general3A_335 = tpu.matmul %slice3A_333, %convert_element_type3A_250, %dot_general3A_334 {dimension_numbers = #tpu.dot_dimension_numbers<[1], [0], [0], [1], [0, 0, 1, 1], [], []>, transpose_lhs_hint = false} : vector<256x128xbf16>, vector<128x128xbf16>, vector<256x128xf32> -> vector<256x128xf32>
    %add3A_336 = vector.broadcast %slice3A_332 : vector<256x1xf32> to vector<256x128xf32>
    %add3A_337 = arith.addf %dot_general3A_335, %add3A_336 : vector<256x128xf32>
    %slice3A_338 = vector.extract_strided_slice %add3A_337 {offsets = [0, 127], sizes = [256, 1], strides = [1, 1]} : vector<256x128xf32> to vector<256x1xf32>
    %slice3A_339 = vector.extract_strided_slice %convert_element_type3A_256 {offsets = [0, 1792], sizes = [256, 128], strides = [1, 1]} : vector<256x4096xbf16> to vector<256x128xbf16>
    %dot_general3A_340 = arith.constant dense<0.000000e+00> : vector<256x128xf32>
    %dot_general3A_341 = tpu.matmul %slice3A_339, %convert_element_type3A_250, %dot_general3A_340 {dimension_numbers = #tpu.dot_dimension_numbers<[1], [0], [0], [1], [0, 0, 1, 1], [], []>, transpose_lhs_hint = false} : vector<256x128xbf16>, vector<128x128xbf16>, vector<256x128xf32> -> vector<256x128xf32>
    %add3A_342 = vector.broadcast %slice3A_338 : vector<256x1xf32> to vector<256x128xf32>
    %add3A_343 = arith.addf %dot_general3A_341, %add3A_342 : vector<256x128xf32>
    %slice3A_344 = vector.extract_strided_slice %add3A_343 {offsets = [0, 127], sizes = [256, 1], strides = [1, 1]} : vector<256x128xf32> to vector<256x1xf32>
    %slice3A_345 = vector.extract_strided_slice %convert_element_type3A_256 {offsets = [0, 1920], sizes = [256, 128], strides = [1, 1]} : vector<256x4096xbf16> to vector<256x128xbf16>
    %dot_general3A_346 = arith.constant dense<0.000000e+00> : vector<256x128xf32>
    %dot_general3A_347 = tpu.matmul %slice3A_345, %convert_element_type3A_250, %dot_general3A_346 {dimension_numbers = #tpu.dot_dimension_numbers<[1], [0], [0], [1], [0, 0, 1, 1], [], []>, transpose_lhs_hint = false} : vector<256x128xbf16>, vector<128x128xbf16>, vector<256x128xf32> -> vector<256x128xf32>
    %add3A_348 = vector.broadcast %slice3A_344 : vector<256x1xf32> to vector<256x128xf32>
    %add3A_349 = arith.addf %dot_general3A_347, %add3A_348 : vector<256x128xf32>
    %slice3A_350 = vector.extract_strided_slice %add3A_349 {offsets = [0, 127], sizes = [256, 1], strides = [1, 1]} : vector<256x128xf32> to vector<256x1xf32>
    %slice3A_351 = vector.extract_strided_slice %convert_element_type3A_256 {offsets = [0, 2048], sizes = [256, 128], strides = [1, 1]} : vector<256x4096xbf16> to vector<256x128xbf16>
    %dot_general3A_352 = arith.constant dense<0.000000e+00> : vector<256x128xf32>
    %dot_general3A_353 = tpu.matmul %slice3A_351, %convert_element_type3A_250, %dot_general3A_352 {dimension_numbers = #tpu.dot_dimension_numbers<[1], [0], [0], [1], [0, 0, 1, 1], [], []>, transpose_lhs_hint = false} : vector<256x128xbf16>, vector<128x128xbf16>, vector<256x128xf32> -> vector<256x128xf32>
    %add3A_354 = vector.broadcast %slice3A_350 : vector<256x1xf32> to vector<256x128xf32>
    %add3A_355 = arith.addf %dot_general3A_353, %add3A_354 : vector<256x128xf32>
    %slice3A_356 = vector.extract_strided_slice %add3A_355 {offsets = [0, 127], sizes = [256, 1], strides = [1, 1]} : vector<256x128xf32> to vector<256x1xf32>
    %slice3A_357 = vector.extract_strided_slice %convert_element_type3A_256 {offsets = [0, 2176], sizes = [256, 128], strides = [1, 1]} : vector<256x4096xbf16> to vector<256x128xbf16>
    %dot_general3A_358 = arith.constant dense<0.000000e+00> : vector<256x128xf32>
    %dot_general3A_359 = tpu.matmul %slice3A_357, %convert_element_type3A_250, %dot_general3A_358 {dimension_numbers = #tpu.dot_dimension_numbers<[1], [0], [0], [1], [0, 0, 1, 1], [], []>, transpose_lhs_hint = false} : vector<256x128xbf16>, vector<128x128xbf16>, vector<256x128xf32> -> vector<256x128xf32>
    %add3A_360 = vector.broadcast %slice3A_356 : vector<256x1xf32> to vector<256x128xf32>
    %add3A_361 = arith.addf %dot_general3A_359, %add3A_360 : vector<256x128xf32>
    %slice3A_362 = vector.extract_strided_slice %add3A_361 {offsets = [0, 127], sizes = [256, 1], strides = [1, 1]} : vector<256x128xf32> to vector<256x1xf32>
    %slice3A_363 = vector.extract_strided_slice %convert_element_type3A_256 {offsets = [0, 2304], sizes = [256, 128], strides = [1, 1]} : vector<256x4096xbf16> to vector<256x128xbf16>
    %dot_general3A_364 = arith.constant dense<0.000000e+00> : vector<256x128xf32>
    %dot_general3A_365 = tpu.matmul %slice3A_363, %convert_element_type3A_250, %dot_general3A_364 {dimension_numbers = #tpu.dot_dimension_numbers<[1], [0], [0], [1], [0, 0, 1, 1], [], []>, transpose_lhs_hint = false} : vector<256x128xbf16>, vector<128x128xbf16>, vector<256x128xf32> -> vector<256x128xf32>
    %add3A_366 = vector.broadcast %slice3A_362 : vector<256x1xf32> to vector<256x128xf32>
    %add3A_367 = arith.addf %dot_general3A_365, %add3A_366 : vector<256x128xf32>
    %slice3A_368 = vector.extract_strided_slice %add3A_367 {offsets = [0, 127], sizes = [256, 1], strides = [1, 1]} : vector<256x128xf32> to vector<256x1xf32>
    %slice3A_369 = vector.extract_strided_slice %convert_element_type3A_256 {offsets = [0, 2432], sizes = [256, 128], strides = [1, 1]} : vector<256x4096xbf16> to vector<256x128xbf16>
    %dot_general3A_370 = arith.constant dense<0.000000e+00> : vector<256x128xf32>
    %dot_general3A_371 = tpu.matmul %slice3A_369, %convert_element_type3A_250, %dot_general3A_370 {dimension_numbers = #tpu.dot_dimension_numbers<[1], [0], [0], [1], [0, 0, 1, 1], [], []>, transpose_lhs_hint = false} : vector<256x128xbf16>, vector<128x128xbf16>, vector<256x128xf32> -> vector<256x128xf32>
    %add3A_372 = vector.broadcast %slice3A_368 : vector<256x1xf32> to vector<256x128xf32>
    %add3A_373 = arith.addf %dot_general3A_371, %add3A_372 : vector<256x128xf32>
    %slice3A_374 = vector.extract_strided_slice %add3A_373 {offsets = [0, 127], sizes = [256, 1], strides = [1, 1]} : vector<256x128xf32> to vector<256x1xf32>
    %slice3A_375 = vector.extract_strided_slice %convert_element_type3A_256 {offsets = [0, 2560], sizes = [256, 128], strides = [1, 1]} : vector<256x4096xbf16> to vector<256x128xbf16>
    %dot_general3A_376 = arith.constant dense<0.000000e+00> : vector<256x128xf32>
    %dot_general3A_377 = tpu.matmul %slice3A_375, %convert_element_type3A_250, %dot_general3A_376 {dimension_numbers = #tpu.dot_dimension_numbers<[1], [0], [0], [1], [0, 0, 1, 1], [], []>, transpose_lhs_hint = false} : vector<256x128xbf16>, vector<128x128xbf16>, vector<256x128xf32> -> vector<256x128xf32>
    %add3A_378 = vector.broadcast %slice3A_374 : vector<256x1xf32> to vector<256x128xf32>
    %add3A_379 = arith.addf %dot_general3A_377, %add3A_378 : vector<256x128xf32>
    %slice3A_380 = vector.extract_strided_slice %add3A_379 {offsets = [0, 127], sizes = [256, 1], strides = [1, 1]} : vector<256x128xf32> to vector<256x1xf32>
    %slice3A_381 = vector.extract_strided_slice %convert_element_type3A_256 {offsets = [0, 2688], sizes = [256, 128], strides = [1, 1]} : vector<256x4096xbf16> to vector<256x128xbf16>
    %dot_general3A_382 = arith.constant dense<0.000000e+00> : vector<256x128xf32>
    %dot_general3A_383 = tpu.matmul %slice3A_381, %convert_element_type3A_250, %dot_general3A_382 {dimension_numbers = #tpu.dot_dimension_numbers<[1], [0], [0], [1], [0, 0, 1, 1], [], []>, transpose_lhs_hint = false} : vector<256x128xbf16>, vector<128x128xbf16>, vector<256x128xf32> -> vector<256x128xf32>
    %add3A_384 = vector.broadcast %slice3A_380 : vector<256x1xf32> to vector<256x128xf32>
    %add3A_385 = arith.addf %dot_general3A_383, %add3A_384 : vector<256x128xf32>
    %slice3A_386 = vector.extract_strided_slice %add3A_385 {offsets = [0, 127], sizes = [256, 1], strides = [1, 1]} : vector<256x128xf32> to vector<256x1xf32>
    %slice3A_387 = vector.extract_strided_slice %convert_element_type3A_256 {offsets = [0, 2816], sizes = [256, 128], strides = [1, 1]} : vector<256x4096xbf16> to vector<256x128xbf16>
    %dot_general3A_388 = arith.constant dense<0.000000e+00> : vector<256x128xf32>
    %dot_general3A_389 = tpu.matmul %slice3A_387, %convert_element_type3A_250, %dot_general3A_388 {dimension_numbers = #tpu.dot_dimension_numbers<[1], [0], [0], [1], [0, 0, 1, 1], [], []>, transpose_lhs_hint = false} : vector<256x128xbf16>, vector<128x128xbf16>, vector<256x128xf32> -> vector<256x128xf32>
    %add3A_390 = vector.broadcast %slice3A_386 : vector<256x1xf32> to vector<256x128xf32>
    %add3A_391 = arith.addf %dot_general3A_389, %add3A_390 : vector<256x128xf32>
    %slice3A_392 = vector.extract_strided_slice %add3A_391 {offsets = [0, 127], sizes = [256, 1], strides = [1, 1]} : vector<256x128xf32> to vector<256x1xf32>
    %slice3A_393 = vector.extract_strided_slice %convert_element_type3A_256 {offsets = [0, 2944], sizes = [256, 128], strides = [1, 1]} : vector<256x4096xbf16> to vector<256x128xbf16>
    %dot_general3A_394 = arith.constant dense<0.000000e+00> : vector<256x128xf32>
    %dot_general3A_395 = tpu.matmul %slice3A_393, %convert_element_type3A_250, %dot_general3A_394 {dimension_numbers = #tpu.dot_dimension_numbers<[1], [0], [0], [1], [0, 0, 1, 1], [], []>, transpose_lhs_hint = false} : vector<256x128xbf16>, vector<128x128xbf16>, vector<256x128xf32> -> vector<256x128xf32>
    %add3A_396 = vector.broadcast %slice3A_392 : vector<256x1xf32> to vector<256x128xf32>
    %add3A_397 = arith.addf %dot_general3A_395, %add3A_396 : vector<256x128xf32>
    %slice3A_398 = vector.extract_strided_slice %add3A_397 {offsets = [0, 127], sizes = [256, 1], strides = [1, 1]} : vector<256x128xf32> to vector<256x1xf32>
    %slice3A_399 = vector.extract_strided_slice %convert_element_type3A_256 {offsets = [0, 3072], sizes = [256, 128], strides = [1, 1]} : vector<256x4096xbf16> to vector<256x128xbf16>
    %dot_general3A_400 = arith.constant dense<0.000000e+00> : vector<256x128xf32>
    %dot_general3A_401 = tpu.matmul %slice3A_399, %convert_element_type3A_250, %dot_general3A_400 {dimension_numbers = #tpu.dot_dimension_numbers<[1], [0], [0], [1], [0, 0, 1, 1], [], []>, transpose_lhs_hint = false} : vector<256x128xbf16>, vector<128x128xbf16>, vector<256x128xf32> -> vector<256x128xf32>
    %add3A_402 = vector.broadcast %slice3A_398 : vector<256x1xf32> to vector<256x128xf32>
    %add3A_403 = arith.addf %dot_general3A_401, %add3A_402 : vector<256x128xf32>
    %slice3A_404 = vector.extract_strided_slice %add3A_403 {offsets = [0, 127], sizes = [256, 1], strides = [1, 1]} : vector<256x128xf32> to vector<256x1xf32>
    %slice3A_405 = vector.extract_strided_slice %convert_element_type3A_256 {offsets = [0, 3200], sizes = [256, 128], strides = [1, 1]} : vector<256x4096xbf16> to vector<256x128xbf16>
    %dot_general3A_406 = arith.constant dense<0.000000e+00> : vector<256x128xf32>
    %dot_general3A_407 = tpu.matmul %slice3A_405, %convert_element_type3A_250, %dot_general3A_406 {dimension_numbers = #tpu.dot_dimension_numbers<[1], [0], [0], [1], [0, 0, 1, 1], [], []>, transpose_lhs_hint = false} : vector<256x128xbf16>, vector<128x128xbf16>, vector<256x128xf32> -> vector<256x128xf32>
    %add3A_408 = vector.broadcast %slice3A_404 : vector<256x1xf32> to vector<256x128xf32>
    %add3A_409 = arith.addf %dot_general3A_407, %add3A_408 : vector<256x128xf32>
    %slice3A_410 = vector.extract_strided_slice %add3A_409 {offsets = [0, 127], sizes = [256, 1], strides = [1, 1]} : vector<256x128xf32> to vector<256x1xf32>
    %slice3A_411 = vector.extract_strided_slice %convert_element_type3A_256 {offsets = [0, 3328], sizes = [256, 128], strides = [1, 1]} : vector<256x4096xbf16> to vector<256x128xbf16>
    %dot_general3A_412 = arith.constant dense<0.000000e+00> : vector<256x128xf32>
    %dot_general3A_413 = tpu.matmul %slice3A_411, %convert_element_type3A_250, %dot_general3A_412 {dimension_numbers = #tpu.dot_dimension_numbers<[1], [0], [0], [1], [0, 0, 1, 1], [], []>, transpose_lhs_hint = false} : vector<256x128xbf16>, vector<128x128xbf16>, vector<256x128xf32> -> vector<256x128xf32>
    %add3A_414 = vector.broadcast %slice3A_410 : vector<256x1xf32> to vector<256x128xf32>
    %add3A_415 = arith.addf %dot_general3A_413, %add3A_414 : vector<256x128xf32>
    %slice3A_416 = vector.extract_strided_slice %add3A_415 {offsets = [0, 127], sizes = [256, 1], strides = [1, 1]} : vector<256x128xf32> to vector<256x1xf32>
    %slice3A_417 = vector.extract_strided_slice %convert_element_type3A_256 {offsets = [0, 3456], sizes = [256, 128], strides = [1, 1]} : vector<256x4096xbf16> to vector<256x128xbf16>
    %dot_general3A_418 = arith.constant dense<0.000000e+00> : vector<256x128xf32>
    %dot_general3A_419 = tpu.matmul %slice3A_417, %convert_element_type3A_250, %dot_general3A_418 {dimension_numbers = #tpu.dot_dimension_numbers<[1], [0], [0], [1], [0, 0, 1, 1], [], []>, transpose_lhs_hint = false} : vector<256x128xbf16>, vector<128x128xbf16>, vector<256x128xf32> -> vector<256x128xf32>
    %add3A_420 = vector.broadcast %slice3A_416 : vector<256x1xf32> to vector<256x128xf32>
    %add3A_421 = arith.addf %dot_general3A_419, %add3A_420 : vector<256x128xf32>
    %slice3A_422 = vector.extract_strided_slice %add3A_421 {offsets = [0, 127], sizes = [256, 1], strides = [1, 1]} : vector<256x128xf32> to vector<256x1xf32>
    %slice3A_423 = vector.extract_strided_slice %convert_element_type3A_256 {offsets = [0, 3584], sizes = [256, 128], strides = [1, 1]} : vector<256x4096xbf16> to vector<256x128xbf16>
    %dot_general3A_424 = arith.constant dense<0.000000e+00> : vector<256x128xf32>
    %dot_general3A_425 = tpu.matmul %slice3A_423, %convert_element_type3A_250, %dot_general3A_424 {dimension_numbers = #tpu.dot_dimension_numbers<[1], [0], [0], [1], [0, 0, 1, 1], [], []>, transpose_lhs_hint = false} : vector<256x128xbf16>, vector<128x128xbf16>, vector<256x128xf32> -> vector<256x128xf32>
    %add3A_426 = vector.broadcast %slice3A_422 : vector<256x1xf32> to vector<256x128xf32>
    %add3A_427 = arith.addf %dot_general3A_425, %add3A_426 : vector<256x128xf32>
    %slice3A_428 = vector.extract_strided_slice %add3A_427 {offsets = [0, 127], sizes = [256, 1], strides = [1, 1]} : vector<256x128xf32> to vector<256x1xf32>
    %slice3A_429 = vector.extract_strided_slice %convert_element_type3A_256 {offsets = [0, 3712], sizes = [256, 128], strides = [1, 1]} : vector<256x4096xbf16> to vector<256x128xbf16>
    %dot_general3A_430 = arith.constant dense<0.000000e+00> : vector<256x128xf32>
    %dot_general3A_431 = tpu.matmul %slice3A_429, %convert_element_type3A_250, %dot_general3A_430 {dimension_numbers = #tpu.dot_dimension_numbers<[1], [0], [0], [1], [0, 0, 1, 1], [], []>, transpose_lhs_hint = false} : vector<256x128xbf16>, vector<128x128xbf16>, vector<256x128xf32> -> vector<256x128xf32>
    %add3A_432 = vector.broadcast %slice3A_428 : vector<256x1xf32> to vector<256x128xf32>
    %add3A_433 = arith.addf %dot_general3A_431, %add3A_432 : vector<256x128xf32>
    %slice3A_434 = vector.extract_strided_slice %add3A_433 {offsets = [0, 127], sizes = [256, 1], strides = [1, 1]} : vector<256x128xf32> to vector<256x1xf32>
    %slice3A_435 = vector.extract_strided_slice %convert_element_type3A_256 {offsets = [0, 3840], sizes = [256, 128], strides = [1, 1]} : vector<256x4096xbf16> to vector<256x128xbf16>
    %dot_general3A_436 = arith.constant dense<0.000000e+00> : vector<256x128xf32>
    %dot_general3A_437 = tpu.matmul %slice3A_435, %convert_element_type3A_250, %dot_general3A_436 {dimension_numbers = #tpu.dot_dimension_numbers<[1], [0], [0], [1], [0, 0, 1, 1], [], []>, transpose_lhs_hint = false} : vector<256x128xbf16>, vector<128x128xbf16>, vector<256x128xf32> -> vector<256x128xf32>
    %add3A_438 = vector.broadcast %slice3A_434 : vector<256x1xf32> to vector<256x128xf32>
    %add3A_439 = arith.addf %dot_general3A_437, %add3A_438 : vector<256x128xf32>
    %slice3A_440 = vector.extract_strided_slice %add3A_439 {offsets = [0, 127], sizes = [256, 1], strides = [1, 1]} : vector<256x128xf32> to vector<256x1xf32>
    %slice3A_441 = vector.extract_strided_slice %convert_element_type3A_256 {offsets = [0, 3968], sizes = [256, 128], strides = [1, 1]} : vector<256x4096xbf16> to vector<256x128xbf16>
    %dot_general3A_442 = arith.constant dense<0.000000e+00> : vector<256x128xf32>
    %dot_general3A_443 = tpu.matmul %slice3A_441, %convert_element_type3A_250, %dot_general3A_442 {dimension_numbers = #tpu.dot_dimension_numbers<[1], [0], [0], [1], [0, 0, 1, 1], [], []>, transpose_lhs_hint = false} : vector<256x128xbf16>, vector<128x128xbf16>, vector<256x128xf32> -> vector<256x128xf32>
    %add3A_444 = vector.broadcast %slice3A_440 : vector<256x1xf32> to vector<256x128xf32>
    %add3A_445 = arith.addf %dot_general3A_443, %add3A_444 : vector<256x128xf32>
    %concatenate3A_446 = tpu.concatenate %dot_general3A_259, %add3A_265, %add3A_271, %add3A_277, %add3A_283, %add3A_289, %add3A_295, %add3A_301, %add3A_307, %add3A_313, %add3A_319, %add3A_325, %add3A_331, %add3A_337, %add3A_343, %add3A_349, %add3A_355, %add3A_361, %add3A_367, %add3A_373, %add3A_379, %add3A_385, %add3A_391, %add3A_397, %add3A_403, %add3A_409, %add3A_415, %add3A_421, %add3A_427, %add3A_433, %add3A_439, %add3A_445 in 1 : vector<256x128xf32>, vector<256x128xf32>, vector<256x128xf32>, vector<256x128xf32>, vector<256x128xf32>, vector<256x128xf32>, vector<256x128xf32>, vector<256x128xf32>, vector<256x128xf32>, vector<256x128xf32>, vector<256x128xf32>, vector<256x128xf32>, vector<256x128xf32>, vector<256x128xf32>, vector<256x128xf32>, vector<256x128xf32>, vector<256x128xf32>, vector<256x128xf32>, vector<256x128xf32>, vector<256x128xf32>, vector<256x128xf32>, vector<256x128xf32>, vector<256x128xf32>, vector<256x128xf32>, vector<256x128xf32>, vector<256x128xf32>, vector<256x128xf32>, vector<256x128xf32>, vector<256x128xf32>, vector<256x128xf32>, vector<256x128xf32>, vector<256x128xf32> -> vector<256x4096xf32>
    %slice3A_447 = vector.extract_strided_slice %concatenate3A {offsets = [0, 4095], sizes = [256, 1], strides = [1, 1]} : vector<256x4096xf32> to vector<256x1xf32>
    %sub3A_448 = arith.constant 3.200000e+01 : f32
    %sub3A_449 = vector.broadcast %sub3A_448 : f32 to vector<256x1xf32>
    %sub3A_450 = arith.subf %sub3A_449, %slice3A_447 : vector<256x1xf32>
    %min3A = vector.broadcast %sub3A_450 : vector<256x1xf32> to vector<256x4096xf32>
    %min3A_451 = arith.minimumf %concatenate3A_446, %min3A : vector<256x4096xf32>
    %add3A_452 = arith.addf %concatenate3A, %min3A_451 : vector<256x4096xf32>
    %slice3A_453 = vector.extract_strided_slice %add3A_452 {offsets = [0, 4095], sizes = [256, 1], strides = [1, 1]} : vector<256x4096xf32> to vector<256x1xf32>
    %le3A_454 = arith.constant 0.000000e+00 : f32
    %le3A_455 = vector.broadcast %le3A_454 : f32 to vector<256x4096xf32>
    %le3A_456 = arith.cmpf ole, %add3A_452, %le3A_455 : vector<256x4096xf32>
    %convert_element_type3A_457 = arith.extui %le3A_456 : vector<256x4096xi1> to vector<256x4096xi32>
    %reduce_sum3A = arith.constant dense<0> : vector<256xi32>
    %reduce_sum3A_458 = vector.multi_reduction <add>, %convert_element_type3A_457, %reduce_sum3A [1] : vector<256x4096xi32> to vector<256xi32>
    %broadcast_in_dim3A_459 = vector.shape_cast %reduce_sum3A_458 : vector<256xi32> to vector<256x1xi32>
    %le3A_460 = arith.constant 1.000000e+00 : f32
    %le3A_461 = vector.broadcast %le3A_460 : f32 to vector<256x4096xf32>
    %le3A_462 = arith.cmpf ole, %add3A_452, %le3A_461 : vector<256x4096xf32>
    %convert_element_type3A_463 = arith.extui %le3A_462 : vector<256x4096xi1> to vector<256x4096xi32>
    %reduce_sum3A_464 = arith.constant dense<0> : vector<256xi32>
    %reduce_sum3A_465 = vector.multi_reduction <add>, %convert_element_type3A_463, %reduce_sum3A_464 [1] : vector<256x4096xi32> to vector<256xi32>
    %broadcast_in_dim3A_466 = vector.shape_cast %reduce_sum3A_465 : vector<256xi32> to vector<256x1xi32>
    %ge3A = arith.constant 2.000000e+00 : f32
    %ge3A_467 = vector.broadcast %ge3A : f32 to vector<256x1xf32>
    %ge3A_468 = arith.cmpf oge, %slice3A_453, %ge3A_467 : vector<256x1xf32>
    %select_n3A_469 = arith.select %ge3A_468, %broadcast_in_dim3A_466, %broadcast_in_dim3A_459 : vector<256x1xi1>, vector<256x1xi32>
    %le3A_470 = arith.constant 2.000000e+00 : f32
    %le3A_471 = vector.broadcast %le3A_470 : f32 to vector<256x4096xf32>
    %le3A_472 = arith.cmpf ole, %add3A_452, %le3A_471 : vector<256x4096xf32>
    %convert_element_type3A_473 = arith.extui %le3A_472 : vector<256x4096xi1> to vector<256x4096xi32>
    %reduce_sum3A_474 = arith.constant dense<0> : vector<256xi32>
    %reduce_sum3A_475 = vector.multi_reduction <add>, %convert_element_type3A_473, %reduce_sum3A_474 [1] : vector<256x4096xi32> to vector<256xi32>
    %broadcast_in_dim3A_476 = vector.shape_cast %reduce_sum3A_475 : vector<256xi32> to vector<256x1xi32>
    %ge3A_477 = arith.constant 3.000000e+00 : f32
    %ge3A_478 = vector.broadcast %ge3A_477 : f32 to vector<256x1xf32>
    %ge3A_479 = arith.cmpf oge, %slice3A_453, %ge3A_478 : vector<256x1xf32>
    %select_n3A_480 = arith.select %ge3A_479, %broadcast_in_dim3A_476, %broadcast_in_dim3A_459 : vector<256x1xi1>, vector<256x1xi32>
    %le3A_481 = arith.constant 3.000000e+00 : f32
    %le3A_482 = vector.broadcast %le3A_481 : f32 to vector<256x4096xf32>
    %le3A_483 = arith.cmpf ole, %add3A_452, %le3A_482 : vector<256x4096xf32>
    %convert_element_type3A_484 = arith.extui %le3A_483 : vector<256x4096xi1> to vector<256x4096xi32>
    %reduce_sum3A_485 = arith.constant dense<0> : vector<256xi32>
    %reduce_sum3A_486 = vector.multi_reduction <add>, %convert_element_type3A_484, %reduce_sum3A_485 [1] : vector<256x4096xi32> to vector<256xi32>
    %broadcast_in_dim3A_487 = vector.shape_cast %reduce_sum3A_486 : vector<256xi32> to vector<256x1xi32>
    %ge3A_488 = arith.constant 4.000000e+00 : f32
    %ge3A_489 = vector.broadcast %ge3A_488 : f32 to vector<256x1xf32>
    %ge3A_490 = arith.cmpf oge, %slice3A_453, %ge3A_489 : vector<256x1xf32>
    %select_n3A_491 = arith.select %ge3A_490, %broadcast_in_dim3A_487, %broadcast_in_dim3A_459 : vector<256x1xi1>, vector<256x1xi32>
    %le3A_492 = arith.constant 4.000000e+00 : f32
    %le3A_493 = vector.broadcast %le3A_492 : f32 to vector<256x4096xf32>
    %le3A_494 = arith.cmpf ole, %add3A_452, %le3A_493 : vector<256x4096xf32>
    %convert_element_type3A_495 = arith.extui %le3A_494 : vector<256x4096xi1> to vector<256x4096xi32>
    %reduce_sum3A_496 = arith.constant dense<0> : vector<256xi32>
    %reduce_sum3A_497 = vector.multi_reduction <add>, %convert_element_type3A_495, %reduce_sum3A_496 [1] : vector<256x4096xi32> to vector<256xi32>
    %broadcast_in_dim3A_498 = vector.shape_cast %reduce_sum3A_497 : vector<256xi32> to vector<256x1xi32>
    %ge3A_499 = arith.constant 5.000000e+00 : f32
    %ge3A_500 = vector.broadcast %ge3A_499 : f32 to vector<256x1xf32>
    %ge3A_501 = arith.cmpf oge, %slice3A_453, %ge3A_500 : vector<256x1xf32>
    %select_n3A_502 = arith.select %ge3A_501, %broadcast_in_dim3A_498, %broadcast_in_dim3A_459 : vector<256x1xi1>, vector<256x1xi32>
    %le3A_503 = arith.constant 5.000000e+00 : f32
    %le3A_504 = vector.broadcast %le3A_503 : f32 to vector<256x4096xf32>
    %le3A_505 = arith.cmpf ole, %add3A_452, %le3A_504 : vector<256x4096xf32>
    %convert_element_type3A_506 = arith.extui %le3A_505 : vector<256x4096xi1> to vector<256x4096xi32>
    %reduce_sum3A_507 = arith.constant dense<0> : vector<256xi32>
    %reduce_sum3A_508 = vector.multi_reduction <add>, %convert_element_type3A_506, %reduce_sum3A_507 [1] : vector<256x4096xi32> to vector<256xi32>
    %broadcast_in_dim3A_509 = vector.shape_cast %reduce_sum3A_508 : vector<256xi32> to vector<256x1xi32>
    %ge3A_510 = arith.constant 6.000000e+00 : f32
    %ge3A_511 = vector.broadcast %ge3A_510 : f32 to vector<256x1xf32>
    %ge3A_512 = arith.cmpf oge, %slice3A_453, %ge3A_511 : vector<256x1xf32>
    %select_n3A_513 = arith.select %ge3A_512, %broadcast_in_dim3A_509, %broadcast_in_dim3A_459 : vector<256x1xi1>, vector<256x1xi32>
    %le3A_514 = arith.constant 6.000000e+00 : f32
    %le3A_515 = vector.broadcast %le3A_514 : f32 to vector<256x4096xf32>
    %le3A_516 = arith.cmpf ole, %add3A_452, %le3A_515 : vector<256x4096xf32>
    %convert_element_type3A_517 = arith.extui %le3A_516 : vector<256x4096xi1> to vector<256x4096xi32>
    %reduce_sum3A_518 = arith.constant dense<0> : vector<256xi32>
    %reduce_sum3A_519 = vector.multi_reduction <add>, %convert_element_type3A_517, %reduce_sum3A_518 [1] : vector<256x4096xi32> to vector<256xi32>
    %broadcast_in_dim3A_520 = vector.shape_cast %reduce_sum3A_519 : vector<256xi32> to vector<256x1xi32>
    %ge3A_521 = arith.constant 7.000000e+00 : f32
    %ge3A_522 = vector.broadcast %ge3A_521 : f32 to vector<256x1xf32>
    %ge3A_523 = arith.cmpf oge, %slice3A_453, %ge3A_522 : vector<256x1xf32>
    %select_n3A_524 = arith.select %ge3A_523, %broadcast_in_dim3A_520, %broadcast_in_dim3A_459 : vector<256x1xi1>, vector<256x1xi32>
    %le3A_525 = arith.constant 7.000000e+00 : f32
    %le3A_526 = vector.broadcast %le3A_525 : f32 to vector<256x4096xf32>
    %le3A_527 = arith.cmpf ole, %add3A_452, %le3A_526 : vector<256x4096xf32>
    %convert_element_type3A_528 = arith.extui %le3A_527 : vector<256x4096xi1> to vector<256x4096xi32>
    %reduce_sum3A_529 = arith.constant dense<0> : vector<256xi32>
    %reduce_sum3A_530 = vector.multi_reduction <add>, %convert_element_type3A_528, %reduce_sum3A_529 [1] : vector<256x4096xi32> to vector<256xi32>
    %broadcast_in_dim3A_531 = vector.shape_cast %reduce_sum3A_530 : vector<256xi32> to vector<256x1xi32>
    %ge3A_532 = arith.constant 8.000000e+00 : f32
    %ge3A_533 = vector.broadcast %ge3A_532 : f32 to vector<256x1xf32>
    %ge3A_534 = arith.cmpf oge, %slice3A_453, %ge3A_533 : vector<256x1xf32>
    %select_n3A_535 = arith.select %ge3A_534, %broadcast_in_dim3A_531, %broadcast_in_dim3A_459 : vector<256x1xi1>, vector<256x1xi32>
    %le3A_536 = arith.constant 8.000000e+00 : f32
    %le3A_537 = vector.broadcast %le3A_536 : f32 to vector<256x4096xf32>
    %le3A_538 = arith.cmpf ole, %add3A_452, %le3A_537 : vector<256x4096xf32>
    %convert_element_type3A_539 = arith.extui %le3A_538 : vector<256x4096xi1> to vector<256x4096xi32>
    %reduce_sum3A_540 = arith.constant dense<0> : vector<256xi32>
    %reduce_sum3A_541 = vector.multi_reduction <add>, %convert_element_type3A_539, %reduce_sum3A_540 [1] : vector<256x4096xi32> to vector<256xi32>
    %broadcast_in_dim3A_542 = vector.shape_cast %reduce_sum3A_541 : vector<256xi32> to vector<256x1xi32>
    %ge3A_543 = arith.constant 9.000000e+00 : f32
    %ge3A_544 = vector.broadcast %ge3A_543 : f32 to vector<256x1xf32>
    %ge3A_545 = arith.cmpf oge, %slice3A_453, %ge3A_544 : vector<256x1xf32>
    %select_n3A_546 = arith.select %ge3A_545, %broadcast_in_dim3A_542, %broadcast_in_dim3A_459 : vector<256x1xi1>, vector<256x1xi32>
    %le3A_547 = arith.constant 9.000000e+00 : f32
    %le3A_548 = vector.broadcast %le3A_547 : f32 to vector<256x4096xf32>
    %le3A_549 = arith.cmpf ole, %add3A_452, %le3A_548 : vector<256x4096xf32>
    %convert_element_type3A_550 = arith.extui %le3A_549 : vector<256x4096xi1> to vector<256x4096xi32>
    %reduce_sum3A_551 = arith.constant dense<0> : vector<256xi32>
    %reduce_sum3A_552 = vector.multi_reduction <add>, %convert_element_type3A_550, %reduce_sum3A_551 [1] : vector<256x4096xi32> to vector<256xi32>
    %broadcast_in_dim3A_553 = vector.shape_cast %reduce_sum3A_552 : vector<256xi32> to vector<256x1xi32>
    %ge3A_554 = arith.constant 1.000000e+01 : f32
    %ge3A_555 = vector.broadcast %ge3A_554 : f32 to vector<256x1xf32>
    %ge3A_556 = arith.cmpf oge, %slice3A_453, %ge3A_555 : vector<256x1xf32>
    %select_n3A_557 = arith.select %ge3A_556, %broadcast_in_dim3A_553, %broadcast_in_dim3A_459 : vector<256x1xi1>, vector<256x1xi32>
    %le3A_558 = arith.constant 1.000000e+01 : f32
    %le3A_559 = vector.broadcast %le3A_558 : f32 to vector<256x4096xf32>
    %le3A_560 = arith.cmpf ole, %add3A_452, %le3A_559 : vector<256x4096xf32>
    %convert_element_type3A_561 = arith.extui %le3A_560 : vector<256x4096xi1> to vector<256x4096xi32>
    %reduce_sum3A_562 = arith.constant dense<0> : vector<256xi32>
    %reduce_sum3A_563 = vector.multi_reduction <add>, %convert_element_type3A_561, %reduce_sum3A_562 [1] : vector<256x4096xi32> to vector<256xi32>
    %broadcast_in_dim3A_564 = vector.shape_cast %reduce_sum3A_563 : vector<256xi32> to vector<256x1xi32>
    %ge3A_565 = arith.constant 1.100000e+01 : f32
    %ge3A_566 = vector.broadcast %ge3A_565 : f32 to vector<256x1xf32>
    %ge3A_567 = arith.cmpf oge, %slice3A_453, %ge3A_566 : vector<256x1xf32>
    %select_n3A_568 = arith.select %ge3A_567, %broadcast_in_dim3A_564, %broadcast_in_dim3A_459 : vector<256x1xi1>, vector<256x1xi32>
    %le3A_569 = arith.constant 1.100000e+01 : f32
    %le3A_570 = vector.broadcast %le3A_569 : f32 to vector<256x4096xf32>
    %le3A_571 = arith.cmpf ole, %add3A_452, %le3A_570 : vector<256x4096xf32>
    %convert_element_type3A_572 = arith.extui %le3A_571 : vector<256x4096xi1> to vector<256x4096xi32>
    %reduce_sum3A_573 = arith.constant dense<0> : vector<256xi32>
    %reduce_sum3A_574 = vector.multi_reduction <add>, %convert_element_type3A_572, %reduce_sum3A_573 [1] : vector<256x4096xi32> to vector<256xi32>
    %broadcast_in_dim3A_575 = vector.shape_cast %reduce_sum3A_574 : vector<256xi32> to vector<256x1xi32>
    %ge3A_576 = arith.constant 1.200000e+01 : f32
    %ge3A_577 = vector.broadcast %ge3A_576 : f32 to vector<256x1xf32>
    %ge3A_578 = arith.cmpf oge, %slice3A_453, %ge3A_577 : vector<256x1xf32>
    %select_n3A_579 = arith.select %ge3A_578, %broadcast_in_dim3A_575, %broadcast_in_dim3A_459 : vector<256x1xi1>, vector<256x1xi32>
    %le3A_580 = arith.constant 1.200000e+01 : f32
    %le3A_581 = vector.broadcast %le3A_580 : f32 to vector<256x4096xf32>
    %le3A_582 = arith.cmpf ole, %add3A_452, %le3A_581 : vector<256x4096xf32>
    %convert_element_type3A_583 = arith.extui %le3A_582 : vector<256x4096xi1> to vector<256x4096xi32>
    %reduce_sum3A_584 = arith.constant dense<0> : vector<256xi32>
    %reduce_sum3A_585 = vector.multi_reduction <add>, %convert_element_type3A_583, %reduce_sum3A_584 [1] : vector<256x4096xi32> to vector<256xi32>
    %broadcast_in_dim3A_586 = vector.shape_cast %reduce_sum3A_585 : vector<256xi32> to vector<256x1xi32>
    %ge3A_587 = arith.constant 1.300000e+01 : f32
    %ge3A_588 = vector.broadcast %ge3A_587 : f32 to vector<256x1xf32>
    %ge3A_589 = arith.cmpf oge, %slice3A_453, %ge3A_588 : vector<256x1xf32>
    %select_n3A_590 = arith.select %ge3A_589, %broadcast_in_dim3A_586, %broadcast_in_dim3A_459 : vector<256x1xi1>, vector<256x1xi32>
    %le3A_591 = arith.constant 1.300000e+01 : f32
    %le3A_592 = vector.broadcast %le3A_591 : f32 to vector<256x4096xf32>
    %le3A_593 = arith.cmpf ole, %add3A_452, %le3A_592 : vector<256x4096xf32>
    %convert_element_type3A_594 = arith.extui %le3A_593 : vector<256x4096xi1> to vector<256x4096xi32>
    %reduce_sum3A_595 = arith.constant dense<0> : vector<256xi32>
    %reduce_sum3A_596 = vector.multi_reduction <add>, %convert_element_type3A_594, %reduce_sum3A_595 [1] : vector<256x4096xi32> to vector<256xi32>
    %broadcast_in_dim3A_597 = vector.shape_cast %reduce_sum3A_596 : vector<256xi32> to vector<256x1xi32>
    %ge3A_598 = arith.constant 1.400000e+01 : f32
    %ge3A_599 = vector.broadcast %ge3A_598 : f32 to vector<256x1xf32>
    %ge3A_600 = arith.cmpf oge, %slice3A_453, %ge3A_599 : vector<256x1xf32>
    %select_n3A_601 = arith.select %ge3A_600, %broadcast_in_dim3A_597, %broadcast_in_dim3A_459 : vector<256x1xi1>, vector<256x1xi32>
    %le3A_602 = arith.constant 1.400000e+01 : f32
    %le3A_603 = vector.broadcast %le3A_602 : f32 to vector<256x4096xf32>
    %le3A_604 = arith.cmpf ole, %add3A_452, %le3A_603 : vector<256x4096xf32>
    %convert_element_type3A_605 = arith.extui %le3A_604 : vector<256x4096xi1> to vector<256x4096xi32>
    %reduce_sum3A_606 = arith.constant dense<0> : vector<256xi32>
    %reduce_sum3A_607 = vector.multi_reduction <add>, %convert_element_type3A_605, %reduce_sum3A_606 [1] : vector<256x4096xi32> to vector<256xi32>
    %broadcast_in_dim3A_608 = vector.shape_cast %reduce_sum3A_607 : vector<256xi32> to vector<256x1xi32>
    %ge3A_609 = arith.constant 1.500000e+01 : f32
    %ge3A_610 = vector.broadcast %ge3A_609 : f32 to vector<256x1xf32>
    %ge3A_611 = arith.cmpf oge, %slice3A_453, %ge3A_610 : vector<256x1xf32>
    %select_n3A_612 = arith.select %ge3A_611, %broadcast_in_dim3A_608, %broadcast_in_dim3A_459 : vector<256x1xi1>, vector<256x1xi32>
    %le3A_613 = arith.constant 1.500000e+01 : f32
    %le3A_614 = vector.broadcast %le3A_613 : f32 to vector<256x4096xf32>
    %le3A_615 = arith.cmpf ole, %add3A_452, %le3A_614 : vector<256x4096xf32>
    %convert_element_type3A_616 = arith.extui %le3A_615 : vector<256x4096xi1> to vector<256x4096xi32>
    %reduce_sum3A_617 = arith.constant dense<0> : vector<256xi32>
    %reduce_sum3A_618 = vector.multi_reduction <add>, %convert_element_type3A_616, %reduce_sum3A_617 [1] : vector<256x4096xi32> to vector<256xi32>
    %broadcast_in_dim3A_619 = vector.shape_cast %reduce_sum3A_618 : vector<256xi32> to vector<256x1xi32>
    %ge3A_620 = arith.constant 1.600000e+01 : f32
    %ge3A_621 = vector.broadcast %ge3A_620 : f32 to vector<256x1xf32>
    %ge3A_622 = arith.cmpf oge, %slice3A_453, %ge3A_621 : vector<256x1xf32>
    %select_n3A_623 = arith.select %ge3A_622, %broadcast_in_dim3A_619, %broadcast_in_dim3A_459 : vector<256x1xi1>, vector<256x1xi32>
    %le3A_624 = arith.constant 1.600000e+01 : f32
    %le3A_625 = vector.broadcast %le3A_624 : f32 to vector<256x4096xf32>
    %le3A_626 = arith.cmpf ole, %add3A_452, %le3A_625 : vector<256x4096xf32>
    %convert_element_type3A_627 = arith.extui %le3A_626 : vector<256x4096xi1> to vector<256x4096xi32>
    %reduce_sum3A_628 = arith.constant dense<0> : vector<256xi32>
    %reduce_sum3A_629 = vector.multi_reduction <add>, %convert_element_type3A_627, %reduce_sum3A_628 [1] : vector<256x4096xi32> to vector<256xi32>
    %broadcast_in_dim3A_630 = vector.shape_cast %reduce_sum3A_629 : vector<256xi32> to vector<256x1xi32>
    %ge3A_631 = arith.constant 1.700000e+01 : f32
    %ge3A_632 = vector.broadcast %ge3A_631 : f32 to vector<256x1xf32>
    %ge3A_633 = arith.cmpf oge, %slice3A_453, %ge3A_632 : vector<256x1xf32>
    %select_n3A_634 = arith.select %ge3A_633, %broadcast_in_dim3A_630, %broadcast_in_dim3A_459 : vector<256x1xi1>, vector<256x1xi32>
    %le3A_635 = arith.constant 1.700000e+01 : f32
    %le3A_636 = vector.broadcast %le3A_635 : f32 to vector<256x4096xf32>
    %le3A_637 = arith.cmpf ole, %add3A_452, %le3A_636 : vector<256x4096xf32>
    %convert_element_type3A_638 = arith.extui %le3A_637 : vector<256x4096xi1> to vector<256x4096xi32>
    %reduce_sum3A_639 = arith.constant dense<0> : vector<256xi32>
    %reduce_sum3A_640 = vector.multi_reduction <add>, %convert_element_type3A_638, %reduce_sum3A_639 [1] : vector<256x4096xi32> to vector<256xi32>
    %broadcast_in_dim3A_641 = vector.shape_cast %reduce_sum3A_640 : vector<256xi32> to vector<256x1xi32>
    %ge3A_642 = arith.constant 1.800000e+01 : f32
    %ge3A_643 = vector.broadcast %ge3A_642 : f32 to vector<256x1xf32>
    %ge3A_644 = arith.cmpf oge, %slice3A_453, %ge3A_643 : vector<256x1xf32>
    %select_n3A_645 = arith.select %ge3A_644, %broadcast_in_dim3A_641, %broadcast_in_dim3A_459 : vector<256x1xi1>, vector<256x1xi32>
    %le3A_646 = arith.constant 1.800000e+01 : f32
    %le3A_647 = vector.broadcast %le3A_646 : f32 to vector<256x4096xf32>
    %le3A_648 = arith.cmpf ole, %add3A_452, %le3A_647 : vector<256x4096xf32>
    %convert_element_type3A_649 = arith.extui %le3A_648 : vector<256x4096xi1> to vector<256x4096xi32>
    %reduce_sum3A_650 = arith.constant dense<0> : vector<256xi32>
    %reduce_sum3A_651 = vector.multi_reduction <add>, %convert_element_type3A_649, %reduce_sum3A_650 [1] : vector<256x4096xi32> to vector<256xi32>
    %broadcast_in_dim3A_652 = vector.shape_cast %reduce_sum3A_651 : vector<256xi32> to vector<256x1xi32>
    %ge3A_653 = arith.constant 1.900000e+01 : f32
    %ge3A_654 = vector.broadcast %ge3A_653 : f32 to vector<256x1xf32>
    %ge3A_655 = arith.cmpf oge, %slice3A_453, %ge3A_654 : vector<256x1xf32>
    %select_n3A_656 = arith.select %ge3A_655, %broadcast_in_dim3A_652, %broadcast_in_dim3A_459 : vector<256x1xi1>, vector<256x1xi32>
    %le3A_657 = arith.constant 1.900000e+01 : f32
    %le3A_658 = vector.broadcast %le3A_657 : f32 to vector<256x4096xf32>
    %le3A_659 = arith.cmpf ole, %add3A_452, %le3A_658 : vector<256x4096xf32>
    %convert_element_type3A_660 = arith.extui %le3A_659 : vector<256x4096xi1> to vector<256x4096xi32>
    %reduce_sum3A_661 = arith.constant dense<0> : vector<256xi32>
    %reduce_sum3A_662 = vector.multi_reduction <add>, %convert_element_type3A_660, %reduce_sum3A_661 [1] : vector<256x4096xi32> to vector<256xi32>
    %broadcast_in_dim3A_663 = vector.shape_cast %reduce_sum3A_662 : vector<256xi32> to vector<256x1xi32>
    %ge3A_664 = arith.constant 2.000000e+01 : f32
    %ge3A_665 = vector.broadcast %ge3A_664 : f32 to vector<256x1xf32>
    %ge3A_666 = arith.cmpf oge, %slice3A_453, %ge3A_665 : vector<256x1xf32>
    %select_n3A_667 = arith.select %ge3A_666, %broadcast_in_dim3A_663, %broadcast_in_dim3A_459 : vector<256x1xi1>, vector<256x1xi32>
    %le3A_668 = arith.constant 2.000000e+01 : f32
    %le3A_669 = vector.broadcast %le3A_668 : f32 to vector<256x4096xf32>
    %le3A_670 = arith.cmpf ole, %add3A_452, %le3A_669 : vector<256x4096xf32>
    %convert_element_type3A_671 = arith.extui %le3A_670 : vector<256x4096xi1> to vector<256x4096xi32>
    %reduce_sum3A_672 = arith.constant dense<0> : vector<256xi32>
    %reduce_sum3A_673 = vector.multi_reduction <add>, %convert_element_type3A_671, %reduce_sum3A_672 [1] : vector<256x4096xi32> to vector<256xi32>
    %broadcast_in_dim3A_674 = vector.shape_cast %reduce_sum3A_673 : vector<256xi32> to vector<256x1xi32>
    %ge3A_675 = arith.constant 2.100000e+01 : f32
    %ge3A_676 = vector.broadcast %ge3A_675 : f32 to vector<256x1xf32>
    %ge3A_677 = arith.cmpf oge, %slice3A_453, %ge3A_676 : vector<256x1xf32>
    %select_n3A_678 = arith.select %ge3A_677, %broadcast_in_dim3A_674, %broadcast_in_dim3A_459 : vector<256x1xi1>, vector<256x1xi32>
    %le3A_679 = arith.constant 2.100000e+01 : f32
    %le3A_680 = vector.broadcast %le3A_679 : f32 to vector<256x4096xf32>
    %le3A_681 = arith.cmpf ole, %add3A_452, %le3A_680 : vector<256x4096xf32>
    %convert_element_type3A_682 = arith.extui %le3A_681 : vector<256x4096xi1> to vector<256x4096xi32>
    %reduce_sum3A_683 = arith.constant dense<0> : vector<256xi32>
    %reduce_sum3A_684 = vector.multi_reduction <add>, %convert_element_type3A_682, %reduce_sum3A_683 [1] : vector<256x4096xi32> to vector<256xi32>
    %broadcast_in_dim3A_685 = vector.shape_cast %reduce_sum3A_684 : vector<256xi32> to vector<256x1xi32>
    %ge3A_686 = arith.constant 2.200000e+01 : f32
    %ge3A_687 = vector.broadcast %ge3A_686 : f32 to vector<256x1xf32>
    %ge3A_688 = arith.cmpf oge, %slice3A_453, %ge3A_687 : vector<256x1xf32>
    %select_n3A_689 = arith.select %ge3A_688, %broadcast_in_dim3A_685, %broadcast_in_dim3A_459 : vector<256x1xi1>, vector<256x1xi32>
    %le3A_690 = arith.constant 2.200000e+01 : f32
    %le3A_691 = vector.broadcast %le3A_690 : f32 to vector<256x4096xf32>
    %le3A_692 = arith.cmpf ole, %add3A_452, %le3A_691 : vector<256x4096xf32>
    %convert_element_type3A_693 = arith.extui %le3A_692 : vector<256x4096xi1> to vector<256x4096xi32>
    %reduce_sum3A_694 = arith.constant dense<0> : vector<256xi32>
    %reduce_sum3A_695 = vector.multi_reduction <add>, %convert_element_type3A_693, %reduce_sum3A_694 [1] : vector<256x4096xi32> to vector<256xi32>
    %broadcast_in_dim3A_696 = vector.shape_cast %reduce_sum3A_695 : vector<256xi32> to vector<256x1xi32>
    %ge3A_697 = arith.constant 2.300000e+01 : f32
    %ge3A_698 = vector.broadcast %ge3A_697 : f32 to vector<256x1xf32>
    %ge3A_699 = arith.cmpf oge, %slice3A_453, %ge3A_698 : vector<256x1xf32>
    %select_n3A_700 = arith.select %ge3A_699, %broadcast_in_dim3A_696, %broadcast_in_dim3A_459 : vector<256x1xi1>, vector<256x1xi32>
    %le3A_701 = arith.constant 2.300000e+01 : f32
    %le3A_702 = vector.broadcast %le3A_701 : f32 to vector<256x4096xf32>
    %le3A_703 = arith.cmpf ole, %add3A_452, %le3A_702 : vector<256x4096xf32>
    %convert_element_type3A_704 = arith.extui %le3A_703 : vector<256x4096xi1> to vector<256x4096xi32>
    %reduce_sum3A_705 = arith.constant dense<0> : vector<256xi32>
    %reduce_sum3A_706 = vector.multi_reduction <add>, %convert_element_type3A_704, %reduce_sum3A_705 [1] : vector<256x4096xi32> to vector<256xi32>
    %broadcast_in_dim3A_707 = vector.shape_cast %reduce_sum3A_706 : vector<256xi32> to vector<256x1xi32>
    %ge3A_708 = arith.constant 2.400000e+01 : f32
    %ge3A_709 = vector.broadcast %ge3A_708 : f32 to vector<256x1xf32>
    %ge3A_710 = arith.cmpf oge, %slice3A_453, %ge3A_709 : vector<256x1xf32>
    %select_n3A_711 = arith.select %ge3A_710, %broadcast_in_dim3A_707, %broadcast_in_dim3A_459 : vector<256x1xi1>, vector<256x1xi32>
    %le3A_712 = arith.constant 2.400000e+01 : f32
    %le3A_713 = vector.broadcast %le3A_712 : f32 to vector<256x4096xf32>
    %le3A_714 = arith.cmpf ole, %add3A_452, %le3A_713 : vector<256x4096xf32>
    %convert_element_type3A_715 = arith.extui %le3A_714 : vector<256x4096xi1> to vector<256x4096xi32>
    %reduce_sum3A_716 = arith.constant dense<0> : vector<256xi32>
    %reduce_sum3A_717 = vector.multi_reduction <add>, %convert_element_type3A_715, %reduce_sum3A_716 [1] : vector<256x4096xi32> to vector<256xi32>
    %broadcast_in_dim3A_718 = vector.shape_cast %reduce_sum3A_717 : vector<256xi32> to vector<256x1xi32>
    %ge3A_719 = arith.constant 2.500000e+01 : f32
    %ge3A_720 = vector.broadcast %ge3A_719 : f32 to vector<256x1xf32>
    %ge3A_721 = arith.cmpf oge, %slice3A_453, %ge3A_720 : vector<256x1xf32>
    %select_n3A_722 = arith.select %ge3A_721, %broadcast_in_dim3A_718, %broadcast_in_dim3A_459 : vector<256x1xi1>, vector<256x1xi32>
    %le3A_723 = arith.constant 2.500000e+01 : f32
    %le3A_724 = vector.broadcast %le3A_723 : f32 to vector<256x4096xf32>
    %le3A_725 = arith.cmpf ole, %add3A_452, %le3A_724 : vector<256x4096xf32>
    %convert_element_type3A_726 = arith.extui %le3A_725 : vector<256x4096xi1> to vector<256x4096xi32>
    %reduce_sum3A_727 = arith.constant dense<0> : vector<256xi32>
    %reduce_sum3A_728 = vector.multi_reduction <add>, %convert_element_type3A_726, %reduce_sum3A_727 [1] : vector<256x4096xi32> to vector<256xi32>
    %broadcast_in_dim3A_729 = vector.shape_cast %reduce_sum3A_728 : vector<256xi32> to vector<256x1xi32>
    %ge3A_730 = arith.constant 2.600000e+01 : f32
    %ge3A_731 = vector.broadcast %ge3A_730 : f32 to vector<256x1xf32>
    %ge3A_732 = arith.cmpf oge, %slice3A_453, %ge3A_731 : vector<256x1xf32>
    %select_n3A_733 = arith.select %ge3A_732, %broadcast_in_dim3A_729, %broadcast_in_dim3A_459 : vector<256x1xi1>, vector<256x1xi32>
    %le3A_734 = arith.constant 2.600000e+01 : f32
    %le3A_735 = vector.broadcast %le3A_734 : f32 to vector<256x4096xf32>
    %le3A_736 = arith.cmpf ole, %add3A_452, %le3A_735 : vector<256x4096xf32>
    %convert_element_type3A_737 = arith.extui %le3A_736 : vector<256x4096xi1> to vector<256x4096xi32>
    %reduce_sum3A_738 = arith.constant dense<0> : vector<256xi32>
    %reduce_sum3A_739 = vector.multi_reduction <add>, %convert_element_type3A_737, %reduce_sum3A_738 [1] : vector<256x4096xi32> to vector<256xi32>
    %broadcast_in_dim3A_740 = vector.shape_cast %reduce_sum3A_739 : vector<256xi32> to vector<256x1xi32>
    %ge3A_741 = arith.constant 2.700000e+01 : f32
    %ge3A_742 = vector.broadcast %ge3A_741 : f32 to vector<256x1xf32>
    %ge3A_743 = arith.cmpf oge, %slice3A_453, %ge3A_742 : vector<256x1xf32>
    %select_n3A_744 = arith.select %ge3A_743, %broadcast_in_dim3A_740, %broadcast_in_dim3A_459 : vector<256x1xi1>, vector<256x1xi32>
    %le3A_745 = arith.constant 2.700000e+01 : f32
    %le3A_746 = vector.broadcast %le3A_745 : f32 to vector<256x4096xf32>
    %le3A_747 = arith.cmpf ole, %add3A_452, %le3A_746 : vector<256x4096xf32>
    %convert_element_type3A_748 = arith.extui %le3A_747 : vector<256x4096xi1> to vector<256x4096xi32>
    %reduce_sum3A_749 = arith.constant dense<0> : vector<256xi32>
    %reduce_sum3A_750 = vector.multi_reduction <add>, %convert_element_type3A_748, %reduce_sum3A_749 [1] : vector<256x4096xi32> to vector<256xi32>
    %broadcast_in_dim3A_751 = vector.shape_cast %reduce_sum3A_750 : vector<256xi32> to vector<256x1xi32>
    %ge3A_752 = arith.constant 2.800000e+01 : f32
    %ge3A_753 = vector.broadcast %ge3A_752 : f32 to vector<256x1xf32>
    %ge3A_754 = arith.cmpf oge, %slice3A_453, %ge3A_753 : vector<256x1xf32>
    %select_n3A_755 = arith.select %ge3A_754, %broadcast_in_dim3A_751, %broadcast_in_dim3A_459 : vector<256x1xi1>, vector<256x1xi32>
    %le3A_756 = arith.constant 2.800000e+01 : f32
    %le3A_757 = vector.broadcast %le3A_756 : f32 to vector<256x4096xf32>
    %le3A_758 = arith.cmpf ole, %add3A_452, %le3A_757 : vector<256x4096xf32>
    %convert_element_type3A_759 = arith.extui %le3A_758 : vector<256x4096xi1> to vector<256x4096xi32>
    %reduce_sum3A_760 = arith.constant dense<0> : vector<256xi32>
    %reduce_sum3A_761 = vector.multi_reduction <add>, %convert_element_type3A_759, %reduce_sum3A_760 [1] : vector<256x4096xi32> to vector<256xi32>
    %broadcast_in_dim3A_762 = vector.shape_cast %reduce_sum3A_761 : vector<256xi32> to vector<256x1xi32>
    %ge3A_763 = arith.constant 2.900000e+01 : f32
    %ge3A_764 = vector.broadcast %ge3A_763 : f32 to vector<256x1xf32>
    %ge3A_765 = arith.cmpf oge, %slice3A_453, %ge3A_764 : vector<256x1xf32>
    %select_n3A_766 = arith.select %ge3A_765, %broadcast_in_dim3A_762, %broadcast_in_dim3A_459 : vector<256x1xi1>, vector<256x1xi32>
    %le3A_767 = arith.constant 2.900000e+01 : f32
    %le3A_768 = vector.broadcast %le3A_767 : f32 to vector<256x4096xf32>
    %le3A_769 = arith.cmpf ole, %add3A_452, %le3A_768 : vector<256x4096xf32>
    %convert_element_type3A_770 = arith.extui %le3A_769 : vector<256x4096xi1> to vector<256x4096xi32>
    %reduce_sum3A_771 = arith.constant dense<0> : vector<256xi32>
    %reduce_sum3A_772 = vector.multi_reduction <add>, %convert_element_type3A_770, %reduce_sum3A_771 [1] : vector<256x4096xi32> to vector<256xi32>
    %broadcast_in_dim3A_773 = vector.shape_cast %reduce_sum3A_772 : vector<256xi32> to vector<256x1xi32>
    %ge3A_774 = arith.constant 3.000000e+01 : f32
    %ge3A_775 = vector.broadcast %ge3A_774 : f32 to vector<256x1xf32>
    %ge3A_776 = arith.cmpf oge, %slice3A_453, %ge3A_775 : vector<256x1xf32>
    %select_n3A_777 = arith.select %ge3A_776, %broadcast_in_dim3A_773, %broadcast_in_dim3A_459 : vector<256x1xi1>, vector<256x1xi32>
    %le3A_778 = arith.constant 3.000000e+01 : f32
    %le3A_779 = vector.broadcast %le3A_778 : f32 to vector<256x4096xf32>
    %le3A_780 = arith.cmpf ole, %add3A_452, %le3A_779 : vector<256x4096xf32>
    %convert_element_type3A_781 = arith.extui %le3A_780 : vector<256x4096xi1> to vector<256x4096xi32>
    %reduce_sum3A_782 = arith.constant dense<0> : vector<256xi32>
    %reduce_sum3A_783 = vector.multi_reduction <add>, %convert_element_type3A_781, %reduce_sum3A_782 [1] : vector<256x4096xi32> to vector<256xi32>
    %broadcast_in_dim3A_784 = vector.shape_cast %reduce_sum3A_783 : vector<256xi32> to vector<256x1xi32>
    %ge3A_785 = arith.constant 3.100000e+01 : f32
    %ge3A_786 = vector.broadcast %ge3A_785 : f32 to vector<256x1xf32>
    %ge3A_787 = arith.cmpf oge, %slice3A_453, %ge3A_786 : vector<256x1xf32>
    %select_n3A_788 = arith.select %ge3A_787, %broadcast_in_dim3A_784, %broadcast_in_dim3A_459 : vector<256x1xi1>, vector<256x1xi32>
    %le3A_789 = arith.constant 3.100000e+01 : f32
    %le3A_790 = vector.broadcast %le3A_789 : f32 to vector<256x4096xf32>
    %le3A_791 = arith.cmpf ole, %add3A_452, %le3A_790 : vector<256x4096xf32>
    %convert_element_type3A_792 = arith.extui %le3A_791 : vector<256x4096xi1> to vector<256x4096xi32>
    %reduce_sum3A_793 = arith.constant dense<0> : vector<256xi32>
    %reduce_sum3A_794 = vector.multi_reduction <add>, %convert_element_type3A_792, %reduce_sum3A_793 [1] : vector<256x4096xi32> to vector<256xi32>
    %broadcast_in_dim3A_795 = vector.shape_cast %reduce_sum3A_794 : vector<256xi32> to vector<256x1xi32>
    %ge3A_796 = arith.constant 3.200000e+01 : f32
    %ge3A_797 = vector.broadcast %ge3A_796 : f32 to vector<256x1xf32>
    %ge3A_798 = arith.cmpf oge, %slice3A_453, %ge3A_797 : vector<256x1xf32>
    %select_n3A_799 = arith.select %ge3A_798, %broadcast_in_dim3A_795, %broadcast_in_dim3A_459 : vector<256x1xi1>, vector<256x1xi32>
    %concatenate3A_800 = tpu.concatenate %broadcast_in_dim3A_459, %select_n3A_469, %select_n3A_480, %select_n3A_491, %select_n3A_502, %select_n3A_513, %select_n3A_524, %select_n3A_535, %select_n3A_546, %select_n3A_557, %select_n3A_568, %select_n3A_579, %select_n3A_590, %select_n3A_601, %select_n3A_612, %select_n3A_623, %select_n3A_634, %select_n3A_645, %select_n3A_656, %select_n3A_667, %select_n3A_678, %select_n3A_689, %select_n3A_700, %select_n3A_711, %select_n3A_722, %select_n3A_733, %select_n3A_744, %select_n3A_755, %select_n3A_766, %select_n3A_777, %select_n3A_788, %select_n3A_799 in 1 : vector<256x1xi32>, vector<256x1xi32>, vector<256x1xi32>, vector<256x1xi32>, vector<256x1xi32>, vector<256x1xi32>, vector<256x1xi32>, vector<256x1xi32>, vector<256x1xi32>, vector<256x1xi32>, vector<256x1xi32>, vector<256x1xi32>, vector<256x1xi32>, vector<256x1xi32>, vector<256x1xi32>, vector<256x1xi32>, vector<256x1xi32>, vector<256x1xi32>, vector<256x1xi32>, vector<256x1xi32>, vector<256x1xi32>, vector<256x1xi32>, vector<256x1xi32>, vector<256x1xi32>, vector<256x1xi32>, vector<256x1xi32>, vector<256x1xi32>, vector<256x1xi32>, vector<256x1xi32>, vector<256x1xi32>, vector<256x1xi32>, vector<256x1xi32> -> vector<256x32xi32>
    %mul3A = arith.constant 4096 : i32
    %mul3A_801 = arith.muli %arg0, %mul3A : i32
    %add3A_802 = vector.broadcast %mul3A_801 : i32 to vector<256x32xi32>
    %add3A_803 = arith.addi %concatenate3A_800, %add3A_802 : vector<256x32xi32>
    %swap3A = arith.constant 0 : index
    %swap3A_804 = arith.constant 0 : index
    %swap3A_805 = arith.constant 0 : index
    %swap3A_806 = vector.load %arg4[%swap3A, %swap3A_804, %swap3A_805] : memref<1x256x32xi32, #tpu.memory_space<vmem>>, vector<1x256x32xi32>
    %swap3A_807 = vector.shape_cast %swap3A_806 : vector<1x256x32xi32> to vector<256x32xi32>
    %swap3A_808 = vector.shape_cast %add3A_803 : vector<256x32xi32> to vector<1x256x32xi32>
    tpu.vector_store %arg4[%swap3A, %swap3A_804, %swap3A_805], %swap3A_808 {strides = array<i32>} : memref<1x256x32xi32, #tpu.memory_space<vmem>>, vector<1x256x32xi32>,
    return
  }
  func.func @transform_0(%arg0: i32, %arg1: i32) -> (i32, i32, i32) {
    %c0_i32 = arith.constant 0 : i32
    %c0_i32_0 = arith.constant 0 : i32
    return %arg0, %arg1, %c0_i32 : i32, i32, i32
  }
  func.func @transform_1(%arg0: i32, %arg1: i32) -> (i32, i32, i32) {
    %c0_i32 = arith.constant 0 : i32
    %c0_i32_0 = arith.constant 0 : i32
    %c0_i32_1 = arith.constant 0 : i32
    return %arg0, %c0_i32, %c0_i32_0 : i32, i32, i32
  }
  func.func @transform_2(%arg0: i32, %arg1: i32) -> (i32, i32, i32) {
    %c0_i32 = arith.constant 0 : i32
    %c0_i32_0 = arith.constant 0 : i32
    return %arg0, %arg1, %c0_i32 : i32, i32, i32
  }
}

module attributes {stable_mosaic.version = 14 : i64} {
  func.func @_l1_table_body(%arg0: i32, %arg1: memref<1024x3xf32, #tpu.memory_space<vmem>>, %arg2: memref<1024x64xf32, #tpu.memory_space<vmem>>, %arg3: memref<3x64xf32, #tpu.memory_space<vmem>>, %arg4: memref<64x64xf32, #tpu.memory_space<vmem>>, %arg5: memref<1024x64xf32, #tpu.memory_space<vmem>>) attributes {dimension_semantics = [#tpu.dimension_semantics<arbitrary>], iteration_bounds = array<i64: 32>, scalar_prefetch = 0 : i64, scratch_operands = 0 : i64, tpu.core_type = #tpu.core_type<tc>, window_params = [{transform_indices = @transform_0, window_bounds = array<i64: 1024, 3>}, {transform_indices = @transform_1, window_bounds = array<i64: 1024, 64>}, {pipeline_mode = #tpu.pipeline_mode<synchronous>, transform_indices = @transform_2, window_bounds = array<i64: 3, 64>}, {pipeline_mode = #tpu.pipeline_mode<synchronous>, transform_indices = @transform_3, window_bounds = array<i64: 64, 64>}, {transform_indices = @transform_4, window_bounds = array<i64: 1024, 64>}]} {
    %get3A = arith.constant 0 : index
    %get3A_0 = arith.constant 0 : index
    %get3A_1 = vector.load %arg1[%get3A, %get3A_0] : memref<1024x3xf32, #tpu.memory_space<vmem>>, vector<1024x3xf32>
    %get3A_2 = arith.constant 0 : index
    %get3A_3 = arith.constant 0 : index
    %get3A_4 = vector.load %arg3[%get3A_2, %get3A_3] : memref<3x64xf32, #tpu.memory_space<vmem>>, vector<3x64xf32>
    %slice3A = vector.extract_strided_slice %get3A_1 {offsets = [0, 0], sizes = [1024, 1], strides = [1, 1]} : vector<1024x3xf32> to vector<1024x1xf32>
    %slice3A_5 = vector.extract_strided_slice %get3A_4 {offsets = [0, 0], sizes = [1, 64], strides = [1, 1]} : vector<3x64xf32> to vector<1x64xf32>
    %mul3A = vector.broadcast %slice3A : vector<1024x1xf32> to vector<1024x64xf32>
    %mul3A_6 = vector.broadcast %slice3A_5 : vector<1x64xf32> to vector<1024x64xf32>
    %mul3A_7 = arith.mulf %mul3A, %mul3A_6 : vector<1024x64xf32>
    %slice3A_8 = vector.extract_strided_slice %get3A_1 {offsets = [0, 1], sizes = [1024, 1], strides = [1, 1]} : vector<1024x3xf32> to vector<1024x1xf32>
    %slice3A_9 = vector.extract_strided_slice %get3A_4 {offsets = [1, 0], sizes = [1, 64], strides = [1, 1]} : vector<3x64xf32> to vector<1x64xf32>
    %mul3A_10 = vector.broadcast %slice3A_8 : vector<1024x1xf32> to vector<1024x64xf32>
    %mul3A_11 = vector.broadcast %slice3A_9 : vector<1x64xf32> to vector<1024x64xf32>
    %mul3A_12 = arith.mulf %mul3A_10, %mul3A_11 : vector<1024x64xf32>
    %add3A = arith.addf %mul3A_7, %mul3A_12 : vector<1024x64xf32>
    %slice3A_13 = vector.extract_strided_slice %get3A_1 {offsets = [0, 2], sizes = [1024, 1], strides = [1, 1]} : vector<1024x3xf32> to vector<1024x1xf32>
    %slice3A_14 = vector.extract_strided_slice %get3A_4 {offsets = [2, 0], sizes = [1, 64], strides = [1, 1]} : vector<3x64xf32> to vector<1x64xf32>
    %mul3A_15 = vector.broadcast %slice3A_13 : vector<1024x1xf32> to vector<1024x64xf32>
    %mul3A_16 = vector.broadcast %slice3A_14 : vector<1x64xf32> to vector<1024x64xf32>
    %mul3A_17 = arith.mulf %mul3A_15, %mul3A_16 : vector<1024x64xf32>
    %add3A_18 = arith.addf %add3A, %mul3A_17 : vector<1024x64xf32>
    %get3A_19 = arith.constant 0 : index
    %get3A_20 = arith.constant 0 : index
    %get3A_21 = vector.load %arg2[%get3A_19, %get3A_20] : memref<1024x64xf32, #tpu.memory_space<vmem>>, vector<1024x64xf32>
    %get3A_22 = arith.constant 0 : index
    %get3A_23 = arith.constant 0 : index
    %get3A_24 = vector.load %arg4[%get3A_22, %get3A_23] : memref<64x64xf32, #tpu.memory_space<vmem>>, vector<64x64xf32>
    %dot_general3A = arith.constant dense<0.000000e+00> : vector<1024x64xf32>
    %dot_general3A_25 = tpu.matmul %get3A_21, %get3A_24, %dot_general3A {dimension_numbers = #tpu.dot_dimension_numbers<[1], [0], [0], [1], [0, 0, 1, 1], [], []>, transpose_lhs_hint = false} : vector<1024x64xf32>, vector<64x64xf32>, vector<1024x64xf32> -> vector<1024x64xf32>
    %add3A_26 = arith.addf %add3A_18, %dot_general3A_25 : vector<1024x64xf32>
    %swap3A = arith.constant 0 : index
    %swap3A_27 = arith.constant 0 : index
    %swap3A_28 = vector.load %arg5[%swap3A, %swap3A_27] : memref<1024x64xf32, #tpu.memory_space<vmem>>, vector<1024x64xf32>
    tpu.vector_store %arg5[%swap3A, %swap3A_27], %add3A_26 {strides = array<i32>} : memref<1024x64xf32, #tpu.memory_space<vmem>>, vector<1024x64xf32>,
    return
  }
  func.func @transform_0(%arg0: i32) -> (i32, i32) {
    %c0_i32 = arith.constant 0 : i32
    %c0_i32_0 = arith.constant 0 : i32
    return %arg0, %c0_i32 : i32, i32
  }
  func.func @transform_1(%arg0: i32) -> (i32, i32) {
    %c0_i32 = arith.constant 0 : i32
    %c0_i32_0 = arith.constant 0 : i32
    return %arg0, %c0_i32 : i32, i32
  }
  func.func @transform_2(%arg0: i32) -> (i32, i32) {
    %c0_i32 = arith.constant 0 : i32
    %c0_i32_0 = arith.constant 0 : i32
    %c0_i32_1 = arith.constant 0 : i32
    return %c0_i32, %c0_i32_0 : i32, i32
  }
  func.func @transform_3(%arg0: i32) -> (i32, i32) {
    %c0_i32 = arith.constant 0 : i32
    %c0_i32_0 = arith.constant 0 : i32
    %c0_i32_1 = arith.constant 0 : i32
    return %c0_i32, %c0_i32_0 : i32, i32
  }
  func.func @transform_4(%arg0: i32) -> (i32, i32) {
    %c0_i32 = arith.constant 0 : i32
    %c0_i32_0 = arith.constant 0 : i32
    return %arg0, %c0_i32 : i32, i32
  }
}

module attributes {stable_mosaic.version = 14 : i64} {
  func.func @_mlp_max_body(%arg0: i32, %arg1: memref<32x256x64xf32, #tpu.memory_space<vmem>>, %arg2: memref<256x3xf32, #tpu.memory_space<vmem>>, %arg3: memref<3x64xf32, #tpu.memory_space<vmem>>, %arg4: memref<64x64xf32, #tpu.memory_space<vmem>>, %arg5: memref<64x128xf32, #tpu.memory_space<vmem>>, %arg6: memref<256x128xf32, #tpu.memory_space<vmem>>) attributes {dimension_semantics = [#tpu.dimension_semantics<arbitrary>], iteration_bounds = array<i64: 32>, scalar_prefetch = 0 : i64, scratch_operands = 0 : i64, tpu.core_type = #tpu.core_type<tc>, window_params = [{transform_indices = @transform_0, window_bounds = array<i64: 32, 256, 64>}, {transform_indices = @transform_1, window_bounds = array<i64: 256, 3>}, {pipeline_mode = #tpu.pipeline_mode<synchronous>, transform_indices = @transform_2, window_bounds = array<i64: 3, 64>}, {pipeline_mode = #tpu.pipeline_mode<synchronous>, transform_indices = @transform_3, window_bounds = array<i64: 64, 64>}, {pipeline_mode = #tpu.pipeline_mode<synchronous>, transform_indices = @transform_4, window_bounds = array<i64: 64, 128>}, {transform_indices = @transform_5, window_bounds = array<i64: 256, 128>}]} {
    %get3A = arith.constant 0 : index
    %get3A_0 = arith.constant 0 : index
    %get3A_1 = vector.load %arg2[%get3A, %get3A_0] : memref<256x3xf32, #tpu.memory_space<vmem>>, vector<256x3xf32>
    %get3A_2 = arith.constant 0 : index
    %get3A_3 = arith.constant 0 : index
    %get3A_4 = vector.load %arg3[%get3A_2, %get3A_3] : memref<3x64xf32, #tpu.memory_space<vmem>>, vector<3x64xf32>
    %slice3A = vector.extract_strided_slice %get3A_1 {offsets = [0, 0], sizes = [256, 1], strides = [1, 1]} : vector<256x3xf32> to vector<256x1xf32>
    %slice3A_5 = vector.extract_strided_slice %get3A_4 {offsets = [0, 0], sizes = [1, 64], strides = [1, 1]} : vector<3x64xf32> to vector<1x64xf32>
    %mul3A = vector.broadcast %slice3A : vector<256x1xf32> to vector<256x64xf32>
    %mul3A_6 = vector.broadcast %slice3A_5 : vector<1x64xf32> to vector<256x64xf32>
    %mul3A_7 = arith.mulf %mul3A, %mul3A_6 : vector<256x64xf32>
    %slice3A_8 = vector.extract_strided_slice %get3A_1 {offsets = [0, 1], sizes = [256, 1], strides = [1, 1]} : vector<256x3xf32> to vector<256x1xf32>
    %slice3A_9 = vector.extract_strided_slice %get3A_4 {offsets = [1, 0], sizes = [1, 64], strides = [1, 1]} : vector<3x64xf32> to vector<1x64xf32>
    %mul3A_10 = vector.broadcast %slice3A_8 : vector<256x1xf32> to vector<256x64xf32>
    %mul3A_11 = vector.broadcast %slice3A_9 : vector<1x64xf32> to vector<256x64xf32>
    %mul3A_12 = arith.mulf %mul3A_10, %mul3A_11 : vector<256x64xf32>
    %add3A = arith.addf %mul3A_7, %mul3A_12 : vector<256x64xf32>
    %slice3A_13 = vector.extract_strided_slice %get3A_1 {offsets = [0, 2], sizes = [256, 1], strides = [1, 1]} : vector<256x3xf32> to vector<256x1xf32>
    %slice3A_14 = vector.extract_strided_slice %get3A_4 {offsets = [2, 0], sizes = [1, 64], strides = [1, 1]} : vector<3x64xf32> to vector<1x64xf32>
    %mul3A_15 = vector.broadcast %slice3A_13 : vector<256x1xf32> to vector<256x64xf32>
    %mul3A_16 = vector.broadcast %slice3A_14 : vector<1x64xf32> to vector<256x64xf32>
    %mul3A_17 = arith.mulf %mul3A_15, %mul3A_16 : vector<256x64xf32>
    %add3A_18 = arith.addf %add3A, %mul3A_17 : vector<256x64xf32>
    %get3A_19 = arith.constant 0 : index
    %get3A_20 = arith.constant 0 : index
    %get3A_21 = arith.constant 0 : index
    %get3A_22 = vector.load %arg1[%get3A_19, %get3A_20, %get3A_21] : memref<32x256x64xf32, #tpu.memory_space<vmem>>, vector<1x256x64xf32>
    %get3A_23 = vector.shape_cast %get3A_22 : vector<1x256x64xf32> to vector<256x64xf32>
    %sub3A = arith.subf %get3A_23, %add3A_18 : vector<256x64xf32>
    %max3A = arith.constant 0.000000e+00 : f32
    %max3A_24 = vector.broadcast %max3A : f32 to vector<256x64xf32>
    %max3A_25 = arith.maximumf %sub3A, %max3A_24 : vector<256x64xf32>
    %get3A_26 = arith.constant 0 : index
    %get3A_27 = arith.constant 0 : index
    %get3A_28 = vector.load %arg4[%get3A_26, %get3A_27] : memref<64x64xf32, #tpu.memory_space<vmem>>, vector<64x64xf32>
    %dot_general3A = arith.constant dense<0.000000e+00> : vector<256x64xf32>
    %dot_general3A_29 = tpu.matmul %max3A_25, %get3A_28, %dot_general3A {dimension_numbers = #tpu.dot_dimension_numbers<[1], [0], [0], [1], [0, 0, 1, 1], [], []>, transpose_lhs_hint = false} : vector<256x64xf32>, vector<64x64xf32>, vector<256x64xf32> -> vector<256x64xf32>
    %max3A_30 = arith.constant 0.000000e+00 : f32
    %max3A_31 = vector.broadcast %max3A_30 : f32 to vector<256x64xf32>
    %max3A_32 = arith.maximumf %dot_general3A_29, %max3A_31 : vector<256x64xf32>
    %get3A_33 = arith.constant 0 : index
    %get3A_34 = arith.constant 0 : index
    %get3A_35 = vector.load %arg5[%get3A_33, %get3A_34] : memref<64x128xf32, #tpu.memory_space<vmem>>, vector<64x128xf32>
    %dot_general3A_36 = arith.constant dense<0.000000e+00> : vector<256x128xf32>
    %dot_general3A_37 = tpu.matmul %max3A_32, %get3A_35, %dot_general3A_36 {dimension_numbers = #tpu.dot_dimension_numbers<[1], [0], [0], [1], [0, 0, 1, 1], [], []>, transpose_lhs_hint = false} : vector<256x64xf32>, vector<64x128xf32>, vector<256x128xf32> -> vector<256x128xf32>
    %max3A_38 = arith.constant 0.000000e+00 : f32
    %max3A_39 = vector.broadcast %max3A_38 : f32 to vector<256x128xf32>
    %max3A_40 = arith.maximumf %dot_general3A_37, %max3A_39 : vector<256x128xf32>
    %get3A_41 = arith.constant 1 : index
    %get3A_42 = arith.constant 0 : index
    %get3A_43 = arith.constant 0 : index
    %get3A_44 = vector.load %arg1[%get3A_41, %get3A_42, %get3A_43] : memref<32x256x64xf32, #tpu.memory_space<vmem>>, vector<1x256x64xf32>
    %get3A_45 = vector.shape_cast %get3A_44 : vector<1x256x64xf32> to vector<256x64xf32>
    %sub3A_46 = arith.subf %get3A_45, %add3A_18 : vector<256x64xf32>
    %max3A_47 = arith.constant 0.000000e+00 : f32
    %max3A_48 = vector.broadcast %max3A_47 : f32 to vector<256x64xf32>
    %max3A_49 = arith.maximumf %sub3A_46, %max3A_48 : vector<256x64xf32>
    %get3A_50 = arith.constant 0 : index
    %get3A_51 = arith.constant 0 : index
    %get3A_52 = vector.load %arg4[%get3A_50, %get3A_51] : memref<64x64xf32, #tpu.memory_space<vmem>>, vector<64x64xf32>
    %dot_general3A_53 = arith.constant dense<0.000000e+00> : vector<256x64xf32>
    %dot_general3A_54 = tpu.matmul %max3A_49, %get3A_52, %dot_general3A_53 {dimension_numbers = #tpu.dot_dimension_numbers<[1], [0], [0], [1], [0, 0, 1, 1], [], []>, transpose_lhs_hint = false} : vector<256x64xf32>, vector<64x64xf32>, vector<256x64xf32> -> vector<256x64xf32>
    %max3A_55 = arith.constant 0.000000e+00 : f32
    %max3A_56 = vector.broadcast %max3A_55 : f32 to vector<256x64xf32>
    %max3A_57 = arith.maximumf %dot_general3A_54, %max3A_56 : vector<256x64xf32>
    %get3A_58 = arith.constant 0 : index
    %get3A_59 = arith.constant 0 : index
    %get3A_60 = vector.load %arg5[%get3A_58, %get3A_59] : memref<64x128xf32, #tpu.memory_space<vmem>>, vector<64x128xf32>
    %dot_general3A_61 = arith.constant dense<0.000000e+00> : vector<256x128xf32>
    %dot_general3A_62 = tpu.matmul %max3A_57, %get3A_60, %dot_general3A_61 {dimension_numbers = #tpu.dot_dimension_numbers<[1], [0], [0], [1], [0, 0, 1, 1], [], []>, transpose_lhs_hint = false} : vector<256x64xf32>, vector<64x128xf32>, vector<256x128xf32> -> vector<256x128xf32>
    %max3A_63 = arith.constant 0.000000e+00 : f32
    %max3A_64 = vector.broadcast %max3A_63 : f32 to vector<256x128xf32>
    %max3A_65 = arith.maximumf %dot_general3A_62, %max3A_64 : vector<256x128xf32>
    %max3A_66 = arith.maximumf %max3A_40, %max3A_65 : vector<256x128xf32>
    %get3A_67 = arith.constant 2 : index
    %get3A_68 = arith.constant 0 : index
    %get3A_69 = arith.constant 0 : index
    %get3A_70 = vector.load %arg1[%get3A_67, %get3A_68, %get3A_69] : memref<32x256x64xf32, #tpu.memory_space<vmem>>, vector<1x256x64xf32>
    %get3A_71 = vector.shape_cast %get3A_70 : vector<1x256x64xf32> to vector<256x64xf32>
    %sub3A_72 = arith.subf %get3A_71, %add3A_18 : vector<256x64xf32>
    %max3A_73 = arith.constant 0.000000e+00 : f32
    %max3A_74 = vector.broadcast %max3A_73 : f32 to vector<256x64xf32>
    %max3A_75 = arith.maximumf %sub3A_72, %max3A_74 : vector<256x64xf32>
    %get3A_76 = arith.constant 0 : index
    %get3A_77 = arith.constant 0 : index
    %get3A_78 = vector.load %arg4[%get3A_76, %get3A_77] : memref<64x64xf32, #tpu.memory_space<vmem>>, vector<64x64xf32>
    %dot_general3A_79 = arith.constant dense<0.000000e+00> : vector<256x64xf32>
    %dot_general3A_80 = tpu.matmul %max3A_75, %get3A_78, %dot_general3A_79 {dimension_numbers = #tpu.dot_dimension_numbers<[1], [0], [0], [1], [0, 0, 1, 1], [], []>, transpose_lhs_hint = false} : vector<256x64xf32>, vector<64x64xf32>, vector<256x64xf32> -> vector<256x64xf32>
    %max3A_81 = arith.constant 0.000000e+00 : f32
    %max3A_82 = vector.broadcast %max3A_81 : f32 to vector<256x64xf32>
    %max3A_83 = arith.maximumf %dot_general3A_80, %max3A_82 : vector<256x64xf32>
    %get3A_84 = arith.constant 0 : index
    %get3A_85 = arith.constant 0 : index
    %get3A_86 = vector.load %arg5[%get3A_84, %get3A_85] : memref<64x128xf32, #tpu.memory_space<vmem>>, vector<64x128xf32>
    %dot_general3A_87 = arith.constant dense<0.000000e+00> : vector<256x128xf32>
    %dot_general3A_88 = tpu.matmul %max3A_83, %get3A_86, %dot_general3A_87 {dimension_numbers = #tpu.dot_dimension_numbers<[1], [0], [0], [1], [0, 0, 1, 1], [], []>, transpose_lhs_hint = false} : vector<256x64xf32>, vector<64x128xf32>, vector<256x128xf32> -> vector<256x128xf32>
    %max3A_89 = arith.constant 0.000000e+00 : f32
    %max3A_90 = vector.broadcast %max3A_89 : f32 to vector<256x128xf32>
    %max3A_91 = arith.maximumf %dot_general3A_88, %max3A_90 : vector<256x128xf32>
    %max3A_92 = arith.maximumf %max3A_66, %max3A_91 : vector<256x128xf32>
    %get3A_93 = arith.constant 3 : index
    %get3A_94 = arith.constant 0 : index
    %get3A_95 = arith.constant 0 : index
    %get3A_96 = vector.load %arg1[%get3A_93, %get3A_94, %get3A_95] : memref<32x256x64xf32, #tpu.memory_space<vmem>>, vector<1x256x64xf32>
    %get3A_97 = vector.shape_cast %get3A_96 : vector<1x256x64xf32> to vector<256x64xf32>
    %sub3A_98 = arith.subf %get3A_97, %add3A_18 : vector<256x64xf32>
    %max3A_99 = arith.constant 0.000000e+00 : f32
    %max3A_100 = vector.broadcast %max3A_99 : f32 to vector<256x64xf32>
    %max3A_101 = arith.maximumf %sub3A_98, %max3A_100 : vector<256x64xf32>
    %get3A_102 = arith.constant 0 : index
    %get3A_103 = arith.constant 0 : index
    %get3A_104 = vector.load %arg4[%get3A_102, %get3A_103] : memref<64x64xf32, #tpu.memory_space<vmem>>, vector<64x64xf32>
    %dot_general3A_105 = arith.constant dense<0.000000e+00> : vector<256x64xf32>
    %dot_general3A_106 = tpu.matmul %max3A_101, %get3A_104, %dot_general3A_105 {dimension_numbers = #tpu.dot_dimension_numbers<[1], [0], [0], [1], [0, 0, 1, 1], [], []>, transpose_lhs_hint = false} : vector<256x64xf32>, vector<64x64xf32>, vector<256x64xf32> -> vector<256x64xf32>
    %max3A_107 = arith.constant 0.000000e+00 : f32
    %max3A_108 = vector.broadcast %max3A_107 : f32 to vector<256x64xf32>
    %max3A_109 = arith.maximumf %dot_general3A_106, %max3A_108 : vector<256x64xf32>
    %get3A_110 = arith.constant 0 : index
    %get3A_111 = arith.constant 0 : index
    %get3A_112 = vector.load %arg5[%get3A_110, %get3A_111] : memref<64x128xf32, #tpu.memory_space<vmem>>, vector<64x128xf32>
    %dot_general3A_113 = arith.constant dense<0.000000e+00> : vector<256x128xf32>
    %dot_general3A_114 = tpu.matmul %max3A_109, %get3A_112, %dot_general3A_113 {dimension_numbers = #tpu.dot_dimension_numbers<[1], [0], [0], [1], [0, 0, 1, 1], [], []>, transpose_lhs_hint = false} : vector<256x64xf32>, vector<64x128xf32>, vector<256x128xf32> -> vector<256x128xf32>
    %max3A_115 = arith.constant 0.000000e+00 : f32
    %max3A_116 = vector.broadcast %max3A_115 : f32 to vector<256x128xf32>
    %max3A_117 = arith.maximumf %dot_general3A_114, %max3A_116 : vector<256x128xf32>
    %max3A_118 = arith.maximumf %max3A_92, %max3A_117 : vector<256x128xf32>
    %get3A_119 = arith.constant 4 : index
    %get3A_120 = arith.constant 0 : index
    %get3A_121 = arith.constant 0 : index
    %get3A_122 = vector.load %arg1[%get3A_119, %get3A_120, %get3A_121] : memref<32x256x64xf32, #tpu.memory_space<vmem>>, vector<1x256x64xf32>
    %get3A_123 = vector.shape_cast %get3A_122 : vector<1x256x64xf32> to vector<256x64xf32>
    %sub3A_124 = arith.subf %get3A_123, %add3A_18 : vector<256x64xf32>
    %max3A_125 = arith.constant 0.000000e+00 : f32
    %max3A_126 = vector.broadcast %max3A_125 : f32 to vector<256x64xf32>
    %max3A_127 = arith.maximumf %sub3A_124, %max3A_126 : vector<256x64xf32>
    %get3A_128 = arith.constant 0 : index
    %get3A_129 = arith.constant 0 : index
    %get3A_130 = vector.load %arg4[%get3A_128, %get3A_129] : memref<64x64xf32, #tpu.memory_space<vmem>>, vector<64x64xf32>
    %dot_general3A_131 = arith.constant dense<0.000000e+00> : vector<256x64xf32>
    %dot_general3A_132 = tpu.matmul %max3A_127, %get3A_130, %dot_general3A_131 {dimension_numbers = #tpu.dot_dimension_numbers<[1], [0], [0], [1], [0, 0, 1, 1], [], []>, transpose_lhs_hint = false} : vector<256x64xf32>, vector<64x64xf32>, vector<256x64xf32> -> vector<256x64xf32>
    %max3A_133 = arith.constant 0.000000e+00 : f32
    %max3A_134 = vector.broadcast %max3A_133 : f32 to vector<256x64xf32>
    %max3A_135 = arith.maximumf %dot_general3A_132, %max3A_134 : vector<256x64xf32>
    %get3A_136 = arith.constant 0 : index
    %get3A_137 = arith.constant 0 : index
    %get3A_138 = vector.load %arg5[%get3A_136, %get3A_137] : memref<64x128xf32, #tpu.memory_space<vmem>>, vector<64x128xf32>
    %dot_general3A_139 = arith.constant dense<0.000000e+00> : vector<256x128xf32>
    %dot_general3A_140 = tpu.matmul %max3A_135, %get3A_138, %dot_general3A_139 {dimension_numbers = #tpu.dot_dimension_numbers<[1], [0], [0], [1], [0, 0, 1, 1], [], []>, transpose_lhs_hint = false} : vector<256x64xf32>, vector<64x128xf32>, vector<256x128xf32> -> vector<256x128xf32>
    %max3A_141 = arith.constant 0.000000e+00 : f32
    %max3A_142 = vector.broadcast %max3A_141 : f32 to vector<256x128xf32>
    %max3A_143 = arith.maximumf %dot_general3A_140, %max3A_142 : vector<256x128xf32>
    %max3A_144 = arith.maximumf %max3A_118, %max3A_143 : vector<256x128xf32>
    %get3A_145 = arith.constant 5 : index
    %get3A_146 = arith.constant 0 : index
    %get3A_147 = arith.constant 0 : index
    %get3A_148 = vector.load %arg1[%get3A_145, %get3A_146, %get3A_147] : memref<32x256x64xf32, #tpu.memory_space<vmem>>, vector<1x256x64xf32>
    %get3A_149 = vector.shape_cast %get3A_148 : vector<1x256x64xf32> to vector<256x64xf32>
    %sub3A_150 = arith.subf %get3A_149, %add3A_18 : vector<256x64xf32>
    %max3A_151 = arith.constant 0.000000e+00 : f32
    %max3A_152 = vector.broadcast %max3A_151 : f32 to vector<256x64xf32>
    %max3A_153 = arith.maximumf %sub3A_150, %max3A_152 : vector<256x64xf32>
    %get3A_154 = arith.constant 0 : index
    %get3A_155 = arith.constant 0 : index
    %get3A_156 = vector.load %arg4[%get3A_154, %get3A_155] : memref<64x64xf32, #tpu.memory_space<vmem>>, vector<64x64xf32>
    %dot_general3A_157 = arith.constant dense<0.000000e+00> : vector<256x64xf32>
    %dot_general3A_158 = tpu.matmul %max3A_153, %get3A_156, %dot_general3A_157 {dimension_numbers = #tpu.dot_dimension_numbers<[1], [0], [0], [1], [0, 0, 1, 1], [], []>, transpose_lhs_hint = false} : vector<256x64xf32>, vector<64x64xf32>, vector<256x64xf32> -> vector<256x64xf32>
    %max3A_159 = arith.constant 0.000000e+00 : f32
    %max3A_160 = vector.broadcast %max3A_159 : f32 to vector<256x64xf32>
    %max3A_161 = arith.maximumf %dot_general3A_158, %max3A_160 : vector<256x64xf32>
    %get3A_162 = arith.constant 0 : index
    %get3A_163 = arith.constant 0 : index
    %get3A_164 = vector.load %arg5[%get3A_162, %get3A_163] : memref<64x128xf32, #tpu.memory_space<vmem>>, vector<64x128xf32>
    %dot_general3A_165 = arith.constant dense<0.000000e+00> : vector<256x128xf32>
    %dot_general3A_166 = tpu.matmul %max3A_161, %get3A_164, %dot_general3A_165 {dimension_numbers = #tpu.dot_dimension_numbers<[1], [0], [0], [1], [0, 0, 1, 1], [], []>, transpose_lhs_hint = false} : vector<256x64xf32>, vector<64x128xf32>, vector<256x128xf32> -> vector<256x128xf32>
    %max3A_167 = arith.constant 0.000000e+00 : f32
    %max3A_168 = vector.broadcast %max3A_167 : f32 to vector<256x128xf32>
    %max3A_169 = arith.maximumf %dot_general3A_166, %max3A_168 : vector<256x128xf32>
    %max3A_170 = arith.maximumf %max3A_144, %max3A_169 : vector<256x128xf32>
    %get3A_171 = arith.constant 6 : index
    %get3A_172 = arith.constant 0 : index
    %get3A_173 = arith.constant 0 : index
    %get3A_174 = vector.load %arg1[%get3A_171, %get3A_172, %get3A_173] : memref<32x256x64xf32, #tpu.memory_space<vmem>>, vector<1x256x64xf32>
    %get3A_175 = vector.shape_cast %get3A_174 : vector<1x256x64xf32> to vector<256x64xf32>
    %sub3A_176 = arith.subf %get3A_175, %add3A_18 : vector<256x64xf32>
    %max3A_177 = arith.constant 0.000000e+00 : f32
    %max3A_178 = vector.broadcast %max3A_177 : f32 to vector<256x64xf32>
    %max3A_179 = arith.maximumf %sub3A_176, %max3A_178 : vector<256x64xf32>
    %get3A_180 = arith.constant 0 : index
    %get3A_181 = arith.constant 0 : index
    %get3A_182 = vector.load %arg4[%get3A_180, %get3A_181] : memref<64x64xf32, #tpu.memory_space<vmem>>, vector<64x64xf32>
    %dot_general3A_183 = arith.constant dense<0.000000e+00> : vector<256x64xf32>
    %dot_general3A_184 = tpu.matmul %max3A_179, %get3A_182, %dot_general3A_183 {dimension_numbers = #tpu.dot_dimension_numbers<[1], [0], [0], [1], [0, 0, 1, 1], [], []>, transpose_lhs_hint = false} : vector<256x64xf32>, vector<64x64xf32>, vector<256x64xf32> -> vector<256x64xf32>
    %max3A_185 = arith.constant 0.000000e+00 : f32
    %max3A_186 = vector.broadcast %max3A_185 : f32 to vector<256x64xf32>
    %max3A_187 = arith.maximumf %dot_general3A_184, %max3A_186 : vector<256x64xf32>
    %get3A_188 = arith.constant 0 : index
    %get3A_189 = arith.constant 0 : index
    %get3A_190 = vector.load %arg5[%get3A_188, %get3A_189] : memref<64x128xf32, #tpu.memory_space<vmem>>, vector<64x128xf32>
    %dot_general3A_191 = arith.constant dense<0.000000e+00> : vector<256x128xf32>
    %dot_general3A_192 = tpu.matmul %max3A_187, %get3A_190, %dot_general3A_191 {dimension_numbers = #tpu.dot_dimension_numbers<[1], [0], [0], [1], [0, 0, 1, 1], [], []>, transpose_lhs_hint = false} : vector<256x64xf32>, vector<64x128xf32>, vector<256x128xf32> -> vector<256x128xf32>
    %max3A_193 = arith.constant 0.000000e+00 : f32
    %max3A_194 = vector.broadcast %max3A_193 : f32 to vector<256x128xf32>
    %max3A_195 = arith.maximumf %dot_general3A_192, %max3A_194 : vector<256x128xf32>
    %max3A_196 = arith.maximumf %max3A_170, %max3A_195 : vector<256x128xf32>
    %get3A_197 = arith.constant 7 : index
    %get3A_198 = arith.constant 0 : index
    %get3A_199 = arith.constant 0 : index
    %get3A_200 = vector.load %arg1[%get3A_197, %get3A_198, %get3A_199] : memref<32x256x64xf32, #tpu.memory_space<vmem>>, vector<1x256x64xf32>
    %get3A_201 = vector.shape_cast %get3A_200 : vector<1x256x64xf32> to vector<256x64xf32>
    %sub3A_202 = arith.subf %get3A_201, %add3A_18 : vector<256x64xf32>
    %max3A_203 = arith.constant 0.000000e+00 : f32
    %max3A_204 = vector.broadcast %max3A_203 : f32 to vector<256x64xf32>
    %max3A_205 = arith.maximumf %sub3A_202, %max3A_204 : vector<256x64xf32>
    %get3A_206 = arith.constant 0 : index
    %get3A_207 = arith.constant 0 : index
    %get3A_208 = vector.load %arg4[%get3A_206, %get3A_207] : memref<64x64xf32, #tpu.memory_space<vmem>>, vector<64x64xf32>
    %dot_general3A_209 = arith.constant dense<0.000000e+00> : vector<256x64xf32>
    %dot_general3A_210 = tpu.matmul %max3A_205, %get3A_208, %dot_general3A_209 {dimension_numbers = #tpu.dot_dimension_numbers<[1], [0], [0], [1], [0, 0, 1, 1], [], []>, transpose_lhs_hint = false} : vector<256x64xf32>, vector<64x64xf32>, vector<256x64xf32> -> vector<256x64xf32>
    %max3A_211 = arith.constant 0.000000e+00 : f32
    %max3A_212 = vector.broadcast %max3A_211 : f32 to vector<256x64xf32>
    %max3A_213 = arith.maximumf %dot_general3A_210, %max3A_212 : vector<256x64xf32>
    %get3A_214 = arith.constant 0 : index
    %get3A_215 = arith.constant 0 : index
    %get3A_216 = vector.load %arg5[%get3A_214, %get3A_215] : memref<64x128xf32, #tpu.memory_space<vmem>>, vector<64x128xf32>
    %dot_general3A_217 = arith.constant dense<0.000000e+00> : vector<256x128xf32>
    %dot_general3A_218 = tpu.matmul %max3A_213, %get3A_216, %dot_general3A_217 {dimension_numbers = #tpu.dot_dimension_numbers<[1], [0], [0], [1], [0, 0, 1, 1], [], []>, transpose_lhs_hint = false} : vector<256x64xf32>, vector<64x128xf32>, vector<256x128xf32> -> vector<256x128xf32>
    %max3A_219 = arith.constant 0.000000e+00 : f32
    %max3A_220 = vector.broadcast %max3A_219 : f32 to vector<256x128xf32>
    %max3A_221 = arith.maximumf %dot_general3A_218, %max3A_220 : vector<256x128xf32>
    %max3A_222 = arith.maximumf %max3A_196, %max3A_221 : vector<256x128xf32>
    %get3A_223 = arith.constant 8 : index
    %get3A_224 = arith.constant 0 : index
    %get3A_225 = arith.constant 0 : index
    %get3A_226 = vector.load %arg1[%get3A_223, %get3A_224, %get3A_225] : memref<32x256x64xf32, #tpu.memory_space<vmem>>, vector<1x256x64xf32>
    %get3A_227 = vector.shape_cast %get3A_226 : vector<1x256x64xf32> to vector<256x64xf32>
    %sub3A_228 = arith.subf %get3A_227, %add3A_18 : vector<256x64xf32>
    %max3A_229 = arith.constant 0.000000e+00 : f32
    %max3A_230 = vector.broadcast %max3A_229 : f32 to vector<256x64xf32>
    %max3A_231 = arith.maximumf %sub3A_228, %max3A_230 : vector<256x64xf32>
    %get3A_232 = arith.constant 0 : index
    %get3A_233 = arith.constant 0 : index
    %get3A_234 = vector.load %arg4[%get3A_232, %get3A_233] : memref<64x64xf32, #tpu.memory_space<vmem>>, vector<64x64xf32>
    %dot_general3A_235 = arith.constant dense<0.000000e+00> : vector<256x64xf32>
    %dot_general3A_236 = tpu.matmul %max3A_231, %get3A_234, %dot_general3A_235 {dimension_numbers = #tpu.dot_dimension_numbers<[1], [0], [0], [1], [0, 0, 1, 1], [], []>, transpose_lhs_hint = false} : vector<256x64xf32>, vector<64x64xf32>, vector<256x64xf32> -> vector<256x64xf32>
    %max3A_237 = arith.constant 0.000000e+00 : f32
    %max3A_238 = vector.broadcast %max3A_237 : f32 to vector<256x64xf32>
    %max3A_239 = arith.maximumf %dot_general3A_236, %max3A_238 : vector<256x64xf32>
    %get3A_240 = arith.constant 0 : index
    %get3A_241 = arith.constant 0 : index
    %get3A_242 = vector.load %arg5[%get3A_240, %get3A_241] : memref<64x128xf32, #tpu.memory_space<vmem>>, vector<64x128xf32>
    %dot_general3A_243 = arith.constant dense<0.000000e+00> : vector<256x128xf32>
    %dot_general3A_244 = tpu.matmul %max3A_239, %get3A_242, %dot_general3A_243 {dimension_numbers = #tpu.dot_dimension_numbers<[1], [0], [0], [1], [0, 0, 1, 1], [], []>, transpose_lhs_hint = false} : vector<256x64xf32>, vector<64x128xf32>, vector<256x128xf32> -> vector<256x128xf32>
    %max3A_245 = arith.constant 0.000000e+00 : f32
    %max3A_246 = vector.broadcast %max3A_245 : f32 to vector<256x128xf32>
    %max3A_247 = arith.maximumf %dot_general3A_244, %max3A_246 : vector<256x128xf32>
    %max3A_248 = arith.maximumf %max3A_222, %max3A_247 : vector<256x128xf32>
    %get3A_249 = arith.constant 9 : index
    %get3A_250 = arith.constant 0 : index
    %get3A_251 = arith.constant 0 : index
    %get3A_252 = vector.load %arg1[%get3A_249, %get3A_250, %get3A_251] : memref<32x256x64xf32, #tpu.memory_space<vmem>>, vector<1x256x64xf32>
    %get3A_253 = vector.shape_cast %get3A_252 : vector<1x256x64xf32> to vector<256x64xf32>
    %sub3A_254 = arith.subf %get3A_253, %add3A_18 : vector<256x64xf32>
    %max3A_255 = arith.constant 0.000000e+00 : f32
    %max3A_256 = vector.broadcast %max3A_255 : f32 to vector<256x64xf32>
    %max3A_257 = arith.maximumf %sub3A_254, %max3A_256 : vector<256x64xf32>
    %get3A_258 = arith.constant 0 : index
    %get3A_259 = arith.constant 0 : index
    %get3A_260 = vector.load %arg4[%get3A_258, %get3A_259] : memref<64x64xf32, #tpu.memory_space<vmem>>, vector<64x64xf32>
    %dot_general3A_261 = arith.constant dense<0.000000e+00> : vector<256x64xf32>
    %dot_general3A_262 = tpu.matmul %max3A_257, %get3A_260, %dot_general3A_261 {dimension_numbers = #tpu.dot_dimension_numbers<[1], [0], [0], [1], [0, 0, 1, 1], [], []>, transpose_lhs_hint = false} : vector<256x64xf32>, vector<64x64xf32>, vector<256x64xf32> -> vector<256x64xf32>
    %max3A_263 = arith.constant 0.000000e+00 : f32
    %max3A_264 = vector.broadcast %max3A_263 : f32 to vector<256x64xf32>
    %max3A_265 = arith.maximumf %dot_general3A_262, %max3A_264 : vector<256x64xf32>
    %get3A_266 = arith.constant 0 : index
    %get3A_267 = arith.constant 0 : index
    %get3A_268 = vector.load %arg5[%get3A_266, %get3A_267] : memref<64x128xf32, #tpu.memory_space<vmem>>, vector<64x128xf32>
    %dot_general3A_269 = arith.constant dense<0.000000e+00> : vector<256x128xf32>
    %dot_general3A_270 = tpu.matmul %max3A_265, %get3A_268, %dot_general3A_269 {dimension_numbers = #tpu.dot_dimension_numbers<[1], [0], [0], [1], [0, 0, 1, 1], [], []>, transpose_lhs_hint = false} : vector<256x64xf32>, vector<64x128xf32>, vector<256x128xf32> -> vector<256x128xf32>
    %max3A_271 = arith.constant 0.000000e+00 : f32
    %max3A_272 = vector.broadcast %max3A_271 : f32 to vector<256x128xf32>
    %max3A_273 = arith.maximumf %dot_general3A_270, %max3A_272 : vector<256x128xf32>
    %max3A_274 = arith.maximumf %max3A_248, %max3A_273 : vector<256x128xf32>
    %get3A_275 = arith.constant 10 : index
    %get3A_276 = arith.constant 0 : index
    %get3A_277 = arith.constant 0 : index
    %get3A_278 = vector.load %arg1[%get3A_275, %get3A_276, %get3A_277] : memref<32x256x64xf32, #tpu.memory_space<vmem>>, vector<1x256x64xf32>
    %get3A_279 = vector.shape_cast %get3A_278 : vector<1x256x64xf32> to vector<256x64xf32>
    %sub3A_280 = arith.subf %get3A_279, %add3A_18 : vector<256x64xf32>
    %max3A_281 = arith.constant 0.000000e+00 : f32
    %max3A_282 = vector.broadcast %max3A_281 : f32 to vector<256x64xf32>
    %max3A_283 = arith.maximumf %sub3A_280, %max3A_282 : vector<256x64xf32>
    %get3A_284 = arith.constant 0 : index
    %get3A_285 = arith.constant 0 : index
    %get3A_286 = vector.load %arg4[%get3A_284, %get3A_285] : memref<64x64xf32, #tpu.memory_space<vmem>>, vector<64x64xf32>
    %dot_general3A_287 = arith.constant dense<0.000000e+00> : vector<256x64xf32>
    %dot_general3A_288 = tpu.matmul %max3A_283, %get3A_286, %dot_general3A_287 {dimension_numbers = #tpu.dot_dimension_numbers<[1], [0], [0], [1], [0, 0, 1, 1], [], []>, transpose_lhs_hint = false} : vector<256x64xf32>, vector<64x64xf32>, vector<256x64xf32> -> vector<256x64xf32>
    %max3A_289 = arith.constant 0.000000e+00 : f32
    %max3A_290 = vector.broadcast %max3A_289 : f32 to vector<256x64xf32>
    %max3A_291 = arith.maximumf %dot_general3A_288, %max3A_290 : vector<256x64xf32>
    %get3A_292 = arith.constant 0 : index
    %get3A_293 = arith.constant 0 : index
    %get3A_294 = vector.load %arg5[%get3A_292, %get3A_293] : memref<64x128xf32, #tpu.memory_space<vmem>>, vector<64x128xf32>
    %dot_general3A_295 = arith.constant dense<0.000000e+00> : vector<256x128xf32>
    %dot_general3A_296 = tpu.matmul %max3A_291, %get3A_294, %dot_general3A_295 {dimension_numbers = #tpu.dot_dimension_numbers<[1], [0], [0], [1], [0, 0, 1, 1], [], []>, transpose_lhs_hint = false} : vector<256x64xf32>, vector<64x128xf32>, vector<256x128xf32> -> vector<256x128xf32>
    %max3A_297 = arith.constant 0.000000e+00 : f32
    %max3A_298 = vector.broadcast %max3A_297 : f32 to vector<256x128xf32>
    %max3A_299 = arith.maximumf %dot_general3A_296, %max3A_298 : vector<256x128xf32>
    %max3A_300 = arith.maximumf %max3A_274, %max3A_299 : vector<256x128xf32>
    %get3A_301 = arith.constant 11 : index
    %get3A_302 = arith.constant 0 : index
    %get3A_303 = arith.constant 0 : index
    %get3A_304 = vector.load %arg1[%get3A_301, %get3A_302, %get3A_303] : memref<32x256x64xf32, #tpu.memory_space<vmem>>, vector<1x256x64xf32>
    %get3A_305 = vector.shape_cast %get3A_304 : vector<1x256x64xf32> to vector<256x64xf32>
    %sub3A_306 = arith.subf %get3A_305, %add3A_18 : vector<256x64xf32>
    %max3A_307 = arith.constant 0.000000e+00 : f32
    %max3A_308 = vector.broadcast %max3A_307 : f32 to vector<256x64xf32>
    %max3A_309 = arith.maximumf %sub3A_306, %max3A_308 : vector<256x64xf32>
    %get3A_310 = arith.constant 0 : index
    %get3A_311 = arith.constant 0 : index
    %get3A_312 = vector.load %arg4[%get3A_310, %get3A_311] : memref<64x64xf32, #tpu.memory_space<vmem>>, vector<64x64xf32>
    %dot_general3A_313 = arith.constant dense<0.000000e+00> : vector<256x64xf32>
    %dot_general3A_314 = tpu.matmul %max3A_309, %get3A_312, %dot_general3A_313 {dimension_numbers = #tpu.dot_dimension_numbers<[1], [0], [0], [1], [0, 0, 1, 1], [], []>, transpose_lhs_hint = false} : vector<256x64xf32>, vector<64x64xf32>, vector<256x64xf32> -> vector<256x64xf32>
    %max3A_315 = arith.constant 0.000000e+00 : f32
    %max3A_316 = vector.broadcast %max3A_315 : f32 to vector<256x64xf32>
    %max3A_317 = arith.maximumf %dot_general3A_314, %max3A_316 : vector<256x64xf32>
    %get3A_318 = arith.constant 0 : index
    %get3A_319 = arith.constant 0 : index
    %get3A_320 = vector.load %arg5[%get3A_318, %get3A_319] : memref<64x128xf32, #tpu.memory_space<vmem>>, vector<64x128xf32>
    %dot_general3A_321 = arith.constant dense<0.000000e+00> : vector<256x128xf32>
    %dot_general3A_322 = tpu.matmul %max3A_317, %get3A_320, %dot_general3A_321 {dimension_numbers = #tpu.dot_dimension_numbers<[1], [0], [0], [1], [0, 0, 1, 1], [], []>, transpose_lhs_hint = false} : vector<256x64xf32>, vector<64x128xf32>, vector<256x128xf32> -> vector<256x128xf32>
    %max3A_323 = arith.constant 0.000000e+00 : f32
    %max3A_324 = vector.broadcast %max3A_323 : f32 to vector<256x128xf32>
    %max3A_325 = arith.maximumf %dot_general3A_322, %max3A_324 : vector<256x128xf32>
    %max3A_326 = arith.maximumf %max3A_300, %max3A_325 : vector<256x128xf32>
    %get3A_327 = arith.constant 12 : index
    %get3A_328 = arith.constant 0 : index
    %get3A_329 = arith.constant 0 : index
    %get3A_330 = vector.load %arg1[%get3A_327, %get3A_328, %get3A_329] : memref<32x256x64xf32, #tpu.memory_space<vmem>>, vector<1x256x64xf32>
    %get3A_331 = vector.shape_cast %get3A_330 : vector<1x256x64xf32> to vector<256x64xf32>
    %sub3A_332 = arith.subf %get3A_331, %add3A_18 : vector<256x64xf32>
    %max3A_333 = arith.constant 0.000000e+00 : f32
    %max3A_334 = vector.broadcast %max3A_333 : f32 to vector<256x64xf32>
    %max3A_335 = arith.maximumf %sub3A_332, %max3A_334 : vector<256x64xf32>
    %get3A_336 = arith.constant 0 : index
    %get3A_337 = arith.constant 0 : index
    %get3A_338 = vector.load %arg4[%get3A_336, %get3A_337] : memref<64x64xf32, #tpu.memory_space<vmem>>, vector<64x64xf32>
    %dot_general3A_339 = arith.constant dense<0.000000e+00> : vector<256x64xf32>
    %dot_general3A_340 = tpu.matmul %max3A_335, %get3A_338, %dot_general3A_339 {dimension_numbers = #tpu.dot_dimension_numbers<[1], [0], [0], [1], [0, 0, 1, 1], [], []>, transpose_lhs_hint = false} : vector<256x64xf32>, vector<64x64xf32>, vector<256x64xf32> -> vector<256x64xf32>
    %max3A_341 = arith.constant 0.000000e+00 : f32
    %max3A_342 = vector.broadcast %max3A_341 : f32 to vector<256x64xf32>
    %max3A_343 = arith.maximumf %dot_general3A_340, %max3A_342 : vector<256x64xf32>
    %get3A_344 = arith.constant 0 : index
    %get3A_345 = arith.constant 0 : index
    %get3A_346 = vector.load %arg5[%get3A_344, %get3A_345] : memref<64x128xf32, #tpu.memory_space<vmem>>, vector<64x128xf32>
    %dot_general3A_347 = arith.constant dense<0.000000e+00> : vector<256x128xf32>
    %dot_general3A_348 = tpu.matmul %max3A_343, %get3A_346, %dot_general3A_347 {dimension_numbers = #tpu.dot_dimension_numbers<[1], [0], [0], [1], [0, 0, 1, 1], [], []>, transpose_lhs_hint = false} : vector<256x64xf32>, vector<64x128xf32>, vector<256x128xf32> -> vector<256x128xf32>
    %max3A_349 = arith.constant 0.000000e+00 : f32
    %max3A_350 = vector.broadcast %max3A_349 : f32 to vector<256x128xf32>
    %max3A_351 = arith.maximumf %dot_general3A_348, %max3A_350 : vector<256x128xf32>
    %max3A_352 = arith.maximumf %max3A_326, %max3A_351 : vector<256x128xf32>
    %get3A_353 = arith.constant 13 : index
    %get3A_354 = arith.constant 0 : index
    %get3A_355 = arith.constant 0 : index
    %get3A_356 = vector.load %arg1[%get3A_353, %get3A_354, %get3A_355] : memref<32x256x64xf32, #tpu.memory_space<vmem>>, vector<1x256x64xf32>
    %get3A_357 = vector.shape_cast %get3A_356 : vector<1x256x64xf32> to vector<256x64xf32>
    %sub3A_358 = arith.subf %get3A_357, %add3A_18 : vector<256x64xf32>
    %max3A_359 = arith.constant 0.000000e+00 : f32
    %max3A_360 = vector.broadcast %max3A_359 : f32 to vector<256x64xf32>
    %max3A_361 = arith.maximumf %sub3A_358, %max3A_360 : vector<256x64xf32>
    %get3A_362 = arith.constant 0 : index
    %get3A_363 = arith.constant 0 : index
    %get3A_364 = vector.load %arg4[%get3A_362, %get3A_363] : memref<64x64xf32, #tpu.memory_space<vmem>>, vector<64x64xf32>
    %dot_general3A_365 = arith.constant dense<0.000000e+00> : vector<256x64xf32>
    %dot_general3A_366 = tpu.matmul %max3A_361, %get3A_364, %dot_general3A_365 {dimension_numbers = #tpu.dot_dimension_numbers<[1], [0], [0], [1], [0, 0, 1, 1], [], []>, transpose_lhs_hint = false} : vector<256x64xf32>, vector<64x64xf32>, vector<256x64xf32> -> vector<256x64xf32>
    %max3A_367 = arith.constant 0.000000e+00 : f32
    %max3A_368 = vector.broadcast %max3A_367 : f32 to vector<256x64xf32>
    %max3A_369 = arith.maximumf %dot_general3A_366, %max3A_368 : vector<256x64xf32>
    %get3A_370 = arith.constant 0 : index
    %get3A_371 = arith.constant 0 : index
    %get3A_372 = vector.load %arg5[%get3A_370, %get3A_371] : memref<64x128xf32, #tpu.memory_space<vmem>>, vector<64x128xf32>
    %dot_general3A_373 = arith.constant dense<0.000000e+00> : vector<256x128xf32>
    %dot_general3A_374 = tpu.matmul %max3A_369, %get3A_372, %dot_general3A_373 {dimension_numbers = #tpu.dot_dimension_numbers<[1], [0], [0], [1], [0, 0, 1, 1], [], []>, transpose_lhs_hint = false} : vector<256x64xf32>, vector<64x128xf32>, vector<256x128xf32> -> vector<256x128xf32>
    %max3A_375 = arith.constant 0.000000e+00 : f32
    %max3A_376 = vector.broadcast %max3A_375 : f32 to vector<256x128xf32>
    %max3A_377 = arith.maximumf %dot_general3A_374, %max3A_376 : vector<256x128xf32>
    %max3A_378 = arith.maximumf %max3A_352, %max3A_377 : vector<256x128xf32>
    %get3A_379 = arith.constant 14 : index
    %get3A_380 = arith.constant 0 : index
    %get3A_381 = arith.constant 0 : index
    %get3A_382 = vector.load %arg1[%get3A_379, %get3A_380, %get3A_381] : memref<32x256x64xf32, #tpu.memory_space<vmem>>, vector<1x256x64xf32>
    %get3A_383 = vector.shape_cast %get3A_382 : vector<1x256x64xf32> to vector<256x64xf32>
    %sub3A_384 = arith.subf %get3A_383, %add3A_18 : vector<256x64xf32>
    %max3A_385 = arith.constant 0.000000e+00 : f32
    %max3A_386 = vector.broadcast %max3A_385 : f32 to vector<256x64xf32>
    %max3A_387 = arith.maximumf %sub3A_384, %max3A_386 : vector<256x64xf32>
    %get3A_388 = arith.constant 0 : index
    %get3A_389 = arith.constant 0 : index
    %get3A_390 = vector.load %arg4[%get3A_388, %get3A_389] : memref<64x64xf32, #tpu.memory_space<vmem>>, vector<64x64xf32>
    %dot_general3A_391 = arith.constant dense<0.000000e+00> : vector<256x64xf32>
    %dot_general3A_392 = tpu.matmul %max3A_387, %get3A_390, %dot_general3A_391 {dimension_numbers = #tpu.dot_dimension_numbers<[1], [0], [0], [1], [0, 0, 1, 1], [], []>, transpose_lhs_hint = false} : vector<256x64xf32>, vector<64x64xf32>, vector<256x64xf32> -> vector<256x64xf32>
    %max3A_393 = arith.constant 0.000000e+00 : f32
    %max3A_394 = vector.broadcast %max3A_393 : f32 to vector<256x64xf32>
    %max3A_395 = arith.maximumf %dot_general3A_392, %max3A_394 : vector<256x64xf32>
    %get3A_396 = arith.constant 0 : index
    %get3A_397 = arith.constant 0 : index
    %get3A_398 = vector.load %arg5[%get3A_396, %get3A_397] : memref<64x128xf32, #tpu.memory_space<vmem>>, vector<64x128xf32>
    %dot_general3A_399 = arith.constant dense<0.000000e+00> : vector<256x128xf32>
    %dot_general3A_400 = tpu.matmul %max3A_395, %get3A_398, %dot_general3A_399 {dimension_numbers = #tpu.dot_dimension_numbers<[1], [0], [0], [1], [0, 0, 1, 1], [], []>, transpose_lhs_hint = false} : vector<256x64xf32>, vector<64x128xf32>, vector<256x128xf32> -> vector<256x128xf32>
    %max3A_401 = arith.constant 0.000000e+00 : f32
    %max3A_402 = vector.broadcast %max3A_401 : f32 to vector<256x128xf32>
    %max3A_403 = arith.maximumf %dot_general3A_400, %max3A_402 : vector<256x128xf32>
    %max3A_404 = arith.maximumf %max3A_378, %max3A_403 : vector<256x128xf32>
    %get3A_405 = arith.constant 15 : index
    %get3A_406 = arith.constant 0 : index
    %get3A_407 = arith.constant 0 : index
    %get3A_408 = vector.load %arg1[%get3A_405, %get3A_406, %get3A_407] : memref<32x256x64xf32, #tpu.memory_space<vmem>>, vector<1x256x64xf32>
    %get3A_409 = vector.shape_cast %get3A_408 : vector<1x256x64xf32> to vector<256x64xf32>
    %sub3A_410 = arith.subf %get3A_409, %add3A_18 : vector<256x64xf32>
    %max3A_411 = arith.constant 0.000000e+00 : f32
    %max3A_412 = vector.broadcast %max3A_411 : f32 to vector<256x64xf32>
    %max3A_413 = arith.maximumf %sub3A_410, %max3A_412 : vector<256x64xf32>
    %get3A_414 = arith.constant 0 : index
    %get3A_415 = arith.constant 0 : index
    %get3A_416 = vector.load %arg4[%get3A_414, %get3A_415] : memref<64x64xf32, #tpu.memory_space<vmem>>, vector<64x64xf32>
    %dot_general3A_417 = arith.constant dense<0.000000e+00> : vector<256x64xf32>
    %dot_general3A_418 = tpu.matmul %max3A_413, %get3A_416, %dot_general3A_417 {dimension_numbers = #tpu.dot_dimension_numbers<[1], [0], [0], [1], [0, 0, 1, 1], [], []>, transpose_lhs_hint = false} : vector<256x64xf32>, vector<64x64xf32>, vector<256x64xf32> -> vector<256x64xf32>
    %max3A_419 = arith.constant 0.000000e+00 : f32
    %max3A_420 = vector.broadcast %max3A_419 : f32 to vector<256x64xf32>
    %max3A_421 = arith.maximumf %dot_general3A_418, %max3A_420 : vector<256x64xf32>
    %get3A_422 = arith.constant 0 : index
    %get3A_423 = arith.constant 0 : index
    %get3A_424 = vector.load %arg5[%get3A_422, %get3A_423] : memref<64x128xf32, #tpu.memory_space<vmem>>, vector<64x128xf32>
    %dot_general3A_425 = arith.constant dense<0.000000e+00> : vector<256x128xf32>
    %dot_general3A_426 = tpu.matmul %max3A_421, %get3A_424, %dot_general3A_425 {dimension_numbers = #tpu.dot_dimension_numbers<[1], [0], [0], [1], [0, 0, 1, 1], [], []>, transpose_lhs_hint = false} : vector<256x64xf32>, vector<64x128xf32>, vector<256x128xf32> -> vector<256x128xf32>
    %max3A_427 = arith.constant 0.000000e+00 : f32
    %max3A_428 = vector.broadcast %max3A_427 : f32 to vector<256x128xf32>
    %max3A_429 = arith.maximumf %dot_general3A_426, %max3A_428 : vector<256x128xf32>
    %max3A_430 = arith.maximumf %max3A_404, %max3A_429 : vector<256x128xf32>
    %get3A_431 = arith.constant 16 : index
    %get3A_432 = arith.constant 0 : index
    %get3A_433 = arith.constant 0 : index
    %get3A_434 = vector.load %arg1[%get3A_431, %get3A_432, %get3A_433] : memref<32x256x64xf32, #tpu.memory_space<vmem>>, vector<1x256x64xf32>
    %get3A_435 = vector.shape_cast %get3A_434 : vector<1x256x64xf32> to vector<256x64xf32>
    %sub3A_436 = arith.subf %get3A_435, %add3A_18 : vector<256x64xf32>
    %max3A_437 = arith.constant 0.000000e+00 : f32
    %max3A_438 = vector.broadcast %max3A_437 : f32 to vector<256x64xf32>
    %max3A_439 = arith.maximumf %sub3A_436, %max3A_438 : vector<256x64xf32>
    %get3A_440 = arith.constant 0 : index
    %get3A_441 = arith.constant 0 : index
    %get3A_442 = vector.load %arg4[%get3A_440, %get3A_441] : memref<64x64xf32, #tpu.memory_space<vmem>>, vector<64x64xf32>
    %dot_general3A_443 = arith.constant dense<0.000000e+00> : vector<256x64xf32>
    %dot_general3A_444 = tpu.matmul %max3A_439, %get3A_442, %dot_general3A_443 {dimension_numbers = #tpu.dot_dimension_numbers<[1], [0], [0], [1], [0, 0, 1, 1], [], []>, transpose_lhs_hint = false} : vector<256x64xf32>, vector<64x64xf32>, vector<256x64xf32> -> vector<256x64xf32>
    %max3A_445 = arith.constant 0.000000e+00 : f32
    %max3A_446 = vector.broadcast %max3A_445 : f32 to vector<256x64xf32>
    %max3A_447 = arith.maximumf %dot_general3A_444, %max3A_446 : vector<256x64xf32>
    %get3A_448 = arith.constant 0 : index
    %get3A_449 = arith.constant 0 : index
    %get3A_450 = vector.load %arg5[%get3A_448, %get3A_449] : memref<64x128xf32, #tpu.memory_space<vmem>>, vector<64x128xf32>
    %dot_general3A_451 = arith.constant dense<0.000000e+00> : vector<256x128xf32>
    %dot_general3A_452 = tpu.matmul %max3A_447, %get3A_450, %dot_general3A_451 {dimension_numbers = #tpu.dot_dimension_numbers<[1], [0], [0], [1], [0, 0, 1, 1], [], []>, transpose_lhs_hint = false} : vector<256x64xf32>, vector<64x128xf32>, vector<256x128xf32> -> vector<256x128xf32>
    %max3A_453 = arith.constant 0.000000e+00 : f32
    %max3A_454 = vector.broadcast %max3A_453 : f32 to vector<256x128xf32>
    %max3A_455 = arith.maximumf %dot_general3A_452, %max3A_454 : vector<256x128xf32>
    %max3A_456 = arith.maximumf %max3A_430, %max3A_455 : vector<256x128xf32>
    %get3A_457 = arith.constant 17 : index
    %get3A_458 = arith.constant 0 : index
    %get3A_459 = arith.constant 0 : index
    %get3A_460 = vector.load %arg1[%get3A_457, %get3A_458, %get3A_459] : memref<32x256x64xf32, #tpu.memory_space<vmem>>, vector<1x256x64xf32>
    %get3A_461 = vector.shape_cast %get3A_460 : vector<1x256x64xf32> to vector<256x64xf32>
    %sub3A_462 = arith.subf %get3A_461, %add3A_18 : vector<256x64xf32>
    %max3A_463 = arith.constant 0.000000e+00 : f32
    %max3A_464 = vector.broadcast %max3A_463 : f32 to vector<256x64xf32>
    %max3A_465 = arith.maximumf %sub3A_462, %max3A_464 : vector<256x64xf32>
    %get3A_466 = arith.constant 0 : index
    %get3A_467 = arith.constant 0 : index
    %get3A_468 = vector.load %arg4[%get3A_466, %get3A_467] : memref<64x64xf32, #tpu.memory_space<vmem>>, vector<64x64xf32>
    %dot_general3A_469 = arith.constant dense<0.000000e+00> : vector<256x64xf32>
    %dot_general3A_470 = tpu.matmul %max3A_465, %get3A_468, %dot_general3A_469 {dimension_numbers = #tpu.dot_dimension_numbers<[1], [0], [0], [1], [0, 0, 1, 1], [], []>, transpose_lhs_hint = false} : vector<256x64xf32>, vector<64x64xf32>, vector<256x64xf32> -> vector<256x64xf32>
    %max3A_471 = arith.constant 0.000000e+00 : f32
    %max3A_472 = vector.broadcast %max3A_471 : f32 to vector<256x64xf32>
    %max3A_473 = arith.maximumf %dot_general3A_470, %max3A_472 : vector<256x64xf32>
    %get3A_474 = arith.constant 0 : index
    %get3A_475 = arith.constant 0 : index
    %get3A_476 = vector.load %arg5[%get3A_474, %get3A_475] : memref<64x128xf32, #tpu.memory_space<vmem>>, vector<64x128xf32>
    %dot_general3A_477 = arith.constant dense<0.000000e+00> : vector<256x128xf32>
    %dot_general3A_478 = tpu.matmul %max3A_473, %get3A_476, %dot_general3A_477 {dimension_numbers = #tpu.dot_dimension_numbers<[1], [0], [0], [1], [0, 0, 1, 1], [], []>, transpose_lhs_hint = false} : vector<256x64xf32>, vector<64x128xf32>, vector<256x128xf32> -> vector<256x128xf32>
    %max3A_479 = arith.constant 0.000000e+00 : f32
    %max3A_480 = vector.broadcast %max3A_479 : f32 to vector<256x128xf32>
    %max3A_481 = arith.maximumf %dot_general3A_478, %max3A_480 : vector<256x128xf32>
    %max3A_482 = arith.maximumf %max3A_456, %max3A_481 : vector<256x128xf32>
    %get3A_483 = arith.constant 18 : index
    %get3A_484 = arith.constant 0 : index
    %get3A_485 = arith.constant 0 : index
    %get3A_486 = vector.load %arg1[%get3A_483, %get3A_484, %get3A_485] : memref<32x256x64xf32, #tpu.memory_space<vmem>>, vector<1x256x64xf32>
    %get3A_487 = vector.shape_cast %get3A_486 : vector<1x256x64xf32> to vector<256x64xf32>
    %sub3A_488 = arith.subf %get3A_487, %add3A_18 : vector<256x64xf32>
    %max3A_489 = arith.constant 0.000000e+00 : f32
    %max3A_490 = vector.broadcast %max3A_489 : f32 to vector<256x64xf32>
    %max3A_491 = arith.maximumf %sub3A_488, %max3A_490 : vector<256x64xf32>
    %get3A_492 = arith.constant 0 : index
    %get3A_493 = arith.constant 0 : index
    %get3A_494 = vector.load %arg4[%get3A_492, %get3A_493] : memref<64x64xf32, #tpu.memory_space<vmem>>, vector<64x64xf32>
    %dot_general3A_495 = arith.constant dense<0.000000e+00> : vector<256x64xf32>
    %dot_general3A_496 = tpu.matmul %max3A_491, %get3A_494, %dot_general3A_495 {dimension_numbers = #tpu.dot_dimension_numbers<[1], [0], [0], [1], [0, 0, 1, 1], [], []>, transpose_lhs_hint = false} : vector<256x64xf32>, vector<64x64xf32>, vector<256x64xf32> -> vector<256x64xf32>
    %max3A_497 = arith.constant 0.000000e+00 : f32
    %max3A_498 = vector.broadcast %max3A_497 : f32 to vector<256x64xf32>
    %max3A_499 = arith.maximumf %dot_general3A_496, %max3A_498 : vector<256x64xf32>
    %get3A_500 = arith.constant 0 : index
    %get3A_501 = arith.constant 0 : index
    %get3A_502 = vector.load %arg5[%get3A_500, %get3A_501] : memref<64x128xf32, #tpu.memory_space<vmem>>, vector<64x128xf32>
    %dot_general3A_503 = arith.constant dense<0.000000e+00> : vector<256x128xf32>
    %dot_general3A_504 = tpu.matmul %max3A_499, %get3A_502, %dot_general3A_503 {dimension_numbers = #tpu.dot_dimension_numbers<[1], [0], [0], [1], [0, 0, 1, 1], [], []>, transpose_lhs_hint = false} : vector<256x64xf32>, vector<64x128xf32>, vector<256x128xf32> -> vector<256x128xf32>
    %max3A_505 = arith.constant 0.000000e+00 : f32
    %max3A_506 = vector.broadcast %max3A_505 : f32 to vector<256x128xf32>
    %max3A_507 = arith.maximumf %dot_general3A_504, %max3A_506 : vector<256x128xf32>
    %max3A_508 = arith.maximumf %max3A_482, %max3A_507 : vector<256x128xf32>
    %get3A_509 = arith.constant 19 : index
    %get3A_510 = arith.constant 0 : index
    %get3A_511 = arith.constant 0 : index
    %get3A_512 = vector.load %arg1[%get3A_509, %get3A_510, %get3A_511] : memref<32x256x64xf32, #tpu.memory_space<vmem>>, vector<1x256x64xf32>
    %get3A_513 = vector.shape_cast %get3A_512 : vector<1x256x64xf32> to vector<256x64xf32>
    %sub3A_514 = arith.subf %get3A_513, %add3A_18 : vector<256x64xf32>
    %max3A_515 = arith.constant 0.000000e+00 : f32
    %max3A_516 = vector.broadcast %max3A_515 : f32 to vector<256x64xf32>
    %max3A_517 = arith.maximumf %sub3A_514, %max3A_516 : vector<256x64xf32>
    %get3A_518 = arith.constant 0 : index
    %get3A_519 = arith.constant 0 : index
    %get3A_520 = vector.load %arg4[%get3A_518, %get3A_519] : memref<64x64xf32, #tpu.memory_space<vmem>>, vector<64x64xf32>
    %dot_general3A_521 = arith.constant dense<0.000000e+00> : vector<256x64xf32>
    %dot_general3A_522 = tpu.matmul %max3A_517, %get3A_520, %dot_general3A_521 {dimension_numbers = #tpu.dot_dimension_numbers<[1], [0], [0], [1], [0, 0, 1, 1], [], []>, transpose_lhs_hint = false} : vector<256x64xf32>, vector<64x64xf32>, vector<256x64xf32> -> vector<256x64xf32>
    %max3A_523 = arith.constant 0.000000e+00 : f32
    %max3A_524 = vector.broadcast %max3A_523 : f32 to vector<256x64xf32>
    %max3A_525 = arith.maximumf %dot_general3A_522, %max3A_524 : vector<256x64xf32>
    %get3A_526 = arith.constant 0 : index
    %get3A_527 = arith.constant 0 : index
    %get3A_528 = vector.load %arg5[%get3A_526, %get3A_527] : memref<64x128xf32, #tpu.memory_space<vmem>>, vector<64x128xf32>
    %dot_general3A_529 = arith.constant dense<0.000000e+00> : vector<256x128xf32>
    %dot_general3A_530 = tpu.matmul %max3A_525, %get3A_528, %dot_general3A_529 {dimension_numbers = #tpu.dot_dimension_numbers<[1], [0], [0], [1], [0, 0, 1, 1], [], []>, transpose_lhs_hint = false} : vector<256x64xf32>, vector<64x128xf32>, vector<256x128xf32> -> vector<256x128xf32>
    %max3A_531 = arith.constant 0.000000e+00 : f32
    %max3A_532 = vector.broadcast %max3A_531 : f32 to vector<256x128xf32>
    %max3A_533 = arith.maximumf %dot_general3A_530, %max3A_532 : vector<256x128xf32>
    %max3A_534 = arith.maximumf %max3A_508, %max3A_533 : vector<256x128xf32>
    %get3A_535 = arith.constant 20 : index
    %get3A_536 = arith.constant 0 : index
    %get3A_537 = arith.constant 0 : index
    %get3A_538 = vector.load %arg1[%get3A_535, %get3A_536, %get3A_537] : memref<32x256x64xf32, #tpu.memory_space<vmem>>, vector<1x256x64xf32>
    %get3A_539 = vector.shape_cast %get3A_538 : vector<1x256x64xf32> to vector<256x64xf32>
    %sub3A_540 = arith.subf %get3A_539, %add3A_18 : vector<256x64xf32>
    %max3A_541 = arith.constant 0.000000e+00 : f32
    %max3A_542 = vector.broadcast %max3A_541 : f32 to vector<256x64xf32>
    %max3A_543 = arith.maximumf %sub3A_540, %max3A_542 : vector<256x64xf32>
    %get3A_544 = arith.constant 0 : index
    %get3A_545 = arith.constant 0 : index
    %get3A_546 = vector.load %arg4[%get3A_544, %get3A_545] : memref<64x64xf32, #tpu.memory_space<vmem>>, vector<64x64xf32>
    %dot_general3A_547 = arith.constant dense<0.000000e+00> : vector<256x64xf32>
    %dot_general3A_548 = tpu.matmul %max3A_543, %get3A_546, %dot_general3A_547 {dimension_numbers = #tpu.dot_dimension_numbers<[1], [0], [0], [1], [0, 0, 1, 1], [], []>, transpose_lhs_hint = false} : vector<256x64xf32>, vector<64x64xf32>, vector<256x64xf32> -> vector<256x64xf32>
    %max3A_549 = arith.constant 0.000000e+00 : f32
    %max3A_550 = vector.broadcast %max3A_549 : f32 to vector<256x64xf32>
    %max3A_551 = arith.maximumf %dot_general3A_548, %max3A_550 : vector<256x64xf32>
    %get3A_552 = arith.constant 0 : index
    %get3A_553 = arith.constant 0 : index
    %get3A_554 = vector.load %arg5[%get3A_552, %get3A_553] : memref<64x128xf32, #tpu.memory_space<vmem>>, vector<64x128xf32>
    %dot_general3A_555 = arith.constant dense<0.000000e+00> : vector<256x128xf32>
    %dot_general3A_556 = tpu.matmul %max3A_551, %get3A_554, %dot_general3A_555 {dimension_numbers = #tpu.dot_dimension_numbers<[1], [0], [0], [1], [0, 0, 1, 1], [], []>, transpose_lhs_hint = false} : vector<256x64xf32>, vector<64x128xf32>, vector<256x128xf32> -> vector<256x128xf32>
    %max3A_557 = arith.constant 0.000000e+00 : f32
    %max3A_558 = vector.broadcast %max3A_557 : f32 to vector<256x128xf32>
    %max3A_559 = arith.maximumf %dot_general3A_556, %max3A_558 : vector<256x128xf32>
    %max3A_560 = arith.maximumf %max3A_534, %max3A_559 : vector<256x128xf32>
    %get3A_561 = arith.constant 21 : index
    %get3A_562 = arith.constant 0 : index
    %get3A_563 = arith.constant 0 : index
    %get3A_564 = vector.load %arg1[%get3A_561, %get3A_562, %get3A_563] : memref<32x256x64xf32, #tpu.memory_space<vmem>>, vector<1x256x64xf32>
    %get3A_565 = vector.shape_cast %get3A_564 : vector<1x256x64xf32> to vector<256x64xf32>
    %sub3A_566 = arith.subf %get3A_565, %add3A_18 : vector<256x64xf32>
    %max3A_567 = arith.constant 0.000000e+00 : f32
    %max3A_568 = vector.broadcast %max3A_567 : f32 to vector<256x64xf32>
    %max3A_569 = arith.maximumf %sub3A_566, %max3A_568 : vector<256x64xf32>
    %get3A_570 = arith.constant 0 : index
    %get3A_571 = arith.constant 0 : index
    %get3A_572 = vector.load %arg4[%get3A_570, %get3A_571] : memref<64x64xf32, #tpu.memory_space<vmem>>, vector<64x64xf32>
    %dot_general3A_573 = arith.constant dense<0.000000e+00> : vector<256x64xf32>
    %dot_general3A_574 = tpu.matmul %max3A_569, %get3A_572, %dot_general3A_573 {dimension_numbers = #tpu.dot_dimension_numbers<[1], [0], [0], [1], [0, 0, 1, 1], [], []>, transpose_lhs_hint = false} : vector<256x64xf32>, vector<64x64xf32>, vector<256x64xf32> -> vector<256x64xf32>
    %max3A_575 = arith.constant 0.000000e+00 : f32
    %max3A_576 = vector.broadcast %max3A_575 : f32 to vector<256x64xf32>
    %max3A_577 = arith.maximumf %dot_general3A_574, %max3A_576 : vector<256x64xf32>
    %get3A_578 = arith.constant 0 : index
    %get3A_579 = arith.constant 0 : index
    %get3A_580 = vector.load %arg5[%get3A_578, %get3A_579] : memref<64x128xf32, #tpu.memory_space<vmem>>, vector<64x128xf32>
    %dot_general3A_581 = arith.constant dense<0.000000e+00> : vector<256x128xf32>
    %dot_general3A_582 = tpu.matmul %max3A_577, %get3A_580, %dot_general3A_581 {dimension_numbers = #tpu.dot_dimension_numbers<[1], [0], [0], [1], [0, 0, 1, 1], [], []>, transpose_lhs_hint = false} : vector<256x64xf32>, vector<64x128xf32>, vector<256x128xf32> -> vector<256x128xf32>
    %max3A_583 = arith.constant 0.000000e+00 : f32
    %max3A_584 = vector.broadcast %max3A_583 : f32 to vector<256x128xf32>
    %max3A_585 = arith.maximumf %dot_general3A_582, %max3A_584 : vector<256x128xf32>
    %max3A_586 = arith.maximumf %max3A_560, %max3A_585 : vector<256x128xf32>
    %get3A_587 = arith.constant 22 : index
    %get3A_588 = arith.constant 0 : index
    %get3A_589 = arith.constant 0 : index
    %get3A_590 = vector.load %arg1[%get3A_587, %get3A_588, %get3A_589] : memref<32x256x64xf32, #tpu.memory_space<vmem>>, vector<1x256x64xf32>
    %get3A_591 = vector.shape_cast %get3A_590 : vector<1x256x64xf32> to vector<256x64xf32>
    %sub3A_592 = arith.subf %get3A_591, %add3A_18 : vector<256x64xf32>
    %max3A_593 = arith.constant 0.000000e+00 : f32
    %max3A_594 = vector.broadcast %max3A_593 : f32 to vector<256x64xf32>
    %max3A_595 = arith.maximumf %sub3A_592, %max3A_594 : vector<256x64xf32>
    %get3A_596 = arith.constant 0 : index
    %get3A_597 = arith.constant 0 : index
    %get3A_598 = vector.load %arg4[%get3A_596, %get3A_597] : memref<64x64xf32, #tpu.memory_space<vmem>>, vector<64x64xf32>
    %dot_general3A_599 = arith.constant dense<0.000000e+00> : vector<256x64xf32>
    %dot_general3A_600 = tpu.matmul %max3A_595, %get3A_598, %dot_general3A_599 {dimension_numbers = #tpu.dot_dimension_numbers<[1], [0], [0], [1], [0, 0, 1, 1], [], []>, transpose_lhs_hint = false} : vector<256x64xf32>, vector<64x64xf32>, vector<256x64xf32> -> vector<256x64xf32>
    %max3A_601 = arith.constant 0.000000e+00 : f32
    %max3A_602 = vector.broadcast %max3A_601 : f32 to vector<256x64xf32>
    %max3A_603 = arith.maximumf %dot_general3A_600, %max3A_602 : vector<256x64xf32>
    %get3A_604 = arith.constant 0 : index
    %get3A_605 = arith.constant 0 : index
    %get3A_606 = vector.load %arg5[%get3A_604, %get3A_605] : memref<64x128xf32, #tpu.memory_space<vmem>>, vector<64x128xf32>
    %dot_general3A_607 = arith.constant dense<0.000000e+00> : vector<256x128xf32>
    %dot_general3A_608 = tpu.matmul %max3A_603, %get3A_606, %dot_general3A_607 {dimension_numbers = #tpu.dot_dimension_numbers<[1], [0], [0], [1], [0, 0, 1, 1], [], []>, transpose_lhs_hint = false} : vector<256x64xf32>, vector<64x128xf32>, vector<256x128xf32> -> vector<256x128xf32>
    %max3A_609 = arith.constant 0.000000e+00 : f32
    %max3A_610 = vector.broadcast %max3A_609 : f32 to vector<256x128xf32>
    %max3A_611 = arith.maximumf %dot_general3A_608, %max3A_610 : vector<256x128xf32>
    %max3A_612 = arith.maximumf %max3A_586, %max3A_611 : vector<256x128xf32>
    %get3A_613 = arith.constant 23 : index
    %get3A_614 = arith.constant 0 : index
    %get3A_615 = arith.constant 0 : index
    %get3A_616 = vector.load %arg1[%get3A_613, %get3A_614, %get3A_615] : memref<32x256x64xf32, #tpu.memory_space<vmem>>, vector<1x256x64xf32>
    %get3A_617 = vector.shape_cast %get3A_616 : vector<1x256x64xf32> to vector<256x64xf32>
    %sub3A_618 = arith.subf %get3A_617, %add3A_18 : vector<256x64xf32>
    %max3A_619 = arith.constant 0.000000e+00 : f32
    %max3A_620 = vector.broadcast %max3A_619 : f32 to vector<256x64xf32>
    %max3A_621 = arith.maximumf %sub3A_618, %max3A_620 : vector<256x64xf32>
    %get3A_622 = arith.constant 0 : index
    %get3A_623 = arith.constant 0 : index
    %get3A_624 = vector.load %arg4[%get3A_622, %get3A_623] : memref<64x64xf32, #tpu.memory_space<vmem>>, vector<64x64xf32>
    %dot_general3A_625 = arith.constant dense<0.000000e+00> : vector<256x64xf32>
    %dot_general3A_626 = tpu.matmul %max3A_621, %get3A_624, %dot_general3A_625 {dimension_numbers = #tpu.dot_dimension_numbers<[1], [0], [0], [1], [0, 0, 1, 1], [], []>, transpose_lhs_hint = false} : vector<256x64xf32>, vector<64x64xf32>, vector<256x64xf32> -> vector<256x64xf32>
    %max3A_627 = arith.constant 0.000000e+00 : f32
    %max3A_628 = vector.broadcast %max3A_627 : f32 to vector<256x64xf32>
    %max3A_629 = arith.maximumf %dot_general3A_626, %max3A_628 : vector<256x64xf32>
    %get3A_630 = arith.constant 0 : index
    %get3A_631 = arith.constant 0 : index
    %get3A_632 = vector.load %arg5[%get3A_630, %get3A_631] : memref<64x128xf32, #tpu.memory_space<vmem>>, vector<64x128xf32>
    %dot_general3A_633 = arith.constant dense<0.000000e+00> : vector<256x128xf32>
    %dot_general3A_634 = tpu.matmul %max3A_629, %get3A_632, %dot_general3A_633 {dimension_numbers = #tpu.dot_dimension_numbers<[1], [0], [0], [1], [0, 0, 1, 1], [], []>, transpose_lhs_hint = false} : vector<256x64xf32>, vector<64x128xf32>, vector<256x128xf32> -> vector<256x128xf32>
    %max3A_635 = arith.constant 0.000000e+00 : f32
    %max3A_636 = vector.broadcast %max3A_635 : f32 to vector<256x128xf32>
    %max3A_637 = arith.maximumf %dot_general3A_634, %max3A_636 : vector<256x128xf32>
    %max3A_638 = arith.maximumf %max3A_612, %max3A_637 : vector<256x128xf32>
    %get3A_639 = arith.constant 24 : index
    %get3A_640 = arith.constant 0 : index
    %get3A_641 = arith.constant 0 : index
    %get3A_642 = vector.load %arg1[%get3A_639, %get3A_640, %get3A_641] : memref<32x256x64xf32, #tpu.memory_space<vmem>>, vector<1x256x64xf32>
    %get3A_643 = vector.shape_cast %get3A_642 : vector<1x256x64xf32> to vector<256x64xf32>
    %sub3A_644 = arith.subf %get3A_643, %add3A_18 : vector<256x64xf32>
    %max3A_645 = arith.constant 0.000000e+00 : f32
    %max3A_646 = vector.broadcast %max3A_645 : f32 to vector<256x64xf32>
    %max3A_647 = arith.maximumf %sub3A_644, %max3A_646 : vector<256x64xf32>
    %get3A_648 = arith.constant 0 : index
    %get3A_649 = arith.constant 0 : index
    %get3A_650 = vector.load %arg4[%get3A_648, %get3A_649] : memref<64x64xf32, #tpu.memory_space<vmem>>, vector<64x64xf32>
    %dot_general3A_651 = arith.constant dense<0.000000e+00> : vector<256x64xf32>
    %dot_general3A_652 = tpu.matmul %max3A_647, %get3A_650, %dot_general3A_651 {dimension_numbers = #tpu.dot_dimension_numbers<[1], [0], [0], [1], [0, 0, 1, 1], [], []>, transpose_lhs_hint = false} : vector<256x64xf32>, vector<64x64xf32>, vector<256x64xf32> -> vector<256x64xf32>
    %max3A_653 = arith.constant 0.000000e+00 : f32
    %max3A_654 = vector.broadcast %max3A_653 : f32 to vector<256x64xf32>
    %max3A_655 = arith.maximumf %dot_general3A_652, %max3A_654 : vector<256x64xf32>
    %get3A_656 = arith.constant 0 : index
    %get3A_657 = arith.constant 0 : index
    %get3A_658 = vector.load %arg5[%get3A_656, %get3A_657] : memref<64x128xf32, #tpu.memory_space<vmem>>, vector<64x128xf32>
    %dot_general3A_659 = arith.constant dense<0.000000e+00> : vector<256x128xf32>
    %dot_general3A_660 = tpu.matmul %max3A_655, %get3A_658, %dot_general3A_659 {dimension_numbers = #tpu.dot_dimension_numbers<[1], [0], [0], [1], [0, 0, 1, 1], [], []>, transpose_lhs_hint = false} : vector<256x64xf32>, vector<64x128xf32>, vector<256x128xf32> -> vector<256x128xf32>
    %max3A_661 = arith.constant 0.000000e+00 : f32
    %max3A_662 = vector.broadcast %max3A_661 : f32 to vector<256x128xf32>
    %max3A_663 = arith.maximumf %dot_general3A_660, %max3A_662 : vector<256x128xf32>
    %max3A_664 = arith.maximumf %max3A_638, %max3A_663 : vector<256x128xf32>
    %get3A_665 = arith.constant 25 : index
    %get3A_666 = arith.constant 0 : index
    %get3A_667 = arith.constant 0 : index
    %get3A_668 = vector.load %arg1[%get3A_665, %get3A_666, %get3A_667] : memref<32x256x64xf32, #tpu.memory_space<vmem>>, vector<1x256x64xf32>
    %get3A_669 = vector.shape_cast %get3A_668 : vector<1x256x64xf32> to vector<256x64xf32>
    %sub3A_670 = arith.subf %get3A_669, %add3A_18 : vector<256x64xf32>
    %max3A_671 = arith.constant 0.000000e+00 : f32
    %max3A_672 = vector.broadcast %max3A_671 : f32 to vector<256x64xf32>
    %max3A_673 = arith.maximumf %sub3A_670, %max3A_672 : vector<256x64xf32>
    %get3A_674 = arith.constant 0 : index
    %get3A_675 = arith.constant 0 : index
    %get3A_676 = vector.load %arg4[%get3A_674, %get3A_675] : memref<64x64xf32, #tpu.memory_space<vmem>>, vector<64x64xf32>
    %dot_general3A_677 = arith.constant dense<0.000000e+00> : vector<256x64xf32>
    %dot_general3A_678 = tpu.matmul %max3A_673, %get3A_676, %dot_general3A_677 {dimension_numbers = #tpu.dot_dimension_numbers<[1], [0], [0], [1], [0, 0, 1, 1], [], []>, transpose_lhs_hint = false} : vector<256x64xf32>, vector<64x64xf32>, vector<256x64xf32> -> vector<256x64xf32>
    %max3A_679 = arith.constant 0.000000e+00 : f32
    %max3A_680 = vector.broadcast %max3A_679 : f32 to vector<256x64xf32>
    %max3A_681 = arith.maximumf %dot_general3A_678, %max3A_680 : vector<256x64xf32>
    %get3A_682 = arith.constant 0 : index
    %get3A_683 = arith.constant 0 : index
    %get3A_684 = vector.load %arg5[%get3A_682, %get3A_683] : memref<64x128xf32, #tpu.memory_space<vmem>>, vector<64x128xf32>
    %dot_general3A_685 = arith.constant dense<0.000000e+00> : vector<256x128xf32>
    %dot_general3A_686 = tpu.matmul %max3A_681, %get3A_684, %dot_general3A_685 {dimension_numbers = #tpu.dot_dimension_numbers<[1], [0], [0], [1], [0, 0, 1, 1], [], []>, transpose_lhs_hint = false} : vector<256x64xf32>, vector<64x128xf32>, vector<256x128xf32> -> vector<256x128xf32>
    %max3A_687 = arith.constant 0.000000e+00 : f32
    %max3A_688 = vector.broadcast %max3A_687 : f32 to vector<256x128xf32>
    %max3A_689 = arith.maximumf %dot_general3A_686, %max3A_688 : vector<256x128xf32>
    %max3A_690 = arith.maximumf %max3A_664, %max3A_689 : vector<256x128xf32>
    %get3A_691 = arith.constant 26 : index
    %get3A_692 = arith.constant 0 : index
    %get3A_693 = arith.constant 0 : index
    %get3A_694 = vector.load %arg1[%get3A_691, %get3A_692, %get3A_693] : memref<32x256x64xf32, #tpu.memory_space<vmem>>, vector<1x256x64xf32>
    %get3A_695 = vector.shape_cast %get3A_694 : vector<1x256x64xf32> to vector<256x64xf32>
    %sub3A_696 = arith.subf %get3A_695, %add3A_18 : vector<256x64xf32>
    %max3A_697 = arith.constant 0.000000e+00 : f32
    %max3A_698 = vector.broadcast %max3A_697 : f32 to vector<256x64xf32>
    %max3A_699 = arith.maximumf %sub3A_696, %max3A_698 : vector<256x64xf32>
    %get3A_700 = arith.constant 0 : index
    %get3A_701 = arith.constant 0 : index
    %get3A_702 = vector.load %arg4[%get3A_700, %get3A_701] : memref<64x64xf32, #tpu.memory_space<vmem>>, vector<64x64xf32>
    %dot_general3A_703 = arith.constant dense<0.000000e+00> : vector<256x64xf32>
    %dot_general3A_704 = tpu.matmul %max3A_699, %get3A_702, %dot_general3A_703 {dimension_numbers = #tpu.dot_dimension_numbers<[1], [0], [0], [1], [0, 0, 1, 1], [], []>, transpose_lhs_hint = false} : vector<256x64xf32>, vector<64x64xf32>, vector<256x64xf32> -> vector<256x64xf32>
    %max3A_705 = arith.constant 0.000000e+00 : f32
    %max3A_706 = vector.broadcast %max3A_705 : f32 to vector<256x64xf32>
    %max3A_707 = arith.maximumf %dot_general3A_704, %max3A_706 : vector<256x64xf32>
    %get3A_708 = arith.constant 0 : index
    %get3A_709 = arith.constant 0 : index
    %get3A_710 = vector.load %arg5[%get3A_708, %get3A_709] : memref<64x128xf32, #tpu.memory_space<vmem>>, vector<64x128xf32>
    %dot_general3A_711 = arith.constant dense<0.000000e+00> : vector<256x128xf32>
    %dot_general3A_712 = tpu.matmul %max3A_707, %get3A_710, %dot_general3A_711 {dimension_numbers = #tpu.dot_dimension_numbers<[1], [0], [0], [1], [0, 0, 1, 1], [], []>, transpose_lhs_hint = false} : vector<256x64xf32>, vector<64x128xf32>, vector<256x128xf32> -> vector<256x128xf32>
    %max3A_713 = arith.constant 0.000000e+00 : f32
    %max3A_714 = vector.broadcast %max3A_713 : f32 to vector<256x128xf32>
    %max3A_715 = arith.maximumf %dot_general3A_712, %max3A_714 : vector<256x128xf32>
    %max3A_716 = arith.maximumf %max3A_690, %max3A_715 : vector<256x128xf32>
    %get3A_717 = arith.constant 27 : index
    %get3A_718 = arith.constant 0 : index
    %get3A_719 = arith.constant 0 : index
    %get3A_720 = vector.load %arg1[%get3A_717, %get3A_718, %get3A_719] : memref<32x256x64xf32, #tpu.memory_space<vmem>>, vector<1x256x64xf32>
    %get3A_721 = vector.shape_cast %get3A_720 : vector<1x256x64xf32> to vector<256x64xf32>
    %sub3A_722 = arith.subf %get3A_721, %add3A_18 : vector<256x64xf32>
    %max3A_723 = arith.constant 0.000000e+00 : f32
    %max3A_724 = vector.broadcast %max3A_723 : f32 to vector<256x64xf32>
    %max3A_725 = arith.maximumf %sub3A_722, %max3A_724 : vector<256x64xf32>
    %get3A_726 = arith.constant 0 : index
    %get3A_727 = arith.constant 0 : index
    %get3A_728 = vector.load %arg4[%get3A_726, %get3A_727] : memref<64x64xf32, #tpu.memory_space<vmem>>, vector<64x64xf32>
    %dot_general3A_729 = arith.constant dense<0.000000e+00> : vector<256x64xf32>
    %dot_general3A_730 = tpu.matmul %max3A_725, %get3A_728, %dot_general3A_729 {dimension_numbers = #tpu.dot_dimension_numbers<[1], [0], [0], [1], [0, 0, 1, 1], [], []>, transpose_lhs_hint = false} : vector<256x64xf32>, vector<64x64xf32>, vector<256x64xf32> -> vector<256x64xf32>
    %max3A_731 = arith.constant 0.000000e+00 : f32
    %max3A_732 = vector.broadcast %max3A_731 : f32 to vector<256x64xf32>
    %max3A_733 = arith.maximumf %dot_general3A_730, %max3A_732 : vector<256x64xf32>
    %get3A_734 = arith.constant 0 : index
    %get3A_735 = arith.constant 0 : index
    %get3A_736 = vector.load %arg5[%get3A_734, %get3A_735] : memref<64x128xf32, #tpu.memory_space<vmem>>, vector<64x128xf32>
    %dot_general3A_737 = arith.constant dense<0.000000e+00> : vector<256x128xf32>
    %dot_general3A_738 = tpu.matmul %max3A_733, %get3A_736, %dot_general3A_737 {dimension_numbers = #tpu.dot_dimension_numbers<[1], [0], [0], [1], [0, 0, 1, 1], [], []>, transpose_lhs_hint = false} : vector<256x64xf32>, vector<64x128xf32>, vector<256x128xf32> -> vector<256x128xf32>
    %max3A_739 = arith.constant 0.000000e+00 : f32
    %max3A_740 = vector.broadcast %max3A_739 : f32 to vector<256x128xf32>
    %max3A_741 = arith.maximumf %dot_general3A_738, %max3A_740 : vector<256x128xf32>
    %max3A_742 = arith.maximumf %max3A_716, %max3A_741 : vector<256x128xf32>
    %get3A_743 = arith.constant 28 : index
    %get3A_744 = arith.constant 0 : index
    %get3A_745 = arith.constant 0 : index
    %get3A_746 = vector.load %arg1[%get3A_743, %get3A_744, %get3A_745] : memref<32x256x64xf32, #tpu.memory_space<vmem>>, vector<1x256x64xf32>
    %get3A_747 = vector.shape_cast %get3A_746 : vector<1x256x64xf32> to vector<256x64xf32>
    %sub3A_748 = arith.subf %get3A_747, %add3A_18 : vector<256x64xf32>
    %max3A_749 = arith.constant 0.000000e+00 : f32
    %max3A_750 = vector.broadcast %max3A_749 : f32 to vector<256x64xf32>
    %max3A_751 = arith.maximumf %sub3A_748, %max3A_750 : vector<256x64xf32>
    %get3A_752 = arith.constant 0 : index
    %get3A_753 = arith.constant 0 : index
    %get3A_754 = vector.load %arg4[%get3A_752, %get3A_753] : memref<64x64xf32, #tpu.memory_space<vmem>>, vector<64x64xf32>
    %dot_general3A_755 = arith.constant dense<0.000000e+00> : vector<256x64xf32>
    %dot_general3A_756 = tpu.matmul %max3A_751, %get3A_754, %dot_general3A_755 {dimension_numbers = #tpu.dot_dimension_numbers<[1], [0], [0], [1], [0, 0, 1, 1], [], []>, transpose_lhs_hint = false} : vector<256x64xf32>, vector<64x64xf32>, vector<256x64xf32> -> vector<256x64xf32>
    %max3A_757 = arith.constant 0.000000e+00 : f32
    %max3A_758 = vector.broadcast %max3A_757 : f32 to vector<256x64xf32>
    %max3A_759 = arith.maximumf %dot_general3A_756, %max3A_758 : vector<256x64xf32>
    %get3A_760 = arith.constant 0 : index
    %get3A_761 = arith.constant 0 : index
    %get3A_762 = vector.load %arg5[%get3A_760, %get3A_761] : memref<64x128xf32, #tpu.memory_space<vmem>>, vector<64x128xf32>
    %dot_general3A_763 = arith.constant dense<0.000000e+00> : vector<256x128xf32>
    %dot_general3A_764 = tpu.matmul %max3A_759, %get3A_762, %dot_general3A_763 {dimension_numbers = #tpu.dot_dimension_numbers<[1], [0], [0], [1], [0, 0, 1, 1], [], []>, transpose_lhs_hint = false} : vector<256x64xf32>, vector<64x128xf32>, vector<256x128xf32> -> vector<256x128xf32>
    %max3A_765 = arith.constant 0.000000e+00 : f32
    %max3A_766 = vector.broadcast %max3A_765 : f32 to vector<256x128xf32>
    %max3A_767 = arith.maximumf %dot_general3A_764, %max3A_766 : vector<256x128xf32>
    %max3A_768 = arith.maximumf %max3A_742, %max3A_767 : vector<256x128xf32>
    %get3A_769 = arith.constant 29 : index
    %get3A_770 = arith.constant 0 : index
    %get3A_771 = arith.constant 0 : index
    %get3A_772 = vector.load %arg1[%get3A_769, %get3A_770, %get3A_771] : memref<32x256x64xf32, #tpu.memory_space<vmem>>, vector<1x256x64xf32>
    %get3A_773 = vector.shape_cast %get3A_772 : vector<1x256x64xf32> to vector<256x64xf32>
    %sub3A_774 = arith.subf %get3A_773, %add3A_18 : vector<256x64xf32>
    %max3A_775 = arith.constant 0.000000e+00 : f32
    %max3A_776 = vector.broadcast %max3A_775 : f32 to vector<256x64xf32>
    %max3A_777 = arith.maximumf %sub3A_774, %max3A_776 : vector<256x64xf32>
    %get3A_778 = arith.constant 0 : index
    %get3A_779 = arith.constant 0 : index
    %get3A_780 = vector.load %arg4[%get3A_778, %get3A_779] : memref<64x64xf32, #tpu.memory_space<vmem>>, vector<64x64xf32>
    %dot_general3A_781 = arith.constant dense<0.000000e+00> : vector<256x64xf32>
    %dot_general3A_782 = tpu.matmul %max3A_777, %get3A_780, %dot_general3A_781 {dimension_numbers = #tpu.dot_dimension_numbers<[1], [0], [0], [1], [0, 0, 1, 1], [], []>, transpose_lhs_hint = false} : vector<256x64xf32>, vector<64x64xf32>, vector<256x64xf32> -> vector<256x64xf32>
    %max3A_783 = arith.constant 0.000000e+00 : f32
    %max3A_784 = vector.broadcast %max3A_783 : f32 to vector<256x64xf32>
    %max3A_785 = arith.maximumf %dot_general3A_782, %max3A_784 : vector<256x64xf32>
    %get3A_786 = arith.constant 0 : index
    %get3A_787 = arith.constant 0 : index
    %get3A_788 = vector.load %arg5[%get3A_786, %get3A_787] : memref<64x128xf32, #tpu.memory_space<vmem>>, vector<64x128xf32>
    %dot_general3A_789 = arith.constant dense<0.000000e+00> : vector<256x128xf32>
    %dot_general3A_790 = tpu.matmul %max3A_785, %get3A_788, %dot_general3A_789 {dimension_numbers = #tpu.dot_dimension_numbers<[1], [0], [0], [1], [0, 0, 1, 1], [], []>, transpose_lhs_hint = false} : vector<256x64xf32>, vector<64x128xf32>, vector<256x128xf32> -> vector<256x128xf32>
    %max3A_791 = arith.constant 0.000000e+00 : f32
    %max3A_792 = vector.broadcast %max3A_791 : f32 to vector<256x128xf32>
    %max3A_793 = arith.maximumf %dot_general3A_790, %max3A_792 : vector<256x128xf32>
    %max3A_794 = arith.maximumf %max3A_768, %max3A_793 : vector<256x128xf32>
    %get3A_795 = arith.constant 30 : index
    %get3A_796 = arith.constant 0 : index
    %get3A_797 = arith.constant 0 : index
    %get3A_798 = vector.load %arg1[%get3A_795, %get3A_796, %get3A_797] : memref<32x256x64xf32, #tpu.memory_space<vmem>>, vector<1x256x64xf32>
    %get3A_799 = vector.shape_cast %get3A_798 : vector<1x256x64xf32> to vector<256x64xf32>
    %sub3A_800 = arith.subf %get3A_799, %add3A_18 : vector<256x64xf32>
    %max3A_801 = arith.constant 0.000000e+00 : f32
    %max3A_802 = vector.broadcast %max3A_801 : f32 to vector<256x64xf32>
    %max3A_803 = arith.maximumf %sub3A_800, %max3A_802 : vector<256x64xf32>
    %get3A_804 = arith.constant 0 : index
    %get3A_805 = arith.constant 0 : index
    %get3A_806 = vector.load %arg4[%get3A_804, %get3A_805] : memref<64x64xf32, #tpu.memory_space<vmem>>, vector<64x64xf32>
    %dot_general3A_807 = arith.constant dense<0.000000e+00> : vector<256x64xf32>
    %dot_general3A_808 = tpu.matmul %max3A_803, %get3A_806, %dot_general3A_807 {dimension_numbers = #tpu.dot_dimension_numbers<[1], [0], [0], [1], [0, 0, 1, 1], [], []>, transpose_lhs_hint = false} : vector<256x64xf32>, vector<64x64xf32>, vector<256x64xf32> -> vector<256x64xf32>
    %max3A_809 = arith.constant 0.000000e+00 : f32
    %max3A_810 = vector.broadcast %max3A_809 : f32 to vector<256x64xf32>
    %max3A_811 = arith.maximumf %dot_general3A_808, %max3A_810 : vector<256x64xf32>
    %get3A_812 = arith.constant 0 : index
    %get3A_813 = arith.constant 0 : index
    %get3A_814 = vector.load %arg5[%get3A_812, %get3A_813] : memref<64x128xf32, #tpu.memory_space<vmem>>, vector<64x128xf32>
    %dot_general3A_815 = arith.constant dense<0.000000e+00> : vector<256x128xf32>
    %dot_general3A_816 = tpu.matmul %max3A_811, %get3A_814, %dot_general3A_815 {dimension_numbers = #tpu.dot_dimension_numbers<[1], [0], [0], [1], [0, 0, 1, 1], [], []>, transpose_lhs_hint = false} : vector<256x64xf32>, vector<64x128xf32>, vector<256x128xf32> -> vector<256x128xf32>
    %max3A_817 = arith.constant 0.000000e+00 : f32
    %max3A_818 = vector.broadcast %max3A_817 : f32 to vector<256x128xf32>
    %max3A_819 = arith.maximumf %dot_general3A_816, %max3A_818 : vector<256x128xf32>
    %max3A_820 = arith.maximumf %max3A_794, %max3A_819 : vector<256x128xf32>
    %get3A_821 = arith.constant 31 : index
    %get3A_822 = arith.constant 0 : index
    %get3A_823 = arith.constant 0 : index
    %get3A_824 = vector.load %arg1[%get3A_821, %get3A_822, %get3A_823] : memref<32x256x64xf32, #tpu.memory_space<vmem>>, vector<1x256x64xf32>
    %get3A_825 = vector.shape_cast %get3A_824 : vector<1x256x64xf32> to vector<256x64xf32>
    %sub3A_826 = arith.subf %get3A_825, %add3A_18 : vector<256x64xf32>
    %max3A_827 = arith.constant 0.000000e+00 : f32
    %max3A_828 = vector.broadcast %max3A_827 : f32 to vector<256x64xf32>
    %max3A_829 = arith.maximumf %sub3A_826, %max3A_828 : vector<256x64xf32>
    %get3A_830 = arith.constant 0 : index
    %get3A_831 = arith.constant 0 : index
    %get3A_832 = vector.load %arg4[%get3A_830, %get3A_831] : memref<64x64xf32, #tpu.memory_space<vmem>>, vector<64x64xf32>
    %dot_general3A_833 = arith.constant dense<0.000000e+00> : vector<256x64xf32>
    %dot_general3A_834 = tpu.matmul %max3A_829, %get3A_832, %dot_general3A_833 {dimension_numbers = #tpu.dot_dimension_numbers<[1], [0], [0], [1], [0, 0, 1, 1], [], []>, transpose_lhs_hint = false} : vector<256x64xf32>, vector<64x64xf32>, vector<256x64xf32> -> vector<256x64xf32>
    %max3A_835 = arith.constant 0.000000e+00 : f32
    %max3A_836 = vector.broadcast %max3A_835 : f32 to vector<256x64xf32>
    %max3A_837 = arith.maximumf %dot_general3A_834, %max3A_836 : vector<256x64xf32>
    %get3A_838 = arith.constant 0 : index
    %get3A_839 = arith.constant 0 : index
    %get3A_840 = vector.load %arg5[%get3A_838, %get3A_839] : memref<64x128xf32, #tpu.memory_space<vmem>>, vector<64x128xf32>
    %dot_general3A_841 = arith.constant dense<0.000000e+00> : vector<256x128xf32>
    %dot_general3A_842 = tpu.matmul %max3A_837, %get3A_840, %dot_general3A_841 {dimension_numbers = #tpu.dot_dimension_numbers<[1], [0], [0], [1], [0, 0, 1, 1], [], []>, transpose_lhs_hint = false} : vector<256x64xf32>, vector<64x128xf32>, vector<256x128xf32> -> vector<256x128xf32>
    %max3A_843 = arith.constant 0.000000e+00 : f32
    %max3A_844 = vector.broadcast %max3A_843 : f32 to vector<256x128xf32>
    %max3A_845 = arith.maximumf %dot_general3A_842, %max3A_844 : vector<256x128xf32>
    %max3A_846 = arith.maximumf %max3A_820, %max3A_845 : vector<256x128xf32>
    %swap3A = arith.constant 0 : index
    %swap3A_847 = arith.constant 0 : index
    %swap3A_848 = vector.load %arg6[%swap3A, %swap3A_847] : memref<256x128xf32, #tpu.memory_space<vmem>>, vector<256x128xf32>
    tpu.vector_store %arg6[%swap3A, %swap3A_847], %max3A_846 {strides = array<i32>} : memref<256x128xf32, #tpu.memory_space<vmem>>, vector<256x128xf32>,
    return
  }
  func.func @transform_0(%arg0: i32) -> (i32, i32, i32) {
    %c0_i32 = arith.constant 0 : i32
    %c0_i32_0 = arith.constant 0 : i32
    %c0_i32_1 = arith.constant 0 : i32
    return %c0_i32, %arg0, %c0_i32_0 : i32, i32, i32
  }
  func.func @transform_1(%arg0: i32) -> (i32, i32) {
    %c0_i32 = arith.constant 0 : i32
    %c0_i32_0 = arith.constant 0 : i32
    return %arg0, %c0_i32 : i32, i32
  }
  func.func @transform_2(%arg0: i32) -> (i32, i32) {
    %c0_i32 = arith.constant 0 : i32
    %c0_i32_0 = arith.constant 0 : i32
    %c0_i32_1 = arith.constant 0 : i32
    return %c0_i32, %c0_i32_0 : i32, i32
  }
  func.func @transform_3(%arg0: i32) -> (i32, i32) {
    %c0_i32 = arith.constant 0 : i32
    %c0_i32_0 = arith.constant 0 : i32
    %c0_i32_1 = arith.constant 0 : i32
    return %c0_i32, %c0_i32_0 : i32, i32
  }
  func.func @transform_4(%arg0: i32) -> (i32, i32) {
    %c0_i32 = arith.constant 0 : i32
    %c0_i32_0 = arith.constant 0 : i32
    %c0_i32_1 = arith.constant 0 : i32
    return %c0_i32, %c0_i32_0 : i32, i32
  }
  func.func @transform_5(%arg0: i32) -> (i32, i32) {
    %c0_i32 = arith.constant 0 : i32
    %c0_i32_0 = arith.constant 0 : i32
    return %arg0, %c0_i32 : i32, i32
  }
}

</mosaic_0001>

<sc_bundles>
// kernel: kernel.6.cloned.1.call-start
scs
__scs_entry_jumppad:
0x0: {  	(pc) =	sbr.rel $0x88, $3  }
0x1: {  	(tag) =	ssettag $0x0;
	lr =	simm.s32 $0x1  }
0x2: {  	[smem:$0x3F9C] =	sst lr;
	_ =	strace $0xD0000000  }
0x3: {  	_ = 	snop  }
0x4: {  	_ = 	snop  }
0x5: {  	_ = 	snop  }
0x6: {  	_ = 	snop  }
0x7: {  	_ = 	snop  }
__scs_overlays_trampoline_lowered:
0x8: {  	[smem:$0x3FAB] =	sst s0  }
0x9: {  	[smem:$0x3FAC] =	sst s1  }
0xa: {  	[smem:$0x3FAD] =	sst s2  }
0xb: {  	[smem:$0x3FAE] =	sst s3  }
0xc: {  	[smem:$0x3FAF] =	sst s4  }
0xd: {  	[smem:$0x3FB0] =	sst s5  }
0xe: {  	[smem:$0x3FB1] =	sst s6  }
0xf: {  	[smem:$0x3FB2] =	sst s7  }
0x10: {  	[smem:$0x3FB3] =	sst s8  }
0x11: {  	[smem:$0x3FB4] =	sst s9;
	s0 =	simm.s32 @!p0 $0x0  }
0x12: {  	s1 =	sld [smem:$0x3F9A];
	s0 =	simm.s32 @p0 $0x1  }
0x13: {  	[smem:$0x3FB5] =	sst s0;
	s0 =	simm.s32 @!p1 $0x0  }
0x14: {  	s2 =	sld [smem:$0x3F99];
	s0 =	simm.s32 @p1 $0x1  }
0x15: {  	[smem:$0x3FB6] =	sst s0;
	s0 =	simm.s32 @!p2 $0x0  }
0x16: {  	s3 =	sld [smem:$0x3FDB];
	s0 =	simm.s32 @p2 $0x1  }
0x17: {  	s4 =	simm.s32 $0x1BF5;
	[smem:$0x3FB8] =	sst s0  }
0x18: {  	s0 =	sld [smem:$0x3F9B];
	_ =	swait.ge [sflag:s4], $0x0  }
0x19: {  	s7 =	sld [smem:$0x3F9C]  }
0x1a: {  	s8 =	sadd.s32 $0xFFFFE003, lr  }
0x1b: {  	s9 =	sadd.s32 $0xFFFFFEF7, lr;
	s5 =	simm.s32 $0xFFFFFFFF;
	p2 =	slt.u32 s8, $0xFFFFF086  }
0x1c: {  	p1 =	slt.u32 s9, $0xF7A;
	s5 =	simm.s32 @!p2 $0x0  }
0x1d: {  	s5 =	simm.s32 @p1 $0x1;
	p0 =	seq.s32 s7, s2  }
0x1e: {  	s7 =	smul.u32 @!p0 $0xF7A, s2;
	p2 =	seq.s32 @!p0 s5, $0x0  }
0x1f: {  	s9 =	smul.u32 $0xF7A, s1;
	s8 =	simm.s32 @!p0 $0x1BF5;
	p2 =	por !p2, p0  }
0x20: {  	[sflag:s8] =	ssyncset.s32 @!p0 $0xFFFFF086;
	s6 =	sadd.s32 @!p0 s3, s7;
	s7 =	simm.s32 @!p0 $0x108  }
0x21: {  	s3 =	sadd.s32 s3, s9;
	s6 =	sadd.s32 @!p0 $0x88, s6;
	s7 =	simm.s32 @p2 $0x1082  }
0x22: {  	[simem:s7], [sflag:s8] =	dma.local @!p0 [hbm:s6], $0xF7A  }
0x23: {  	s9 =	sor.u32 $0xD0000000, s2;
	s6 =	simm.s32 $0x108;
	_ =	swait.ge @!p0 [sflag:s8], $0x0  }
0x24: {  	s3 =	sadd.s32 $0x88, s3;
	s6 =	simm.s32 @!p1 $0x1082;
	[sflag:s4] =	ssyncset.s32 $0xFFFFF086  }
0x25: {  	[simem:s6], [sflag:s4] =	dma.local [hbm:s3], $0xF7A  }
0x26: {  	[smem:$0x3F9C] =	sst s1;
	(tag) =	ssettag s2;
	_ =	strace s9  }
0x27: {  	s1 =	sld [smem:$0x3FAC]  }
0x28: {  	s2 =	sld [smem:$0x3FAD]  }
0x29: {  	s4 =	sld [smem:$0x3FAF]  }
0x2a: {  	p0 =	seq.s32 s5, $0x0;
	s5 =	sld [smem:$0x3FB0]  }
0x2b: {  	s6 =	sld [smem:$0x3FB1]  }
0x2c: {  	s7 =	sld [smem:$0x3FB2]  }
0x2d: {  	s3 =	simm.s32 $0x108;
	s8 =	sld [smem:$0x3FB3]  }
0x2e: {  	s3 =	simm.s32 @!p0 $0x1082;
	s9 =	sld [smem:$0x3FB4]  }
0x2f: {  	lr =	sadd.s32 s0, s3;
	s0 =	sld [smem:$0x3FAB]  }
0x30: {  	s3 =	sld [smem:$0x3FAE]  }
0x31: {  	[smem:$0x3FB7] =	sst s10  }
0x32: {  	s10 =	sld [smem:$0x3FB5];
	_ =	sdelay $0x3  }
0x33: {  	p0 =	seq.s32 s10, $0x1;
	s10 =	sld [smem:$0x3FB7];
	_ =	sdelay $0x3  }
0x34: {  	[smem:$0x3FB7] =	sst s10  }
0x35: {  	s10 =	sld [smem:$0x3FB6];
	_ =	sdelay $0x3  }
0x36: {  	p1 =	seq.s32 s10, $0x1;
	s10 =	sld [smem:$0x3FB7];
	_ =	sdelay $0x3  }
0x37: {  	[smem:$0x3FB7] =	sst s10  }
0x38: {  	s10 =	sld [smem:$0x3FB8]  }
0x39: {  	_ = 	snop;
	(pc) =	sbr.ind lr, $3  }
0x3a: {  	_ = 	snop  }
0x3b: {  	_ = 	snop  }
0x3c: {  	p2 =	seq.s32 s10, $0x1;
	s10 =	sld [smem:$0x3FB7]  }
0x3d: {  	_ =	shalt  }
0x3e: {  	_ =	shalt  }
0x3f: {  	_ =	shalt  }
0x40: {  	_ =	shalt  }
0x41: {  	_ =	shalt  }
0x42: {  	_ =	shalt  }
0x43: {  	_ =	shalt  }
0x44: {  	_ =	shalt  }
0x45: {  	_ =	shalt  }
0x46: {  	_ =	shalt  }
0x47: {  	_ =	shalt  }
0x48: {  	_ =	shalt  }
0x49: {  	_ =	shalt  }
0x4a: {  	_ =	shalt  }
0x4b: {  	_ =	shalt  }
0x4c: {  	_ =	shalt  }
0x4d: {  	_ =	shalt  }
0x4e: {  	_ =	shalt  }
0x4f: {  	_ =	shalt  }
0x50: {  	_ =	shalt  }
0x51: {  	_ =	shalt  }
0x52: {  	_ =	shalt  }
0x53: {  	_ =	shalt  }
0x54: {  	_ =	shalt  }
0x55: {  	_ =	shalt  }
0x56: {  	_ =	shalt  }
0x57: {  	_ =	shalt  }
0x58: {  	_ =	shalt  }
0x59: {  	_ =	shalt  }
0x5a: {  	_ =	shalt  }
0x5b: {  	_ =	shalt  }
0x5c: {  	_ =	shalt  }
0x5d: {  	_ =	shalt  }
0x5e: {  	_ =	shalt  }
0x5f: {  	_ =	shalt  }
0x60: {  	_ =	shalt  }
0x61: {  	_ =	shalt  }
0x62: {  	_ =	shalt  }
0x63: {  	_ =	shalt  }
0x64: {  	_ =	shalt  }
0x65: {  	_ =	shalt  }
0x66: {  	_ =	shalt  }
0x67: {  	_ =	shalt  }
0x68: {  	_ =	shalt  }
0x69: {  	_ =	shalt  }
0x6a: {  	_ =	shalt  }
0x6b: {  	_ =	shalt  }
0x6c: {  	_ =	shalt  }
0x6d: {  	_ =	shalt  }
0x6e: {  	_ =	shalt  }
0x6f: {  	_ =	shalt  }
0x70: {  	_ =	shalt  }
0x71: {  	_ =	shalt  }
0x72: {  	_ =	shalt  }
0x73: {  	_ =	shalt  }
0x74: {  	_ =	shalt  }
0x75: {  	_ =	shalt  }
0x76: {  	_ =	shalt  }
0x77: {  	_ =	shalt  }
0x78: {  	_ =	shalt  }
0x79: {  	_ =	shalt  }
0x7a: {  	_ =	shalt  }
0x7b: {  	_ =	shalt  }
0x7c: {  	_ =	shalt  }
0x7d: {  	_ =	shalt  }
0x7e: {  	_ =	shalt  }
0x7f: {  	_ =	shalt  }
0x80: {  	_ =	shalt  }
0x81: {  	_ =	shalt  }
0x82: {  	_ =	shalt  }
0x83: {  	_ =	shalt  }
0x84: {  	_ =	shalt  }
0x85: {  	_ =	shalt  }
0x86: {  	_ =	shalt  }
0x87: {  	_ =	shalt  }
.Lfunc_end0:
.L_simem_size_0:
called_computation_lowered:
.L_overlay_start_0:
0x88: {  	s2 =	sld [smem:$0x3FD9]  }
0x89: {  	s3 =	sld [smem:$0x3FFE];
	_ =	sdelay $0x1  }
0x8a: {  	s1 =	srdreg.scid  }
0x8b: {  	s0 =	sand.u32 $0x1, s1  }
0x8c: {  	s14 =	sshll.u32 s0, $0xA;
	s2 =	sadd.s32 s3, s2  }
0x8d: {  	s2 =	sadd.s32 s2, s14  }
0x8e: {  	[smem:$0x3FC3] =	sst s2  }
0x8f: {  	_ = 	snop  }
0x90: {  	s2 =	sld [smem:$0x3FD0];
	_ =	sdelay $0x2  }
0x91: {  	s15 =	simm.s32 $0xA;
	s4 =	simm.s32 $0x10  }
0x92: {  	[smem:s4], [sflag:s15] =	dma.local [hbm:s2], $0x1  }
0x93: {  	_ =	swait.eq [sflag:s15], $0x1  }
0x94: {  	[sflag:s15] =	ssyncset.done $0x0  }
0x95: {  	[sflag:s15] =	ssyncadd.s32 $0xFFFFFFFF  }
0x96: {  	s16 =	sld [smem:$0x11];
	(tm) =	ssettm $0x1  }
0x97: {  	s17 =	sld [smem:$0x3FFB];
	_ =	sdelay $0x3  }
0x98: {  	_ =	strace s17  }
0x99: {  	s3 =	sld [smem:$0x3FFC];
	_ =	sdelay $0x3  }
0x9a: {  	_ =	strace s3  }
0x9b: {  	s3 =	sld [smem:$0x3FFD];
	_ =	sdelay $0x3  }
0x9c: {  	_ =	strace s3  }
0x9d: {  	_ =	strace $0x8FFFFFFF  }
0x9e: {  	s18 =	sld [smem:$0x3FDB];
	_ =	sdelay $0x1  }
0x9f: {  	s19 =	simm.s32 $_scs_section_size  }
0xa0: {  	s5 =	simm.s32 $_size__tile_overlayer_lowered;
	s6 =	simm.s32 $_tile_overlayer_lowered  }
0xa1: {  	s22 =	simm.s32 $0x1BFF;
	s21 =	sshll.u32 s6, $0x1;
	s3 =	sadd.s32 s19, s18  }
0xa2: {  	s7 =	simm.s32 $0x0;
	s20 =	sshll.u32 s5, $0x1;
	s5 =	sadd.s32 s21, s3  }
0xa3: {  	[timem:s7], [sflag:s22] =	dma.local [hbm:s5], s20  }
0xa4: {  	_ =	swait.ge [sflag:s22], s20  }
0xa5: {  	s4 =	ssub.s32 $0x0, s20;
	[sflag:s22] =	ssyncset.done $0x0  }
0xa6: {  	[sflag:s22] =	ssyncadd.s32 s4;
	_ =	sdelay $0x1  }
0xa7: {  	s23 =	simm.s32 $0x1B8B  }
0xa8: {  	_ =	swait.ge [sflag:s23], $0x1  }
0xa9: {  	[sflag:s23] =	ssyncset.done $0x0  }
0xaa: {  	s25 =	simm.s32 $0x1B8E;
	s24 =	sld [smem:$0x3FFE];
	[sflag:s23] =	ssyncadd.s32 $0xFFFFFFFF  }
0xab: {  	s26 =	simm.s32 $execute0_lowered;
	[smem:$0x3FD2] =	sst s25  }
0xac: {  	s5 =	sshll.u32 s26, $0x1;
	_ =	strace $0x80000046;
	[dreg:$0x1] =	wrdreg $0xFFFFFFFF  }
0xad: {  	s28 =	simm.s32 $_size_execute0_lowered;
	s3 =	sadd.s32 s3, s5;
	[dreg:$0x0] =	wrdreg $0x0  }
0xae: {  	s5 =	sshll.u32 s28, $0x1;
	[dreg:$0x2] =	wrdreg s3  }
0xaf: {  	[dreg:$0x3] =	wrdreg s5  }
0xb0: {  	[dreg:$0x4] =	wrdreg $0xC0  }
0xb1: {  	_ =	task [dreg:s7], $0x5FFFF  }
0xb2: {  	[dreg:$0x1] =	wrdreg $0xFFFFFFFF  }
0xb3: {  	[dreg:$0x0] =	wrdreg $0x60  }
0xb4: {  	[dreg:$0x2] =	wrdreg s24  }
0xb5: {  	[dreg:$0x3] =	wrdreg s16  }
0xb6: {  	[dreg:$0x4] =	wrdreg $0x9  }
0xb7: {  	_ =	task.clear_ibuf [dreg:s7], $0x5FFFF;
	_ =	strace $0x90000046  }
0xb8: {  	s29 =	simm.s32 $0x9;
	_ =	strace $0x80000048  }
0xb9: {  	_ =	swait.ge [sflag:s29], $0x1  }
0xba: {  	[sflag:s29] =	ssyncadd.s32 $0xFFFFFFFF  }
0xbb: {  	_ =	strace $0x90000048  }
0xbc: {  	_ =	sfence  }
0xbd: {  	s30 =	sld [smem:$0x0];
	_ =	sdelay $0x2  }
0xbe: {  	s31 =	sshll.u32 s1, $0xD;
	s1 =	sshrl.u32 s1, $0x2  }
0xbf: {  	s3 =	sand.u32 $0x4000, s31;
	s1 =	sadd.s32 s1, s30  }
0xc0: {  	s0 =	sor.u32 s3, s0;
	s1 =	sshll.u32 s1, $0x11  }
0xc1: {  	s0 =	sor.u32 s1, s0  }
0xc2: {  	s0 =	sadd.s32 $0x8F2B, s0  }
0xc3: {  	[sflag:s0] =	ssyncadd.remote.s32 $0x1  }
0xc4: {  	_ =	sfence.sel $0xFFFF  }
0xc5: {  	[dreg:$0x0] =	wrdreg $0xFFFFFFFF;
	(pc) =	sbr.abs _section_cstart, $3  }
0xc6: {  	[dreg:$0x1] =	wrdreg $0xFFFFFFFF  }
0xc7: {  	_ =	task.clear_ibuf [dreg:s7], $0x2FFFF;
	_ =	strace $0x9FFFFFFF  }
0xc8: {  	(tm) =	ssettm $0x7FFFFFFF  }
0xc9: {  	_ =	shalt  }
tec
execute0_lowered:
.L_overlay_start_1:
0x0: {  	(tag) =	ssettag $0x1  }
0x1: {  	s1 =	rddreg [dreg:$0x0]  }
0x2: {  	s0 =	rddreg [dreg:$0x1];
	s3 =	simm.s32 $0x0;
	s2 =	srdreg.scid  }
0x3: {  	s9 =	stileid.u32;
	s10 =	simm.s32 $0x80;
	s11 =	simm.s32 $0x2000  }
0x4: {  	s12 =	simm.s32 $0x4000;
	s14 =	simm.s32 $0x6000;
	s15 =	simm.s32 $0x180  }
0x5: {  	s16 =	simm.s32 $0x8000;
	s17 =	simm.s32 $0xA000;
	s18 =	simm.s32 $0xC000  }
0x6: {  	s19 =	simm.s32 $0xE000;
	s20 =	simm.s32 $0x10000;
	s21 =	simm.s32 $0x1  }
0x7: {  	s22 =	simm.s32 $0x2;
	s23 =	simm.s32 $0x1E00;
	s24 =	simm.s32 $0x1E80  }
0x8: {  	s25 =	simm.s32 $0x1F00;
	s26 =	simm.s32 $0x1F80;
	s28 =	simm.s32 $0x0  }
0x9: {  	[smem:$0x7FF] =	sst s3;
	s2 =	sand.u32 $0x1, s2;
	s4 =	sshll.u32 s9, $0x1  }
0xa: {  	s7 =	sadd.s32 $0x40000, s1;
	s31 =	sshll.u32 s9, $0x11;
	s9 =	simm.s32 $0x3  }
0xb: {  	_ =	strace $0x80000047;
	s5 =	ssub.s32 $0x2, s2;
	s6 =	sor.u32 s2, s4  }
0xc: {  	s2 =	sshll.u32 s2, $0x10;
	s29 =	sshrl.u32 s5, $0x1;
	s8 =	sshll.u32 s6, $0xA  }
0xd: {  	s30 =	sshll.u32 s6, $0x10;
	s5 =	ssub.s32 s5, s29;
	s4 =	sadd.s32 s0, s8  }
0xe: {  	s0 =	sadd.s32 s7, s30;
	s8 =	sadd.s32 s31, s7;
	s5 =	smax.u32 s5, $0x1  }
0xf: {  	s6 =	sadd.s32 $0xE000, s0;
	s7 =	sadd.s32 $0xF000, s0;
	s8 =	sadd.s32 s2, s8  }
.LBB2_1:
0x10: {  	[tilespmem:s3], [sflag:$0x3] =	stream.linear.gather [hbm4b:s4+s3], $0x2000, $0x38;
	[tilespmem:$0x12000] =	vst v63  }
0x11: {  	_ =	swait.ge [sflag:s9], $0x2000  }
0x12: {  	[sflag:s9] =	ssyncset.done $0x0  }
0x13: {  	[sflag:s9] =	ssyncadd.s32 $0xFFFFE000  }
0x14: {  	[tilespmem:s11], [sflag:$0x1] =	stream.indirect.gather [hbm4b:s1+s10], $0x40, s3, s10, $0xb8;
	[tilespmem:$0x12000] =	vst v63  }
0x15: {  	_ = 	snop  }
0x16: {  	[tilespmem:s12], [sflag:$0x1] =	stream.indirect.gather [hbm4b:s1+s10], $0x40, s10, s10, $0xb8;
	[tilespmem:$0x12000] =	vst v63  }
0x17: {  	s0 =	simm.s32 $0x100  }
0x18: {  	[tilespmem:s14], [sflag:$0x1] =	stream.indirect.gather [hbm4b:s1+s10], $0x40, s0, s10, $0xb8;
	[tilespmem:$0x12000] =	vst v63  }
0x19: {  	_ = 	snop  }
0x1a: {  	[tilespmem:s16], [sflag:$0x1] =	stream.indirect.gather [hbm4b:s1+s10], $0x40, s15, s10, $0xb8;
	[tilespmem:$0x12000] =	vst v63  }
0x1b: {  	s13 =	simm.s32 $0x200  }
0x1c: {  	[tilespmem:s17], [sflag:$0x2] =	stream.indirect.gather [hbm4b:s1+s10], $0x40, s13, s10, $0xb8;
	[tilespmem:$0x12000] =	vst v63  }
0x1d: {  	s2 =	simm.s32 $0x280  }
0x1e: {  	[tilespmem:s18], [sflag:$0x2] =	stream.indirect.gather [hbm4b:s1+s10], $0x40, s2, s10, $0xb8;
	[tilespmem:$0x12000] =	vst v63  }
0x1f: {  	s13 =	simm.s32 $0x300  }
0x20: {  	[tilespmem:s19], [sflag:$0x2] =	stream.indirect.gather [hbm4b:s1+s10], $0x40, s13, s10, $0xb8;
	[tilespmem:$0x12000] =	vst v63  }
0x21: {  	s2 =	simm.s32 $0x380  }
0x22: {  	[tilespmem:s20], [sflag:$0x2] =	stream.indirect.gather [hbm4b:s1+s10], $0x40, s2, s10, $0xb8;
	[tilespmem:$0x12000] =	vst v63  }
0x23: {  	_ =	swait.ge [sflag:s21], $0x2000  }
0x24: {  	[sflag:s21] =	ssyncset.done $0x0  }
0x25: {  	[sflag:s21] =	ssyncadd.s32 $0xFFFFE000  }
0x26: {  	_ =	swait.ge [sflag:s21], $0x2000  }
0x27: {  	[sflag:s21] =	ssyncset.done $0x0  }
0x28: {  	[sflag:s21] =	ssyncadd.s32 $0xFFFFE000  }
0x29: {  	_ =	swait.ge [sflag:s21], $0x2000  }
0x2a: {  	[sflag:s21] =	ssyncset.done $0x0  }
0x2b: {  	[sflag:s21] =	ssyncadd.s32 $0xFFFFE000  }
0x2c: {  	_ =	swait.ge [sflag:s21], $0x2000  }
0x2d: {  	[sflag:s21] =	ssyncset.done $0x0  }
0x2e: {  	[sflag:s21] =	ssyncadd.s32 $0xFFFFE000  }
0x2f: {  	[hbm4b:s8+s3] =	stream.linear.scatter [tilespmem:s11], [sflag:$0x3], $0x8000, $0x38;
	[tilespmem:$0x12000] =	vst v63  }
0x30: {  	_ =	swait.ge [sflag:s9], $0x8000  }
0x31: {  	[sflag:s9] =	ssyncset.done $0x0  }
0x32: {  	s13 =	simm.s32 $0x400;
	[sflag:s9] =	ssyncadd.s32 $0xFFFF8000  }
0x33: {  	[tilespmem:s11], [sflag:$0x1] =	stream.indirect.gather [hbm4b:s1+s10], $0x40, s13, s10, $0xb8;
	[tilespmem:$0x12000] =	vst v63  }
0x34: {  	s2 =	simm.s32 $0x480  }
0x35: {  	[tilespmem:s12], [sflag:$0x1] =	stream.indirect.gather [hbm4b:s1+s10], $0x40, s2, s10, $0xb8;
	[tilespmem:$0x12000] =	vst v63  }
0x36: {  	s13 =	simm.s32 $0x500  }
0x37: {  	[tilespmem:s14], [sflag:$0x1] =	stream.indirect.gather [hbm4b:s1+s10], $0x40, s13, s10, $0xb8;
	[tilespmem:$0x12000] =	vst v63  }
0x38: {  	s2 =	simm.s32 $0x580  }
0x39: {  	[tilespmem:s16], [sflag:$0x1] =	stream.indirect.gather [hbm4b:s1+s10], $0x40, s2, s10, $0xb8;
	[tilespmem:$0x12000] =	vst v63  }
0x3a: {  	_ =	swait.ge [sflag:s22], $0x2000  }
0x3b: {  	[sflag:s22] =	ssyncset.done $0x0  }
0x3c: {  	[sflag:s22] =	ssyncadd.s32 $0xFFFFE000  }
0x3d: {  	_ =	swait.ge [sflag:s22], $0x2000  }
0x3e: {  	[sflag:s22] =	ssyncset.done $0x0  }
0x3f: {  	[sflag:s22] =	ssyncadd.s32 $0xFFFFE000  }
0x40: {  	_ =	swait.ge [sflag:s22], $0x2000  }
0x41: {  	[sflag:s22] =	ssyncset.done $0x0  }
0x42: {  	[sflag:s22] =	ssyncadd.s32 $0xFFFFE000  }
0x43: {  	_ =	swait.ge [sflag:s22], $0x2000  }
0x44: {  	[sflag:s22] =	ssyncset.done $0x0  }
0x45: {  	s13 =	sadd.s32 $0x1000, s8;
	[sflag:s22] =	ssyncadd.s32 $0xFFFFE000  }
0x46: {  	[hbm4b:s13+s3] =	stream.linear.scatter [tilespmem:s17], [sflag:$0x3], $0x8000, $0x38;
	[tilespmem:$0x12000] =	vst v63  }
0x47: {  	s31 =	simm.s32 $0x2000;
	_ =	swait.ge [sflag:s9], $0x8000  }
0x48: {  	s30 =	simm.s32 $0x400;
	s29 =	sadd.s32 $0x2000, s8;
	[sflag:s9] =	ssyncset.done $0x0  }
.LBB2_2:
0x49: {  	s13 =	sadd.s32 $0x200, s30  }
0x4a: {  	[sflag:s9] =	ssyncadd.s32 $0xFFFF8000;
	s0 =	smov.u32 s31;
	s2 =	sadd.s32 $0x1000, s31  }
0x4b: {  	[tilespmem:s17], [sflag:$0x2] =	stream.indirect.gather [hbm4b:s1+s10], $0x40, s13, s10, $0xb8;
	[tilespmem:$0x12000] =	vst v63  }
0x4c: {  	p0 =	sne.s32 s31, $0x6000;
	s13 =	sadd.s32 $0x280, s30  }
0x4d: {  	[tilespmem:s18], [sflag:$0x2] =	stream.indirect.gather [hbm4b:s1+s10], $0x40, s13, s10, $0xb8;
	[tilespmem:$0x12000] =	vst v63  }
0x4e: {  	s13 =	sadd.s32 $0x300, s30  }
0x4f: {  	[tilespmem:s19], [sflag:$0x2] =	stream.indirect.gather [hbm4b:s1+s10], $0x40, s13, s10, $0xb8;
	[tilespmem:$0x12000] =	vst v63  }
0x50: {  	s13 =	sadd.s32 $0x380, s30  }
0x51: {  	[tilespmem:s20], [sflag:$0x2] =	stream.indirect.gather [hbm4b:s1+s10], $0x40, s13, s10, $0xb8;
	[tilespmem:$0x12000] =	vst v63  }
0x52: {  	_ =	swait.ge [sflag:s21], $0x2000  }
0x53: {  	[sflag:s21] =	ssyncset.done $0x0  }
0x54: {  	[sflag:s21] =	ssyncadd.s32 $0xFFFFE000  }
0x55: {  	_ =	swait.ge [sflag:s21], $0x2000  }
0x56: {  	[sflag:s21] =	ssyncset.done $0x0  }
0x57: {  	[sflag:s21] =	ssyncadd.s32 $0xFFFFE000  }
0x58: {  	_ =	swait.ge [sflag:s21], $0x2000  }
0x59: {  	[sflag:s21] =	ssyncset.done $0x0  }
0x5a: {  	[sflag:s21] =	ssyncadd.s32 $0xFFFFE000  }
0x5b: {  	_ =	swait.ge [sflag:s21], $0x2000  }
0x5c: {  	[sflag:s21] =	ssyncset.done $0x0  }
0x5d: {  	[sflag:s21] =	ssyncadd.s32 $0xFFFFE000  }
0x5e: {  	[hbm4b:s29+s3] =	stream.linear.scatter [tilespmem:s11], [sflag:$0x3], $0x8000, $0x38;
	[tilespmem:$0x12000] =	vst v63  }
0x5f: {  	_ =	swait.ge [sflag:s9], $0x8000  }
0x60: {  	[sflag:s9] =	ssyncset.done $0x0  }
0x61: {  	s13 =	sadd.s32 $0x400, s30;
	[sflag:s9] =	ssyncadd.s32 $0xFFFF8000  }
0x62: {  	[tilespmem:s11], [sflag:$0x1] =	stream.indirect.gather [hbm4b:s1+s10], $0x40, s13, s10, $0xb8;
	[tilespmem:$0x12000] =	vst v63  }
0x63: {  	s13 =	sadd.s32 $0x480, s30  }
0x64: {  	[tilespmem:s12], [sflag:$0x1] =	stream.indirect.gather [hbm4b:s1+s10], $0x40, s13, s10, $0xb8;
	[tilespmem:$0x12000] =	vst v63  }
0x65: {  	s13 =	sadd.s32 $0x500, s30  }
0x66: {  	[tilespmem:s14], [sflag:$0x1] =	stream.indirect.gather [hbm4b:s1+s10], $0x40, s13, s10, $0xb8;
	[tilespmem:$0x12000] =	vst v63  }
0x67: {  	s13 =	sadd.s32 $0x580, s30  }
0x68: {  	[tilespmem:s16], [sflag:$0x1] =	stream.indirect.gather [hbm4b:s1+s10], $0x40, s13, s10, $0xb8;
	[tilespmem:$0x12000] =	vst v63  }
0x69: {  	_ =	swait.ge [sflag:s22], $0x2000  }
0x6a: {  	[sflag:s22] =	ssyncset.done $0x0  }
0x6b: {  	[sflag:s22] =	ssyncadd.s32 $0xFFFFE000  }
0x6c: {  	_ =	swait.ge [sflag:s22], $0x2000  }
0x6d: {  	[sflag:s22] =	ssyncset.done $0x0  }
0x6e: {  	[sflag:s22] =	ssyncadd.s32 $0xFFFFE000  }
0x6f: {  	_ =	swait.ge [sflag:s22], $0x2000  }
0x70: {  	[sflag:s22] =	ssyncset.done $0x0  }
0x71: {  	[sflag:s22] =	ssyncadd.s32 $0xFFFFE000  }
0x72: {  	_ =	swait.ge [sflag:s22], $0x2000  }
.Ltmp0:
0x73: {  	[sflag:s22] =	ssyncset.done $0x0;
	(pc) =	sbr.rel @p0 .LBB2_2-.Ltmp0, $4  }
0x74: {  	s13 =	sadd.s32 $0x1000, s29;
	[sflag:s22] =	ssyncadd.s32 $0xFFFFE000  }
0x75: {  	[hbm4b:s13+s3] =	stream.linear.scatter [tilespmem:s17], [sflag:$0x3], $0x8000, $0x38;
	[tilespmem:$0x12000] =	vst v63  }
0x76: {  	s31 =	smov.u32 s2;
	_ =	swait.ge [sflag:s9], $0x8000  }
0x77: {  	s30 =	sshra.s32 s0, $0x2;
	s29 =	sadd.s32 $0x2000, s29;
	[sflag:s9] =	ssyncset.done $0x0  }
0x78: {  	s0 =	sadd.s32 $0x200, s30;
	[sflag:s9] =	ssyncadd.s32 $0xFFFF8000  }
0x79: {  	[tilespmem:s17], [sflag:$0x2] =	stream.indirect.gather [hbm4b:s1+s10], $0x40, s0, s10, $0xb8;
	[tilespmem:$0x12000] =	vst v63  }
0x7a: {  	s31 =	sadd.s32 $0x280, s30  }
0x7b: {  	[tilespmem:s18], [sflag:$0x2] =	stream.indirect.gather [hbm4b:s1+s10], $0x40, s31, s10, $0xb8;
	[tilespmem:$0x12000] =	vst v63  }
0x7c: {  	s2 =	sadd.s32 $0x300, s30  }
0x7d: {  	[tilespmem:s19], [sflag:$0x2] =	stream.indirect.gather [hbm4b:s1+s10], $0x40, s2, s10, $0xb8;
	[tilespmem:$0x12000] =	vst v63  }
0x7e: {  	s13 =	sadd.s32 $0x380, s30  }
0x7f: {  	[tilespmem:s20], [sflag:$0x2] =	stream.indirect.gather [hbm4b:s1+s10], $0x40, s13, s10, $0xb8;
	[tilespmem:$0x12000] =	vst v63  }
0x80: {  	_ =	swait.ge [sflag:s21], $0x2000  }
0x81: {  	[sflag:s21] =	ssyncset.done $0x0  }
0x82: {  	[sflag:s21] =	ssyncadd.s32 $0xFFFFE000  }
0x83: {  	_ =	swait.ge [sflag:s21], $0x2000  }
0x84: {  	[sflag:s21] =	ssyncset.done $0x0  }
0x85: {  	[sflag:s21] =	ssyncadd.s32 $0xFFFFE000  }
0x86: {  	_ =	swait.ge [sflag:s21], $0x2000  }
0x87: {  	[sflag:s21] =	ssyncset.done $0x0  }
0x88: {  	[sflag:s21] =	ssyncadd.s32 $0xFFFFE000  }
0x89: {  	_ =	swait.ge [sflag:s21], $0x2000  }
0x8a: {  	[sflag:s21] =	ssyncset.done $0x0  }
0x8b: {  	[sflag:s21] =	ssyncadd.s32 $0xFFFFE000  }
0x8c: {  	[hbm4b:s29+s3] =	stream.linear.scatter [tilespmem:s11], [sflag:$0x3], $0x8000, $0x38;
	[tilespmem:$0x12000] =	vst v63  }
0x8d: {  	_ =	swait.ge [sflag:s9], $0x8000  }
0x8e: {  	[sflag:s9] =	ssyncset.done $0x0  }
0x8f: {  	s31 =	sadd.s32 $0x400, s30;
	[sflag:s9] =	ssyncadd.s32 $0xFFFF8000  }
0x90: {  	[tilespmem:s11], [sflag:$0x1] =	stream.indirect.gather [hbm4b:s1+s10], $0x40, s31, s10, $0xb8;
	[tilespmem:$0x12000] =	vst v63  }
0x91: {  	s2 =	sadd.s32 $0x480, s30  }
0x92: {  	[tilespmem:s12], [sflag:$0x1] =	stream.indirect.gather [hbm4b:s1+s10], $0x40, s2, s10, $0xb8;
	[tilespmem:$0x12000] =	vst v63  }
0x93: {  	s13 =	sadd.s32 $0x500, s30  }
0x94: {  	[tilespmem:s14], [sflag:$0x1] =	stream.indirect.gather [hbm4b:s1+s10], $0x40, s13, s10, $0xb8;
	[tilespmem:$0x12000] =	vst v63  }
0x95: {  	s30 =	sadd.s32 $0x580, s30  }
0x96: {  	[tilespmem:s16], [sflag:$0x1] =	stream.indirect.gather [hbm4b:s1+s10], $0x40, s30, s10, $0xb8;
	[tilespmem:$0x12000] =	vst v63  }
0x97: {  	_ =	swait.ge [sflag:s22], $0x2000  }
0x98: {  	[sflag:s22] =	ssyncset.done $0x0  }
0x99: {  	[sflag:s22] =	ssyncadd.s32 $0xFFFFE000  }
0x9a: {  	_ =	swait.ge [sflag:s22], $0x2000  }
0x9b: {  	[sflag:s22] =	ssyncset.done $0x0  }
0x9c: {  	[sflag:s22] =	ssyncadd.s32 $0xFFFFE000  }
0x9d: {  	_ =	swait.ge [sflag:s22], $0x2000  }
0x9e: {  	[sflag:s22] =	ssyncset.done $0x0  }
0x9f: {  	[sflag:s22] =	ssyncadd.s32 $0xFFFFE000  }
0xa0: {  	_ =	swait.ge [sflag:s22], $0x2000  }
0xa1: {  	[sflag:s22] =	ssyncset.done $0x0  }
0xa2: {  	s31 =	sadd.s32 $0x1000, s29;
	[sflag:s22] =	ssyncadd.s32 $0xFFFFE000  }
0xa3: {  	[hbm4b:s31+s3] =	stream.linear.scatter [tilespmem:s17], [sflag:$0x3], $0x8000, $0x38;
	[tilespmem:$0x12000] =	vst v63  }
0xa4: {  	_ =	swait.ge [sflag:s9], $0x8000  }
0xa5: {  	[sflag:s9] =	ssyncset.done $0x0  }
0xa6: {  	[sflag:s9] =	ssyncadd.s32 $0xFFFF8000  }
0xa7: {  	[tilespmem:s17], [sflag:$0x2] =	stream.indirect.gather [hbm4b:s1+s10], $0x40, s23, s10, $0xb8;
	[tilespmem:$0x12000] =	vst v63  }
0xa8: {  	_ = 	snop  }
0xa9: {  	[tilespmem:s18], [sflag:$0x2] =	stream.indirect.gather [hbm4b:s1+s10], $0x40, s24, s10, $0xb8;
	[tilespmem:$0x12000] =	vst v63  }
0xaa: {  	_ = 	snop  }
0xab: {  	[tilespmem:s19], [sflag:$0x2] =	stream.indirect.gather [hbm4b:s1+s10], $0x40, s25, s10, $0xb8;
	[tilespmem:$0x12000] =	vst v63  }
0xac: {  	_ = 	snop  }
0xad: {  	[tilespmem:s20], [sflag:$0x2] =	stream.indirect.gather [hbm4b:s1+s10], $0x40, s26, s10, $0xb8;
	[tilespmem:$0x12000] =	vst v63  }
0xae: {  	_ =	swait.ge [sflag:s21], $0x2000  }
0xaf: {  	[sflag:s21] =	ssyncset.done $0x0  }
0xb0: {  	[sflag:s21] =	ssyncadd.s32 $0xFFFFE000  }
0xb1: {  	_ =	swait.ge [sflag:s21], $0x2000  }
0xb2: {  	[sflag:s21] =	ssyncset.done $0x0  }
0xb3: {  	[sflag:s21] =	ssyncadd.s32 $0xFFFFE000  }
0xb4: {  	_ =	swait.ge [sflag:s21], $0x2000  }
0xb5: {  	[sflag:s21] =	ssyncset.done $0x0  }
0xb6: {  	[sflag:s21] =	ssyncadd.s32 $0xFFFFE000  }
0xb7: {  	_ =	swait.ge [sflag:s21], $0x2000  }
0xb8: {  	[sflag:s21] =	ssyncset.done $0x0  }
0xb9: {  	[sflag:s21] =	ssyncadd.s32 $0xFFFFE000  }
0xba: {  	[hbm4b:s6+s3] =	stream.linear.scatter [tilespmem:s11], [sflag:$0x3], $0x8000, $0x38;
	[tilespmem:$0x12000] =	vst v63  }
0xbb: {  	_ =	swait.ge [sflag:s9], $0x8000  }
0xbc: {  	[sflag:s9] =	ssyncset.done $0x0  }
0xbd: {  	[sflag:s9] =	ssyncadd.s32 $0xFFFF8000  }
0xbe: {  	_ =	swait.ge [sflag:s22], $0x2000  }
0xbf: {  	[sflag:s22] =	ssyncset.done $0x0  }
0xc0: {  	[sflag:s22] =	ssyncadd.s32 $0xFFFFE000  }
0xc1: {  	_ =	swait.ge [sflag:s22], $0x2000  }
0xc2: {  	[sflag:s22] =	ssyncset.done $0x0  }
0xc3: {  	[sflag:s22] =	ssyncadd.s32 $0xFFFFE000  }
0xc4: {  	_ =	swait.ge [sflag:s22], $0x2000  }
0xc5: {  	[sflag:s22] =	ssyncset.done $0x0  }
0xc6: {  	[sflag:s22] =	ssyncadd.s32 $0xFFFFE000  }
0xc7: {  	s28 =	sadd.s32 $0x1, s28;
	_ =	swait.ge [sflag:s22], $0x2000  }
0xc8: {  	p0 =	sne.s32 s28, s5;
	[sflag:s22] =	ssyncset.done $0x0  }
.Ltmp1:
0xc9: {  	[sflag:s22] =	ssyncadd.s32 $0xFFFFE000;
	(pc) =	sbr.rel @p0 .LBB2_1-.Ltmp1, $4  }
0xca: {  	[hbm4b:s7+s3] =	stream.linear.scatter [tilespmem:s17], [sflag:$0x3], $0x8000, $0x38;
	[tilespmem:$0x12000] =	vst v63  }
0xcb: {  	_ =	swait.ge [sflag:s9], $0x8000  }
0xcc: {  	[sflag:s9] =	ssyncset.done $0x0  }
0xcd: {  	[sflag:s9] =	ssyncadd.s32 $0xFFFF8000  }
0xce: {  	_ =	sfence.sel $0x180000  }
0xcf: {  	[bflag:$0x0] =	sbarrier.arrive $0xFFFF  }
0xd0: {  	_ =	strace $0x90000047  }
0xd1: {  	s0 =	stileid.u32;
	[bflag:$0x2] =	sbarrier.arrive $0xFFFF  }
0xd2: {  	p0 =	sne.s32 s0, $0x0;
	s0 =	rddreg [dreg:$0x2]  }
0xd3: {  	s0 =	sadd.s32 @!p0 $0x100000, s0  }
0xd4: {  	[sflag:s0] =	ssyncadd.tile.s32 @!p0 $0x1;
	_ =	shalt  }
.Lfunc_end2:
_tile_overlayer_lowered:
.L_overlay_start_2:
0xd5: {  	(tag) =	ssettag $0x2  }
0xd6: {  	s0 =	rddreg [dreg:$0x0];
	s2 =	stileid.u32  }
0xd7: {  	s1 =	rddreg [dreg:$0x1];
	p0 =	sne.s32 s2, $0x0  }
0xd8: {  	s3 =	rddreg [dreg:$0x2];
	[bflag:$0x3] =	sbarrier.arrive $0xFFFF;
	s2 =	simm.s32 @!p0 $0x1C03  }
0xd9: {  	[timem:s3], [sflag:s2] =	dma.local @!p0 [hbm:s0], s1  }
0xda: {  	s0 =	simm.s32 @!p0 $0x3  }
0xdb: {  	_ =	swait.ge @!p0 [sflag:s0], s1  }
0xdc: {  	s1 =	ssub.s32 @!p0 $0x0, s1;
	[sflag:s0] =	ssyncset.done @!p0 $0x0  }
0xdd: {  	[sflag:s0] =	ssyncadd.s32 @!p0 s1  }
0xde: {  	[bflag:$0x3] =	sbarrier.arrive $0xFFFF  }
0xdf: {  	_ =	shalt  }

</sc_bundles>
